<compile_context>
chip_gen: v7x
topology: tpu7x:2x2x1
jax: 0.10.2.dev20260603
libtpu: 0.0.44.dev20260713+nightly
codegen_flags: <defaults>
</compile_context>

<pallas_src>
import functools

import jax
import jax.numpy as jnp
from jax import lax
from jax.experimental import pallas as pl
from jax.experimental.pallas import tpu as pltpu
from jax.experimental.pallas import tpu_sc as plsc

NC = 2
NS = 16
C = 128


def _sc_aggregate(x_list, src_list, dst_list, n_pad):
    n, d = x_list[0].shape
    e = src_list[0].shape[0]
    num_chunks = e // C
    per_core = num_chunks // NC
    rows_per_tile = n_pad // NS
    n_row_copies = rows_per_tile // C

    mesh = plsc.VectorSubcoreMesh(
        core_axis_name="c", subcore_axis_name="s", num_cores=NC, num_subcores=NS)

    @functools.partial(
        pl.kernel,
        out_type=(
            jax.ShapeDtypeStruct((3, NC, n_pad, d), jnp.float32),
            jax.ShapeDtypeStruct((3, NC, n_pad), jnp.float32),
        ),
        mesh=mesh,
        scratch_types=dict(
            src_v=pltpu.VMEM((C,), jnp.int32),
            dst_v=pltpu.VMEM((C,), jnp.int32),
            rows_v=pltpu.VMEM((C, d), jnp.float32),
            ones_v=pltpu.VMEM((C,), jnp.float32),
            zer_v=pltpu.VMEM((C, d), jnp.float32),
            zer1_v=pltpu.VMEM((rows_per_tile,), jnp.float32),
            acc_sh=pltpu.VMEM_SHARED((n_pad, d), jnp.float32),
            deg_sh=pltpu.VMEM_SHARED((n_pad,), jnp.float32),
            sem=pltpu.SemaphoreType.DMA,
        ),
    )
    def agg_kernel(x0, x1, x2, s0, s1, s2, d0, d1, d2, agg_out, deg_out,
                   src_v, dst_v, rows_v, ones_v, zer_v, zer1_v, acc_sh, deg_sh, sem):
        cid = lax.axis_index("c")
        sid = lax.axis_index("s")
        row_base = sid * rows_per_tile

        def fill_row(r, _):
            for k in range(d // 16):
                zer_v[r, pl.ds(k * 16, 16)] = jnp.zeros((16,), jnp.float32)
            return 0
        lax.fori_loop(0, C, fill_row, 0)
        for k in range(C // 16):
            ones_v[pl.ds(k * 16, 16)] = jnp.ones((16,), jnp.float32)
        for k in range(rows_per_tile // 16):
            zer1_v[pl.ds(k * 16, 16)] = jnp.zeros((16,), jnp.float32)

        rem = per_core % NS
        nchunks = jnp.where(sid < rem, per_core // NS + 1, per_core // NS)

        for g, (x_hbm, src_hbm, dst_hbm) in enumerate(
                ((x0, s0, d0), (x1, s1, d1), (x2, s2, d2))):
            for t in range(n_row_copies):
                pltpu.sync_copy(zer_v, acc_sh.at[pl.ds(row_base + t * C, C)])
            pltpu.sync_copy(zer1_v, deg_sh.at[pl.ds(row_base, rows_per_tile)])
            plsc.subcore_barrier()

            base_chunk = cid * per_core

            def body(i, _):
                off = (base_chunk + sid + i * NS) * C
                pltpu.sync_copy(src_hbm.at[pl.ds(off, C)], src_v)
                pltpu.sync_copy(dst_hbm.at[pl.ds(off, C)], dst_v)
                pltpu.async_copy(x_hbm.at[src_v], rows_v, sem).wait()
                pltpu.sync_copy(rows_v, acc_sh.at[dst_v], add=True)
                pltpu.sync_copy(ones_v, deg_sh.at[dst_v], add=True)
                return 0
            lax.fori_loop(0, nchunks, body, 0)
            plsc.subcore_barrier()

            for t in range(n_row_copies):
                pltpu.sync_copy(acc_sh.at[pl.ds(row_base + t * C, C)],
                                agg_out.at[g, cid, pl.ds(row_base + t * C, C)])
            pltpu.sync_copy(deg_sh.at[pl.ds(row_base, rows_per_tile)],
                            deg_out.at[g, cid, pl.ds(row_base, rows_per_tile)])
            plsc.subcore_barrier()

    return agg_kernel(*x_list, *src_list, *dst_list)


def _dense_body(x3_ref, agg_ref, deg_ref,
                wpn_ref, wps_ref, bpos_ref, wnn_ref, wns_ref, bneg_ref,
                w1_ref, b1_ref, w2_ref, b2_ref, w3_ref, b3_ref,
                o0_ref, o1_ref, o2_ref, o3_ref):
    f32 = jnp.float32
    x3 = x3_ref[...]
    agg = agg_ref[...]
    deg = deg_ref[...]

    means = []
    for g in range(3):
        asum = agg[2 * g] + agg[2 * g + 1]
        dsum = jnp.maximum(deg[:, 2 * g] + deg[:, 2 * g + 1], 1.0)
        means.append(asum / dsum[:, None])

    wpn = wpn_ref[...]; wps = wps_ref[...]; bpos = bpos_ref[...]
    wnn = wnn_ref[...]; wns = wns_ref[...]; bneg = bneg_ref[...]

    def gnn(mean, x, wn, ws, b):
        return jnp.tanh(jnp.dot(mean, wn, preferred_element_type=f32)
                        + jnp.dot(x, ws, preferred_element_type=f32) + b)

    h = [
        gnn(means[0], x3[0], wpn, wps, bpos),
        gnn(means[0], x3[0], wnn, wns, bneg),
        gnn(means[1], x3[1], wnn, wns, bneg),
        gnn(means[2], x3[2], wnn, wns, bneg),
    ]

    w1 = w1_ref[...]; b1 = b1_ref[...]
    w2 = w2_ref[...]; b2 = b2_ref[...]
    w3 = w3_ref[...]; b3 = b3_ref[...]
    outs = (o0_ref, o1_ref, o2_ref, o3_ref)
    for hi, o_ref in zip(h, outs):
        t1 = jnp.tanh(jnp.dot(hi, w1, preferred_element_type=f32) + b1)
        t2 = jnp.tanh(jnp.dot(t1, w2, preferred_element_type=f32) + b2)
        o_ref[...] = jnp.tanh(jnp.dot(t2, w3, preferred_element_type=f32) + b3)


def _dense(x3, agg6, deg6, wpn, wps, bpos, wnn, wns, bneg, w1, b1, w2, b2, w3, b3):
    n, d = x3.shape[1], x3.shape[2]
    bm = 1000
    grid = (n // bm,)
    d2 = w1.shape[1]
    do = w3.shape[1]

    const = lambda *shape: pl.BlockSpec(shape, lambda i: tuple(0 for _ in shape))
    out_shape = tuple(jax.ShapeDtypeStruct((n, do), jnp.float32) for _ in range(4))
    return pl.pallas_call(
        _dense_body,
        grid=grid,
        in_specs=[
            pl.BlockSpec((3, bm, d), lambda i: (0, i, 0)),
            pl.BlockSpec((6, bm, d), lambda i: (0, i, 0)),
            pl.BlockSpec((bm, 6), lambda i: (i, 0)),
            const(d, d), const(d, d), const(1, d),
            const(d, d), const(d, d), const(1, d),
            const(d, d2), const(1, d2),
            const(d2, d), const(1, d),
            const(d, do), const(1, do),
        ],
        out_specs=tuple(pl.BlockSpec((bm, do), lambda i: (i, 0)) for _ in range(4)),
        out_shape=out_shape,
    )(x3, agg6, deg6, wpn, wps, bpos.reshape(1, d), wnn, wns, bneg.reshape(1, d),
      w1, b1.reshape(1, d2), w2, b2.reshape(1, d), w3, b3.reshape(1, do))


def kernel(x_original, edge_index_original, x_pp, edge_index_pp, x_fm, edge_index_fm,
           W_pos_nbr, W_pos_self, b_pos, W_neg_nbr, W_neg_self, b_neg,
           W1, b1, W2, b2, W3, b3):
    n, d = x_original.shape
    n_pad = ((n + NS * C - 1) // (NS * C)) * (NS * C)

    xs = [x_original, x_pp, x_fm]
    srcs = [edge_index_original[0], edge_index_pp[0], edge_index_fm[0]]
    dsts = [edge_index_original[1], edge_index_pp[1], edge_index_fm[1]]

    agg_part, deg_part = _sc_aggregate(xs, srcs, dsts, n_pad)
    agg6 = agg_part[:, :, :n, :].reshape(3 * NC, n, d)
    deg6 = deg_part[:, :, :n].reshape(3 * NC, n).T
    x3 = jnp.stack(xs)

    outs = _dense(x3, agg6, deg6, W_pos_nbr, W_pos_self, b_pos,
                  W_neg_nbr, W_neg_self, b_neg, W1, b1, W2, b2, W3, b3)
    return tuple(outs)

# --- scband reference (transcript-rebuilt; emitter-appended) ---
"""Pipeline reference for scband-graph-cl-57131654972009 (READ-ONLY COPY).

The authoritative reference and input builder live on the scoring server;
editing this copy changes nothing except your own understanding.
"""

import jax, jax.numpy as jnp
import numpy as np

N = 10000
E = 320000
D = 128


def setup_inputs(seed: int = 0) -> dict:
    key = jax.random.key(seed)
    ks = jax.random.split(key, 24)
    inp = {}
    # forward args: three graph batches (x, edge_index)
    inp['x_original'] = jax.random.normal(ks[0], (N, D), dtype=jnp.float32)
    inp['edge_index_original'] = jax.random.randint(ks[1], (2, E), 0, N, dtype=jnp.int32)
    inp['x_pp'] = jax.random.normal(ks[2], (N, D), dtype=jnp.float32)
    inp['edge_index_pp'] = jax.random.randint(ks[3], (2, E), 0, N, dtype=jnp.int32)
    inp['x_fm'] = jax.random.normal(ks[4], (N, D), dtype=jnp.float32)
    inp['edge_index_fm'] = jax.random.randint(ks[5], (2, E), 0, N, dtype=jnp.int32)
    # pos_gnn parameters (mean-aggregation message passing layer, D -> D)
    s = 1.0 / np.sqrt(D)
    inp['W_pos_nbr'] = jax.random.normal(ks[6], (D, D), dtype=jnp.float32) * s
    inp['W_pos_self'] = jax.random.normal(ks[7], (D, D), dtype=jnp.float32) * s
    inp['b_pos'] = jnp.zeros((D,), dtype=jnp.float32)
    # neg_gnn parameters
    inp['W_neg_nbr'] = jax.random.normal(ks[8], (D, D), dtype=jnp.float32) * s
    inp['W_neg_self'] = jax.random.normal(ks[9], (D, D), dtype=jnp.float32) * s
    inp['b_neg'] = jnp.zeros((D,), dtype=jnp.float32)
    # MLP parameters: dims [D, 2D, D, 32] (attrs_dim=128 >= 32 triggers MLP)
    inp['W1'] = jax.random.normal(ks[10], (D, 2 * D), dtype=jnp.float32) * s
    inp['b1'] = jnp.zeros((2 * D,), dtype=jnp.float32)
    inp['W2'] = jax.random.normal(ks[11], (2 * D, D), dtype=jnp.float32) * (1.0 / np.sqrt(2 * D))
    inp['b2'] = jnp.zeros((D,), dtype=jnp.float32)
    inp['W3'] = jax.random.normal(ks[12], (D, 32), dtype=jnp.float32) * s
    inp['b3'] = jnp.zeros((32,), dtype=jnp.float32)
    return inp


def _gnn(x, edge_index, W_nbr, W_self, b):
    src = edge_index[0]
    dst = edge_index[1]
    msgs = jnp.take(x, src, axis=0)
    agg = jax.ops.segment_sum(msgs, dst, num_segments=N)
    deg = jax.ops.segment_sum(jnp.ones((src.shape[0],), x.dtype), dst, num_segments=N)
    mean = agg / jnp.clip(deg, 1.0)[:, None]
    return jnp.tanh(mean @ W_nbr + x @ W_self + b)


def _mlp(h, W1, b1, W2, b2, W3, b3):
    h = jnp.tanh(h @ W1 + b1)
    h = jnp.tanh(h @ W2 + b2)
    h = jnp.tanh(h @ W3 + b3)
    return h


def reference(x_original, edge_index_original, x_pp, edge_index_pp, x_fm, edge_index_fm,
              W_pos_nbr, W_pos_self, b_pos, W_neg_nbr, W_neg_self, b_neg,
              W1, b1, W2, b2, W3, b3):
    pos_orig = _gnn(x_original, edge_index_original, W_pos_nbr, W_pos_self, b_pos)
    neg_orig = _gnn(x_original, edge_index_original, W_neg_nbr, W_neg_self, b_neg)
    pp_emb = _gnn(x_pp, edge_index_pp, W_neg_nbr, W_neg_self, b_neg)
    fm_emb = _gnn(x_fm, edge_index_fm, W_neg_nbr, W_neg_self, b_neg)
    pos_orig = _mlp(pos_orig, W1, b1, W2, b2, W3, b3)
    neg_orig = _mlp(neg_orig, W1, b1, W2, b2, W3, b3)
    pp_emb = _mlp(pp_emb, W1, b1, W2, b2, W3, b3)
    fm_emb = _mlp(fm_emb, W1, b1, W2, b2, W3, b3)
    return (pos_orig, neg_orig, pp_emb, fm_emb)

if __name__ == "__main__":
    import jax
    _d = setup_inputs()
    print(jax.jit(kernel)(*tuple(_d.values())))

</pallas_src>

<mosaic_0001>
#map = affine_map<(d0, d1) -> (0, 0)>
#map1 = affine_map<(d0, d1) -> (0)>
#map2 = affine_map<(d0, d1) -> (0, 0, 0, 0)>
#map3 = affine_map<(d0, d1) -> (0, 0, 0)>
module attributes {stable_mosaic.version = 14 : i64} {
  func.func @agg_kernel(%arg0: i32, %arg1: i32, %arg2: memref<10000x128xf32, #tpu.memory_space<hbm>>, %arg3: memref<10000x128xf32, #tpu.memory_space<hbm>>, %arg4: memref<10000x128xf32, #tpu.memory_space<hbm>>, %arg5: memref<320000xi32, #tpu.memory_space<hbm>>, %arg6: memref<320000xi32, #tpu.memory_space<hbm>>, %arg7: memref<320000xi32, #tpu.memory_space<hbm>>, %arg8: memref<320000xi32, #tpu.memory_space<hbm>>, %arg9: memref<320000xi32, #tpu.memory_space<hbm>>, %arg10: memref<320000xi32, #tpu.memory_space<hbm>>, %arg11: memref<3x2x10240x128xf32, #tpu.memory_space<hbm>>, %arg12: memref<3x2x10240xf32, #tpu.memory_space<hbm>>, %arg13: memref<10240x128xf32, #tpu.memory_space<vmem_shared>>, %arg14: memref<10240xf32, #tpu.memory_space<vmem_shared>>, %arg15: memref<128xi32, #tpu.memory_space<vmem>>, %arg16: memref<128xf32, #tpu.memory_space<vmem>>, %arg17: memref<128x128xf32, #tpu.memory_space<vmem>>, %arg18: memref<!tpu.dma_semaphore, #tpu.memory_space<semaphore_mem>>, %arg19: memref<128xi32, #tpu.memory_space<vmem>>, %arg20: memref<640xf32, #tpu.memory_space<vmem>>, %arg21: memref<128x128xf32, #tpu.memory_space<vmem>>) attributes {dimension_semantics = [#tpu.dimension_semantics<core_parallel>, #tpu.dimension_semantics<subcore_parallel>], iteration_bounds = array<i64: 2, 16>, scalar_prefetch = 0 : i64, scratch_operands = 9 : i64, tpu.core_type = #tpu.core_type<sc_vector_subcore>, window_params = [{transform_indices = #map}, {transform_indices = #map}, {transform_indices = #map}, {transform_indices = #map1}, {transform_indices = #map1}, {transform_indices = #map1}, {transform_indices = #map1}, {transform_indices = #map1}, {transform_indices = #map1}, {transform_indices = #map2}, {transform_indices = #map3}]} {
    %mul3A = arith.constant 640 : i32
    %mul3A_0 = arith.muli %arg1, %mul3A : i32
    %scan3A = arith.constant 0 : i32
    %scan3A_1 = arith.constant 0 : i32
    %scan3A_2 = arith.constant 128 : i32
    %scan3A_3 = arith.addi %scan3A_1, %scan3A_2 : i32
    %scan3A_4 = arith.constant 1 : i32
    %scan3A_5 = scf.for %scan3A_450 = %scan3A_1 to %scan3A_3 step %scan3A_4 iter_args(%scan3A_451 = %scan3A) -> (i32)  : i32 {
      %broadcast_in_dim3A_452 = arith.constant 0.000000e+00 : f32
      %broadcast_in_dim3A_453 = vector.broadcast %broadcast_in_dim3A_452 : f32 to vector<16xf32>
      %swap3A_454 = arith.index_cast %scan3A_450 : i32 to index
      %swap3A_455 = arith.constant 0 : index
      %swap3A_456 = tpu.vector_load %arg21[%swap3A_454, %swap3A_455] {strides = array<i32>} : memref<128x128xf32, #tpu.memory_space<vmem>>, vector<1x16xf32>,
      %swap3A_457 = vector.shape_cast %swap3A_456 : vector<1x16xf32> to vector<16xf32>
      %swap3A_458 = vector.shape_cast %broadcast_in_dim3A_453 : vector<16xf32> to vector<1x16xf32>
      tpu.vector_store %arg21[%swap3A_454, %swap3A_455], %swap3A_458 {strides = array<i32>} : memref<128x128xf32, #tpu.memory_space<vmem>>, vector<1x16xf32>,
      %broadcast_in_dim3A_459 = arith.constant 0.000000e+00 : f32
      %broadcast_in_dim3A_460 = vector.broadcast %broadcast_in_dim3A_459 : f32 to vector<16xf32>
      %swap3A_461 = arith.index_cast %scan3A_450 : i32 to index
      %swap3A_462 = arith.constant 16 : index
      %swap3A_463 = tpu.vector_load %arg21[%swap3A_461, %swap3A_462] {strides = array<i32>} : memref<128x128xf32, #tpu.memory_space<vmem>>, vector<1x16xf32>,
      %swap3A_464 = vector.shape_cast %swap3A_463 : vector<1x16xf32> to vector<16xf32>
      %swap3A_465 = vector.shape_cast %broadcast_in_dim3A_460 : vector<16xf32> to vector<1x16xf32>
      tpu.vector_store %arg21[%swap3A_461, %swap3A_462], %swap3A_465 {strides = array<i32>} : memref<128x128xf32, #tpu.memory_space<vmem>>, vector<1x16xf32>,
      %broadcast_in_dim3A_466 = arith.constant 0.000000e+00 : f32
      %broadcast_in_dim3A_467 = vector.broadcast %broadcast_in_dim3A_466 : f32 to vector<16xf32>
      %swap3A_468 = arith.index_cast %scan3A_450 : i32 to index
      %swap3A_469 = arith.constant 32 : index
      %swap3A_470 = tpu.vector_load %arg21[%swap3A_468, %swap3A_469] {strides = array<i32>} : memref<128x128xf32, #tpu.memory_space<vmem>>, vector<1x16xf32>,
      %swap3A_471 = vector.shape_cast %swap3A_470 : vector<1x16xf32> to vector<16xf32>
      %swap3A_472 = vector.shape_cast %broadcast_in_dim3A_467 : vector<16xf32> to vector<1x16xf32>
      tpu.vector_store %arg21[%swap3A_468, %swap3A_469], %swap3A_472 {strides = array<i32>} : memref<128x128xf32, #tpu.memory_space<vmem>>, vector<1x16xf32>,
      %broadcast_in_dim3A_473 = arith.constant 0.000000e+00 : f32
      %broadcast_in_dim3A_474 = vector.broadcast %broadcast_in_dim3A_473 : f32 to vector<16xf32>
      %swap3A_475 = arith.index_cast %scan3A_450 : i32 to index
      %swap3A_476 = arith.constant 48 : index
      %swap3A_477 = tpu.vector_load %arg21[%swap3A_475, %swap3A_476] {strides = array<i32>} : memref<128x128xf32, #tpu.memory_space<vmem>>, vector<1x16xf32>,
      %swap3A_478 = vector.shape_cast %swap3A_477 : vector<1x16xf32> to vector<16xf32>
      %swap3A_479 = vector.shape_cast %broadcast_in_dim3A_474 : vector<16xf32> to vector<1x16xf32>
      tpu.vector_store %arg21[%swap3A_475, %swap3A_476], %swap3A_479 {strides = array<i32>} : memref<128x128xf32, #tpu.memory_space<vmem>>, vector<1x16xf32>,
      %broadcast_in_dim3A_480 = arith.constant 0.000000e+00 : f32
      %broadcast_in_dim3A_481 = vector.broadcast %broadcast_in_dim3A_480 : f32 to vector<16xf32>
      %swap3A_482 = arith.index_cast %scan3A_450 : i32 to index
      %swap3A_483 = arith.constant 64 : index
      %swap3A_484 = tpu.vector_load %arg21[%swap3A_482, %swap3A_483] {strides = array<i32>} : memref<128x128xf32, #tpu.memory_space<vmem>>, vector<1x16xf32>,
      %swap3A_485 = vector.shape_cast %swap3A_484 : vector<1x16xf32> to vector<16xf32>
      %swap3A_486 = vector.shape_cast %broadcast_in_dim3A_481 : vector<16xf32> to vector<1x16xf32>
      tpu.vector_store %arg21[%swap3A_482, %swap3A_483], %swap3A_486 {strides = array<i32>} : memref<128x128xf32, #tpu.memory_space<vmem>>, vector<1x16xf32>,
      %broadcast_in_dim3A_487 = arith.constant 0.000000e+00 : f32
      %broadcast_in_dim3A_488 = vector.broadcast %broadcast_in_dim3A_487 : f32 to vector<16xf32>
      %swap3A_489 = arith.index_cast %scan3A_450 : i32 to index
      %swap3A_490 = arith.constant 80 : index
      %swap3A_491 = tpu.vector_load %arg21[%swap3A_489, %swap3A_490] {strides = array<i32>} : memref<128x128xf32, #tpu.memory_space<vmem>>, vector<1x16xf32>,
      %swap3A_492 = vector.shape_cast %swap3A_491 : vector<1x16xf32> to vector<16xf32>
      %swap3A_493 = vector.shape_cast %broadcast_in_dim3A_488 : vector<16xf32> to vector<1x16xf32>
      tpu.vector_store %arg21[%swap3A_489, %swap3A_490], %swap3A_493 {strides = array<i32>} : memref<128x128xf32, #tpu.memory_space<vmem>>, vector<1x16xf32>,
      %broadcast_in_dim3A_494 = arith.constant 0.000000e+00 : f32
      %broadcast_in_dim3A_495 = vector.broadcast %broadcast_in_dim3A_494 : f32 to vector<16xf32>
      %swap3A_496 = arith.index_cast %scan3A_450 : i32 to index
      %swap3A_497 = arith.constant 96 : index
      %swap3A_498 = tpu.vector_load %arg21[%swap3A_496, %swap3A_497] {strides = array<i32>} : memref<128x128xf32, #tpu.memory_space<vmem>>, vector<1x16xf32>,
      %swap3A_499 = vector.shape_cast %swap3A_498 : vector<1x16xf32> to vector<16xf32>
      %swap3A_500 = vector.shape_cast %broadcast_in_dim3A_495 : vector<16xf32> to vector<1x16xf32>
      tpu.vector_store %arg21[%swap3A_496, %swap3A_497], %swap3A_500 {strides = array<i32>} : memref<128x128xf32, #tpu.memory_space<vmem>>, vector<1x16xf32>,
      %broadcast_in_dim3A_501 = arith.constant 0.000000e+00 : f32
      %broadcast_in_dim3A_502 = vector.broadcast %broadcast_in_dim3A_501 : f32 to vector<16xf32>
      %swap3A_503 = arith.index_cast %scan3A_450 : i32 to index
      %swap3A_504 = arith.constant 112 : index
      %swap3A_505 = tpu.vector_load %arg21[%swap3A_503, %swap3A_504] {strides = array<i32>} : memref<128x128xf32, #tpu.memory_space<vmem>>, vector<1x16xf32>,
      %swap3A_506 = vector.shape_cast %swap3A_505 : vector<1x16xf32> to vector<16xf32>
      %swap3A_507 = vector.shape_cast %broadcast_in_dim3A_502 : vector<16xf32> to vector<1x16xf32>
      tpu.vector_store %arg21[%swap3A_503, %swap3A_504], %swap3A_507 {strides = array<i32>} : memref<128x128xf32, #tpu.memory_space<vmem>>, vector<1x16xf32>,
      %scan3A_508 = arith.constant 0 : i32
      scf.yield %scan3A_508 : i32
    }
    %scan3A_6 = arith.constant 128 : i32
    %broadcast_in_dim3A = arith.constant 1.000000e+00 : f32
    %broadcast_in_dim3A_7 = vector.broadcast %broadcast_in_dim3A : f32 to vector<16xf32>
    %swap3A = arith.constant 0 : index
    %swap3A_8 = tpu.vector_load %arg16[%swap3A] {strides = array<i32>} : memref<128xf32, #tpu.memory_space<vmem>>, vector<16xf32>,
    %swap3A_9 = vector.shape_cast %swap3A_8 : vector<16xf32> to vector<16xf32>
    %swap3A_10 = vector.shape_cast %broadcast_in_dim3A_7 : vector<16xf32> to vector<16xf32>
    tpu.vector_store %arg16[%swap3A], %swap3A_10 {strides = array<i32>} : memref<128xf32, #tpu.memory_space<vmem>>, vector<16xf32>,
    %broadcast_in_dim3A_11 = arith.constant 1.000000e+00 : f32
    %broadcast_in_dim3A_12 = vector.broadcast %broadcast_in_dim3A_11 : f32 to vector<16xf32>
    %swap3A_13 = arith.constant 16 : index
    %swap3A_14 = tpu.vector_load %arg16[%swap3A_13] {strides = array<i32>} : memref<128xf32, #tpu.memory_space<vmem>>, vector<16xf32>,
    %swap3A_15 = vector.shape_cast %swap3A_14 : vector<16xf32> to vector<16xf32>
    %swap3A_16 = vector.shape_cast %broadcast_in_dim3A_12 : vector<16xf32> to vector<16xf32>
    tpu.vector_store %arg16[%swap3A_13], %swap3A_16 {strides = array<i32>} : memref<128xf32, #tpu.memory_space<vmem>>, vector<16xf32>,
    %broadcast_in_dim3A_17 = arith.constant 1.000000e+00 : f32
    %broadcast_in_dim3A_18 = vector.broadcast %broadcast_in_dim3A_17 : f32 to vector<16xf32>
    %swap3A_19 = arith.constant 32 : index
    %swap3A_20 = tpu.vector_load %arg16[%swap3A_19] {strides = array<i32>} : memref<128xf32, #tpu.memory_space<vmem>>, vector<16xf32>,
    %swap3A_21 = vector.shape_cast %swap3A_20 : vector<16xf32> to vector<16xf32>
    %swap3A_22 = vector.shape_cast %broadcast_in_dim3A_18 : vector<16xf32> to vector<16xf32>
    tpu.vector_store %arg16[%swap3A_19], %swap3A_22 {strides = array<i32>} : memref<128xf32, #tpu.memory_space<vmem>>, vector<16xf32>,
    %broadcast_in_dim3A_23 = arith.constant 1.000000e+00 : f32
    %broadcast_in_dim3A_24 = vector.broadcast %broadcast_in_dim3A_23 : f32 to vector<16xf32>
    %swap3A_25 = arith.constant 48 : index
    %swap3A_26 = tpu.vector_load %arg16[%swap3A_25] {strides = array<i32>} : memref<128xf32, #tpu.memory_space<vmem>>, vector<16xf32>,
    %swap3A_27 = vector.shape_cast %swap3A_26 : vector<16xf32> to vector<16xf32>
    %swap3A_28 = vector.shape_cast %broadcast_in_dim3A_24 : vector<16xf32> to vector<16xf32>
    tpu.vector_store %arg16[%swap3A_25], %swap3A_28 {strides = array<i32>} : memref<128xf32, #tpu.memory_space<vmem>>, vector<16xf32>,
    %broadcast_in_dim3A_29 = arith.constant 1.000000e+00 : f32
    %broadcast_in_dim3A_30 = vector.broadcast %broadcast_in_dim3A_29 : f32 to vector<16xf32>
    %swap3A_31 = arith.constant 64 : index
    %swap3A_32 = tpu.vector_load %arg16[%swap3A_31] {strides = array<i32>} : memref<128xf32, #tpu.memory_space<vmem>>, vector<16xf32>,
    %swap3A_33 = vector.shape_cast %swap3A_32 : vector<16xf32> to vector<16xf32>
    %swap3A_34 = vector.shape_cast %broadcast_in_dim3A_30 : vector<16xf32> to vector<16xf32>
    tpu.vector_store %arg16[%swap3A_31], %swap3A_34 {strides = array<i32>} : memref<128xf32, #tpu.memory_space<vmem>>, vector<16xf32>,
    %broadcast_in_dim3A_35 = arith.constant 1.000000e+00 : f32
    %broadcast_in_dim3A_36 = vector.broadcast %broadcast_in_dim3A_35 : f32 to vector<16xf32>
    %swap3A_37 = arith.constant 80 : index
    %swap3A_38 = tpu.vector_load %arg16[%swap3A_37] {strides = array<i32>} : memref<128xf32, #tpu.memory_space<vmem>>, vector<16xf32>,
    %swap3A_39 = vector.shape_cast %swap3A_38 : vector<16xf32> to vector<16xf32>
    %swap3A_40 = vector.shape_cast %broadcast_in_dim3A_36 : vector<16xf32> to vector<16xf32>
    tpu.vector_store %arg16[%swap3A_37], %swap3A_40 {strides = array<i32>} : memref<128xf32, #tpu.memory_space<vmem>>, vector<16xf32>,
    %broadcast_in_dim3A_41 = arith.constant 1.000000e+00 : f32
    %broadcast_in_dim3A_42 = vector.broadcast %broadcast_in_dim3A_41 : f32 to vector<16xf32>
    %swap3A_43 = arith.constant 96 : index
    %swap3A_44 = tpu.vector_load %arg16[%swap3A_43] {strides = array<i32>} : memref<128xf32, #tpu.memory_space<vmem>>, vector<16xf32>,
    %swap3A_45 = vector.shape_cast %swap3A_44 : vector<16xf32> to vector<16xf32>
    %swap3A_46 = vector.shape_cast %broadcast_in_dim3A_42 : vector<16xf32> to vector<16xf32>
    tpu.vector_store %arg16[%swap3A_43], %swap3A_46 {strides = array<i32>} : memref<128xf32, #tpu.memory_space<vmem>>, vector<16xf32>,
    %broadcast_in_dim3A_47 = arith.constant 1.000000e+00 : f32
    %broadcast_in_dim3A_48 = vector.broadcast %broadcast_in_dim3A_47 : f32 to vector<16xf32>
    %swap3A_49 = arith.constant 112 : index
    %swap3A_50 = tpu.vector_load %arg16[%swap3A_49] {strides = array<i32>} : memref<128xf32, #tpu.memory_space<vmem>>, vector<16xf32>,
    %swap3A_51 = vector.shape_cast %swap3A_50 : vector<16xf32> to vector<16xf32>
    %swap3A_52 = vector.shape_cast %broadcast_in_dim3A_48 : vector<16xf32> to vector<16xf32>
    tpu.vector_store %arg16[%swap3A_49], %swap3A_52 {strides = array<i32>} : memref<128xf32, #tpu.memory_space<vmem>>, vector<16xf32>,
    %broadcast_in_dim3A_53 = arith.constant 0.000000e+00 : f32
    %broadcast_in_dim3A_54 = vector.broadcast %broadcast_in_dim3A_53 : f32 to vector<16xf32>
    %swap3A_55 = arith.constant 0 : index
    %swap3A_56 = tpu.vector_load %arg20[%swap3A_55] {strides = array<i32>} : memref<640xf32, #tpu.memory_space<vmem>>, vector<16xf32>,
    %swap3A_57 = vector.shape_cast %swap3A_56 : vector<16xf32> to vector<16xf32>
    %swap3A_58 = vector.shape_cast %broadcast_in_dim3A_54 : vector<16xf32> to vector<16xf32>
    tpu.vector_store %arg20[%swap3A_55], %swap3A_58 {strides = array<i32>} : memref<640xf32, #tpu.memory_space<vmem>>, vector<16xf32>,
    %broadcast_in_dim3A_59 = arith.constant 0.000000e+00 : f32
    %broadcast_in_dim3A_60 = vector.broadcast %broadcast_in_dim3A_59 : f32 to vector<16xf32>
    %swap3A_61 = arith.constant 16 : index
    %swap3A_62 = tpu.vector_load %arg20[%swap3A_61] {strides = array<i32>} : memref<640xf32, #tpu.memory_space<vmem>>, vector<16xf32>,
    %swap3A_63 = vector.shape_cast %swap3A_62 : vector<16xf32> to vector<16xf32>
    %swap3A_64 = vector.shape_cast %broadcast_in_dim3A_60 : vector<16xf32> to vector<16xf32>
    tpu.vector_store %arg20[%swap3A_61], %swap3A_64 {strides = array<i32>} : memref<640xf32, #tpu.memory_space<vmem>>, vector<16xf32>,
    %broadcast_in_dim3A_65 = arith.constant 0.000000e+00 : f32
    %broadcast_in_dim3A_66 = vector.broadcast %broadcast_in_dim3A_65 : f32 to vector<16xf32>
    %swap3A_67 = arith.constant 32 : index
    %swap3A_68 = tpu.vector_load %arg20[%swap3A_67] {strides = array<i32>} : memref<640xf32, #tpu.memory_space<vmem>>, vector<16xf32>,
    %swap3A_69 = vector.shape_cast %swap3A_68 : vector<16xf32> to vector<16xf32>
    %swap3A_70 = vector.shape_cast %broadcast_in_dim3A_66 : vector<16xf32> to vector<16xf32>
    tpu.vector_store %arg20[%swap3A_67], %swap3A_70 {strides = array<i32>} : memref<640xf32, #tpu.memory_space<vmem>>, vector<16xf32>,
    %broadcast_in_dim3A_71 = arith.constant 0.000000e+00 : f32
    %broadcast_in_dim3A_72 = vector.broadcast %broadcast_in_dim3A_71 : f32 to vector<16xf32>
    %swap3A_73 = arith.constant 48 : index
    %swap3A_74 = tpu.vector_load %arg20[%swap3A_73] {strides = array<i32>} : memref<640xf32, #tpu.memory_space<vmem>>, vector<16xf32>,
    %swap3A_75 = vector.shape_cast %swap3A_74 : vector<16xf32> to vector<16xf32>
    %swap3A_76 = vector.shape_cast %broadcast_in_dim3A_72 : vector<16xf32> to vector<16xf32>
    tpu.vector_store %arg20[%swap3A_73], %swap3A_76 {strides = array<i32>} : memref<640xf32, #tpu.memory_space<vmem>>, vector<16xf32>,
    %broadcast_in_dim3A_77 = arith.constant 0.000000e+00 : f32
    %broadcast_in_dim3A_78 = vector.broadcast %broadcast_in_dim3A_77 : f32 to vector<16xf32>
    %swap3A_79 = arith.constant 64 : index
    %swap3A_80 = tpu.vector_load %arg20[%swap3A_79] {strides = array<i32>} : memref<640xf32, #tpu.memory_space<vmem>>, vector<16xf32>,
    %swap3A_81 = vector.shape_cast %swap3A_80 : vector<16xf32> to vector<16xf32>
    %swap3A_82 = vector.shape_cast %broadcast_in_dim3A_78 : vector<16xf32> to vector<16xf32>
    tpu.vector_store %arg20[%swap3A_79], %swap3A_82 {strides = array<i32>} : memref<640xf32, #tpu.memory_space<vmem>>, vector<16xf32>,
    %broadcast_in_dim3A_83 = arith.constant 0.000000e+00 : f32
    %broadcast_in_dim3A_84 = vector.broadcast %broadcast_in_dim3A_83 : f32 to vector<16xf32>
    %swap3A_85 = arith.constant 80 : index
    %swap3A_86 = tpu.vector_load %arg20[%swap3A_85] {strides = array<i32>} : memref<640xf32, #tpu.memory_space<vmem>>, vector<16xf32>,
    %swap3A_87 = vector.shape_cast %swap3A_86 : vector<16xf32> to vector<16xf32>
    %swap3A_88 = vector.shape_cast %broadcast_in_dim3A_84 : vector<16xf32> to vector<16xf32>
    tpu.vector_store %arg20[%swap3A_85], %swap3A_88 {strides = array<i32>} : memref<640xf32, #tpu.memory_space<vmem>>, vector<16xf32>,
    %broadcast_in_dim3A_89 = arith.constant 0.000000e+00 : f32
    %broadcast_in_dim3A_90 = vector.broadcast %broadcast_in_dim3A_89 : f32 to vector<16xf32>
    %swap3A_91 = arith.constant 96 : index
    %swap3A_92 = tpu.vector_load %arg20[%swap3A_91] {strides = array<i32>} : memref<640xf32, #tpu.memory_space<vmem>>, vector<16xf32>,
    %swap3A_93 = vector.shape_cast %swap3A_92 : vector<16xf32> to vector<16xf32>
    %swap3A_94 = vector.shape_cast %broadcast_in_dim3A_90 : vector<16xf32> to vector<16xf32>
    tpu.vector_store %arg20[%swap3A_91], %swap3A_94 {strides = array<i32>} : memref<640xf32, #tpu.memory_space<vmem>>, vector<16xf32>,
    %broadcast_in_dim3A_95 = arith.constant 0.000000e+00 : f32
    %broadcast_in_dim3A_96 = vector.broadcast %broadcast_in_dim3A_95 : f32 to vector<16xf32>
    %swap3A_97 = arith.constant 112 : index
    %swap3A_98 = tpu.vector_load %arg20[%swap3A_97] {strides = array<i32>} : memref<640xf32, #tpu.memory_space<vmem>>, vector<16xf32>,
    %swap3A_99 = vector.shape_cast %swap3A_98 : vector<16xf32> to vector<16xf32>
    %swap3A_100 = vector.shape_cast %broadcast_in_dim3A_96 : vector<16xf32> to vector<16xf32>
    tpu.vector_store %arg20[%swap3A_97], %swap3A_100 {strides = array<i32>} : memref<640xf32, #tpu.memory_space<vmem>>, vector<16xf32>,
    %broadcast_in_dim3A_101 = arith.constant 0.000000e+00 : f32
    %broadcast_in_dim3A_102 = vector.broadcast %broadcast_in_dim3A_101 : f32 to vector<16xf32>
    %swap3A_103 = arith.constant 128 : index
    %swap3A_104 = tpu.vector_load %arg20[%swap3A_103] {strides = array<i32>} : memref<640xf32, #tpu.memory_space<vmem>>, vector<16xf32>,
    %swap3A_105 = vector.shape_cast %swap3A_104 : vector<16xf32> to vector<16xf32>
    %swap3A_106 = vector.shape_cast %broadcast_in_dim3A_102 : vector<16xf32> to vector<16xf32>
    tpu.vector_store %arg20[%swap3A_103], %swap3A_106 {strides = array<i32>} : memref<640xf32, #tpu.memory_space<vmem>>, vector<16xf32>,
    %broadcast_in_dim3A_107 = arith.constant 0.000000e+00 : f32
    %broadcast_in_dim3A_108 = vector.broadcast %broadcast_in_dim3A_107 : f32 to vector<16xf32>
    %swap3A_109 = arith.constant 144 : index
    %swap3A_110 = tpu.vector_load %arg20[%swap3A_109] {strides = array<i32>} : memref<640xf32, #tpu.memory_space<vmem>>, vector<16xf32>,
    %swap3A_111 = vector.shape_cast %swap3A_110 : vector<16xf32> to vector<16xf32>
    %swap3A_112 = vector.shape_cast %broadcast_in_dim3A_108 : vector<16xf32> to vector<16xf32>
    tpu.vector_store %arg20[%swap3A_109], %swap3A_112 {strides = array<i32>} : memref<640xf32, #tpu.memory_space<vmem>>, vector<16xf32>,
    %broadcast_in_dim3A_113 = arith.constant 0.000000e+00 : f32
    %broadcast_in_dim3A_114 = vector.broadcast %broadcast_in_dim3A_113 : f32 to vector<16xf32>
    %swap3A_115 = arith.constant 160 : index
    %swap3A_116 = tpu.vector_load %arg20[%swap3A_115] {strides = array<i32>} : memref<640xf32, #tpu.memory_space<vmem>>, vector<16xf32>,
    %swap3A_117 = vector.shape_cast %swap3A_116 : vector<16xf32> to vector<16xf32>
    %swap3A_118 = vector.shape_cast %broadcast_in_dim3A_114 : vector<16xf32> to vector<16xf32>
    tpu.vector_store %arg20[%swap3A_115], %swap3A_118 {strides = array<i32>} : memref<640xf32, #tpu.memory_space<vmem>>, vector<16xf32>,
    %broadcast_in_dim3A_119 = arith.constant 0.000000e+00 : f32
    %broadcast_in_dim3A_120 = vector.broadcast %broadcast_in_dim3A_119 : f32 to vector<16xf32>
    %swap3A_121 = arith.constant 176 : index
    %swap3A_122 = tpu.vector_load %arg20[%swap3A_121] {strides = array<i32>} : memref<640xf32, #tpu.memory_space<vmem>>, vector<16xf32>,
    %swap3A_123 = vector.shape_cast %swap3A_122 : vector<16xf32> to vector<16xf32>
    %swap3A_124 = vector.shape_cast %broadcast_in_dim3A_120 : vector<16xf32> to vector<16xf32>
    tpu.vector_store %arg20[%swap3A_121], %swap3A_124 {strides = array<i32>} : memref<640xf32, #tpu.memory_space<vmem>>, vector<16xf32>,
    %broadcast_in_dim3A_125 = arith.constant 0.000000e+00 : f32
    %broadcast_in_dim3A_126 = vector.broadcast %broadcast_in_dim3A_125 : f32 to vector<16xf32>
    %swap3A_127 = arith.constant 192 : index
    %swap3A_128 = tpu.vector_load %arg20[%swap3A_127] {strides = array<i32>} : memref<640xf32, #tpu.memory_space<vmem>>, vector<16xf32>,
    %swap3A_129 = vector.shape_cast %swap3A_128 : vector<16xf32> to vector<16xf32>
    %swap3A_130 = vector.shape_cast %broadcast_in_dim3A_126 : vector<16xf32> to vector<16xf32>
    tpu.vector_store %arg20[%swap3A_127], %swap3A_130 {strides = array<i32>} : memref<640xf32, #tpu.memory_space<vmem>>, vector<16xf32>,
    %broadcast_in_dim3A_131 = arith.constant 0.000000e+00 : f32
    %broadcast_in_dim3A_132 = vector.broadcast %broadcast_in_dim3A_131 : f32 to vector<16xf32>
    %swap3A_133 = arith.constant 208 : index
    %swap3A_134 = tpu.vector_load %arg20[%swap3A_133] {strides = array<i32>} : memref<640xf32, #tpu.memory_space<vmem>>, vector<16xf32>,
    %swap3A_135 = vector.shape_cast %swap3A_134 : vector<16xf32> to vector<16xf32>
    %swap3A_136 = vector.shape_cast %broadcast_in_dim3A_132 : vector<16xf32> to vector<16xf32>
    tpu.vector_store %arg20[%swap3A_133], %swap3A_136 {strides = array<i32>} : memref<640xf32, #tpu.memory_space<vmem>>, vector<16xf32>,
    %broadcast_in_dim3A_137 = arith.constant 0.000000e+00 : f32
    %broadcast_in_dim3A_138 = vector.broadcast %broadcast_in_dim3A_137 : f32 to vector<16xf32>
    %swap3A_139 = arith.constant 224 : index
    %swap3A_140 = tpu.vector_load %arg20[%swap3A_139] {strides = array<i32>} : memref<640xf32, #tpu.memory_space<vmem>>, vector<16xf32>,
    %swap3A_141 = vector.shape_cast %swap3A_140 : vector<16xf32> to vector<16xf32>
    %swap3A_142 = vector.shape_cast %broadcast_in_dim3A_138 : vector<16xf32> to vector<16xf32>
    tpu.vector_store %arg20[%swap3A_139], %swap3A_142 {strides = array<i32>} : memref<640xf32, #tpu.memory_space<vmem>>, vector<16xf32>,
    %broadcast_in_dim3A_143 = arith.constant 0.000000e+00 : f32
    %broadcast_in_dim3A_144 = vector.broadcast %broadcast_in_dim3A_143 : f32 to vector<16xf32>
    %swap3A_145 = arith.constant 240 : index
    %swap3A_146 = tpu.vector_load %arg20[%swap3A_145] {strides = array<i32>} : memref<640xf32, #tpu.memory_space<vmem>>, vector<16xf32>,
    %swap3A_147 = vector.shape_cast %swap3A_146 : vector<16xf32> to vector<16xf32>
    %swap3A_148 = vector.shape_cast %broadcast_in_dim3A_144 : vector<16xf32> to vector<16xf32>
    tpu.vector_store %arg20[%swap3A_145], %swap3A_148 {strides = array<i32>} : memref<640xf32, #tpu.memory_space<vmem>>, vector<16xf32>,
    %broadcast_in_dim3A_149 = arith.constant 0.000000e+00 : f32
    %broadcast_in_dim3A_150 = vector.broadcast %broadcast_in_dim3A_149 : f32 to vector<16xf32>
    %swap3A_151 = arith.constant 256 : index
    %swap3A_152 = tpu.vector_load %arg20[%swap3A_151] {strides = array<i32>} : memref<640xf32, #tpu.memory_space<vmem>>, vector<16xf32>,
    %swap3A_153 = vector.shape_cast %swap3A_152 : vector<16xf32> to vector<16xf32>
    %swap3A_154 = vector.shape_cast %broadcast_in_dim3A_150 : vector<16xf32> to vector<16xf32>
    tpu.vector_store %arg20[%swap3A_151], %swap3A_154 {strides = array<i32>} : memref<640xf32, #tpu.memory_space<vmem>>, vector<16xf32>,
    %broadcast_in_dim3A_155 = arith.constant 0.000000e+00 : f32
    %broadcast_in_dim3A_156 = vector.broadcast %broadcast_in_dim3A_155 : f32 to vector<16xf32>
    %swap3A_157 = arith.constant 272 : index
    %swap3A_158 = tpu.vector_load %arg20[%swap3A_157] {strides = array<i32>} : memref<640xf32, #tpu.memory_space<vmem>>, vector<16xf32>,
    %swap3A_159 = vector.shape_cast %swap3A_158 : vector<16xf32> to vector<16xf32>
    %swap3A_160 = vector.shape_cast %broadcast_in_dim3A_156 : vector<16xf32> to vector<16xf32>
    tpu.vector_store %arg20[%swap3A_157], %swap3A_160 {strides = array<i32>} : memref<640xf32, #tpu.memory_space<vmem>>, vector<16xf32>,
    %broadcast_in_dim3A_161 = arith.constant 0.000000e+00 : f32
    %broadcast_in_dim3A_162 = vector.broadcast %broadcast_in_dim3A_161 : f32 to vector<16xf32>
    %swap3A_163 = arith.constant 288 : index
    %swap3A_164 = tpu.vector_load %arg20[%swap3A_163] {strides = array<i32>} : memref<640xf32, #tpu.memory_space<vmem>>, vector<16xf32>,
    %swap3A_165 = vector.shape_cast %swap3A_164 : vector<16xf32> to vector<16xf32>
    %swap3A_166 = vector.shape_cast %broadcast_in_dim3A_162 : vector<16xf32> to vector<16xf32>
    tpu.vector_store %arg20[%swap3A_163], %swap3A_166 {strides = array<i32>} : memref<640xf32, #tpu.memory_space<vmem>>, vector<16xf32>,
    %broadcast_in_dim3A_167 = arith.constant 0.000000e+00 : f32
    %broadcast_in_dim3A_168 = vector.broadcast %broadcast_in_dim3A_167 : f32 to vector<16xf32>
    %swap3A_169 = arith.constant 304 : index
    %swap3A_170 = tpu.vector_load %arg20[%swap3A_169] {strides = array<i32>} : memref<640xf32, #tpu.memory_space<vmem>>, vector<16xf32>,
    %swap3A_171 = vector.shape_cast %swap3A_170 : vector<16xf32> to vector<16xf32>
    %swap3A_172 = vector.shape_cast %broadcast_in_dim3A_168 : vector<16xf32> to vector<16xf32>
    tpu.vector_store %arg20[%swap3A_169], %swap3A_172 {strides = array<i32>} : memref<640xf32, #tpu.memory_space<vmem>>, vector<16xf32>,
    %broadcast_in_dim3A_173 = arith.constant 0.000000e+00 : f32
    %broadcast_in_dim3A_174 = vector.broadcast %broadcast_in_dim3A_173 : f32 to vector<16xf32>
    %swap3A_175 = arith.constant 320 : index
    %swap3A_176 = tpu.vector_load %arg20[%swap3A_175] {strides = array<i32>} : memref<640xf32, #tpu.memory_space<vmem>>, vector<16xf32>,
    %swap3A_177 = vector.shape_cast %swap3A_176 : vector<16xf32> to vector<16xf32>
    %swap3A_178 = vector.shape_cast %broadcast_in_dim3A_174 : vector<16xf32> to vector<16xf32>
    tpu.vector_store %arg20[%swap3A_175], %swap3A_178 {strides = array<i32>} : memref<640xf32, #tpu.memory_space<vmem>>, vector<16xf32>,
    %broadcast_in_dim3A_179 = arith.constant 0.000000e+00 : f32
    %broadcast_in_dim3A_180 = vector.broadcast %broadcast_in_dim3A_179 : f32 to vector<16xf32>
    %swap3A_181 = arith.constant 336 : index
    %swap3A_182 = tpu.vector_load %arg20[%swap3A_181] {strides = array<i32>} : memref<640xf32, #tpu.memory_space<vmem>>, vector<16xf32>,
    %swap3A_183 = vector.shape_cast %swap3A_182 : vector<16xf32> to vector<16xf32>
    %swap3A_184 = vector.shape_cast %broadcast_in_dim3A_180 : vector<16xf32> to vector<16xf32>
    tpu.vector_store %arg20[%swap3A_181], %swap3A_184 {strides = array<i32>} : memref<640xf32, #tpu.memory_space<vmem>>, vector<16xf32>,
    %broadcast_in_dim3A_185 = arith.constant 0.000000e+00 : f32
    %broadcast_in_dim3A_186 = vector.broadcast %broadcast_in_dim3A_185 : f32 to vector<16xf32>
    %swap3A_187 = arith.constant 352 : index
    %swap3A_188 = tpu.vector_load %arg20[%swap3A_187] {strides = array<i32>} : memref<640xf32, #tpu.memory_space<vmem>>, vector<16xf32>,
    %swap3A_189 = vector.shape_cast %swap3A_188 : vector<16xf32> to vector<16xf32>
    %swap3A_190 = vector.shape_cast %broadcast_in_dim3A_186 : vector<16xf32> to vector<16xf32>
    tpu.vector_store %arg20[%swap3A_187], %swap3A_190 {strides = array<i32>} : memref<640xf32, #tpu.memory_space<vmem>>, vector<16xf32>,
    %broadcast_in_dim3A_191 = arith.constant 0.000000e+00 : f32
    %broadcast_in_dim3A_192 = vector.broadcast %broadcast_in_dim3A_191 : f32 to vector<16xf32>
    %swap3A_193 = arith.constant 368 : index
    %swap3A_194 = tpu.vector_load %arg20[%swap3A_193] {strides = array<i32>} : memref<640xf32, #tpu.memory_space<vmem>>, vector<16xf32>,
    %swap3A_195 = vector.shape_cast %swap3A_194 : vector<16xf32> to vector<16xf32>
    %swap3A_196 = vector.shape_cast %broadcast_in_dim3A_192 : vector<16xf32> to vector<16xf32>
    tpu.vector_store %arg20[%swap3A_193], %swap3A_196 {strides = array<i32>} : memref<640xf32, #tpu.memory_space<vmem>>, vector<16xf32>,
    %broadcast_in_dim3A_197 = arith.constant 0.000000e+00 : f32
    %broadcast_in_dim3A_198 = vector.broadcast %broadcast_in_dim3A_197 : f32 to vector<16xf32>
    %swap3A_199 = arith.constant 384 : index
    %swap3A_200 = tpu.vector_load %arg20[%swap3A_199] {strides = array<i32>} : memref<640xf32, #tpu.memory_space<vmem>>, vector<16xf32>,
    %swap3A_201 = vector.shape_cast %swap3A_200 : vector<16xf32> to vector<16xf32>
    %swap3A_202 = vector.shape_cast %broadcast_in_dim3A_198 : vector<16xf32> to vector<16xf32>
    tpu.vector_store %arg20[%swap3A_199], %swap3A_202 {strides = array<i32>} : memref<640xf32, #tpu.memory_space<vmem>>, vector<16xf32>,
    %broadcast_in_dim3A_203 = arith.constant 0.000000e+00 : f32
    %broadcast_in_dim3A_204 = vector.broadcast %broadcast_in_dim3A_203 : f32 to vector<16xf32>
    %swap3A_205 = arith.constant 400 : index
    %swap3A_206 = tpu.vector_load %arg20[%swap3A_205] {strides = array<i32>} : memref<640xf32, #tpu.memory_space<vmem>>, vector<16xf32>,
    %swap3A_207 = vector.shape_cast %swap3A_206 : vector<16xf32> to vector<16xf32>
    %swap3A_208 = vector.shape_cast %broadcast_in_dim3A_204 : vector<16xf32> to vector<16xf32>
    tpu.vector_store %arg20[%swap3A_205], %swap3A_208 {strides = array<i32>} : memref<640xf32, #tpu.memory_space<vmem>>, vector<16xf32>,
    %broadcast_in_dim3A_209 = arith.constant 0.000000e+00 : f32
    %broadcast_in_dim3A_210 = vector.broadcast %broadcast_in_dim3A_209 : f32 to vector<16xf32>
    %swap3A_211 = arith.constant 416 : index
    %swap3A_212 = tpu.vector_load %arg20[%swap3A_211] {strides = array<i32>} : memref<640xf32, #tpu.memory_space<vmem>>, vector<16xf32>,
    %swap3A_213 = vector.shape_cast %swap3A_212 : vector<16xf32> to vector<16xf32>
    %swap3A_214 = vector.shape_cast %broadcast_in_dim3A_210 : vector<16xf32> to vector<16xf32>
    tpu.vector_store %arg20[%swap3A_211], %swap3A_214 {strides = array<i32>} : memref<640xf32, #tpu.memory_space<vmem>>, vector<16xf32>,
    %broadcast_in_dim3A_215 = arith.constant 0.000000e+00 : f32
    %broadcast_in_dim3A_216 = vector.broadcast %broadcast_in_dim3A_215 : f32 to vector<16xf32>
    %swap3A_217 = arith.constant 432 : index
    %swap3A_218 = tpu.vector_load %arg20[%swap3A_217] {strides = array<i32>} : memref<640xf32, #tpu.memory_space<vmem>>, vector<16xf32>,
    %swap3A_219 = vector.shape_cast %swap3A_218 : vector<16xf32> to vector<16xf32>
    %swap3A_220 = vector.shape_cast %broadcast_in_dim3A_216 : vector<16xf32> to vector<16xf32>
    tpu.vector_store %arg20[%swap3A_217], %swap3A_220 {strides = array<i32>} : memref<640xf32, #tpu.memory_space<vmem>>, vector<16xf32>,
    %broadcast_in_dim3A_221 = arith.constant 0.000000e+00 : f32
    %broadcast_in_dim3A_222 = vector.broadcast %broadcast_in_dim3A_221 : f32 to vector<16xf32>
    %swap3A_223 = arith.constant 448 : index
    %swap3A_224 = tpu.vector_load %arg20[%swap3A_223] {strides = array<i32>} : memref<640xf32, #tpu.memory_space<vmem>>, vector<16xf32>,
    %swap3A_225 = vector.shape_cast %swap3A_224 : vector<16xf32> to vector<16xf32>
    %swap3A_226 = vector.shape_cast %broadcast_in_dim3A_222 : vector<16xf32> to vector<16xf32>
    tpu.vector_store %arg20[%swap3A_223], %swap3A_226 {strides = array<i32>} : memref<640xf32, #tpu.memory_space<vmem>>, vector<16xf32>,
    %broadcast_in_dim3A_227 = arith.constant 0.000000e+00 : f32
    %broadcast_in_dim3A_228 = vector.broadcast %broadcast_in_dim3A_227 : f32 to vector<16xf32>
    %swap3A_229 = arith.constant 464 : index
    %swap3A_230 = tpu.vector_load %arg20[%swap3A_229] {strides = array<i32>} : memref<640xf32, #tpu.memory_space<vmem>>, vector<16xf32>,
    %swap3A_231 = vector.shape_cast %swap3A_230 : vector<16xf32> to vector<16xf32>
    %swap3A_232 = vector.shape_cast %broadcast_in_dim3A_228 : vector<16xf32> to vector<16xf32>
    tpu.vector_store %arg20[%swap3A_229], %swap3A_232 {strides = array<i32>} : memref<640xf32, #tpu.memory_space<vmem>>, vector<16xf32>,
    %broadcast_in_dim3A_233 = arith.constant 0.000000e+00 : f32
    %broadcast_in_dim3A_234 = vector.broadcast %broadcast_in_dim3A_233 : f32 to vector<16xf32>
    %swap3A_235 = arith.constant 480 : index
    %swap3A_236 = tpu.vector_load %arg20[%swap3A_235] {strides = array<i32>} : memref<640xf32, #tpu.memory_space<vmem>>, vector<16xf32>,
    %swap3A_237 = vector.shape_cast %swap3A_236 : vector<16xf32> to vector<16xf32>
    %swap3A_238 = vector.shape_cast %broadcast_in_dim3A_234 : vector<16xf32> to vector<16xf32>
    tpu.vector_store %arg20[%swap3A_235], %swap3A_238 {strides = array<i32>} : memref<640xf32, #tpu.memory_space<vmem>>, vector<16xf32>,
    %broadcast_in_dim3A_239 = arith.constant 0.000000e+00 : f32
    %broadcast_in_dim3A_240 = vector.broadcast %broadcast_in_dim3A_239 : f32 to vector<16xf32>
    %swap3A_241 = arith.constant 496 : index
    %swap3A_242 = tpu.vector_load %arg20[%swap3A_241] {strides = array<i32>} : memref<640xf32, #tpu.memory_space<vmem>>, vector<16xf32>,
    %swap3A_243 = vector.shape_cast %swap3A_242 : vector<16xf32> to vector<16xf32>
    %swap3A_244 = vector.shape_cast %broadcast_in_dim3A_240 : vector<16xf32> to vector<16xf32>
    tpu.vector_store %arg20[%swap3A_241], %swap3A_244 {strides = array<i32>} : memref<640xf32, #tpu.memory_space<vmem>>, vector<16xf32>,
    %broadcast_in_dim3A_245 = arith.constant 0.000000e+00 : f32
    %broadcast_in_dim3A_246 = vector.broadcast %broadcast_in_dim3A_245 : f32 to vector<16xf32>
    %swap3A_247 = arith.constant 512 : index
    %swap3A_248 = tpu.vector_load %arg20[%swap3A_247] {strides = array<i32>} : memref<640xf32, #tpu.memory_space<vmem>>, vector<16xf32>,
    %swap3A_249 = vector.shape_cast %swap3A_248 : vector<16xf32> to vector<16xf32>
    %swap3A_250 = vector.shape_cast %broadcast_in_dim3A_246 : vector<16xf32> to vector<16xf32>
    tpu.vector_store %arg20[%swap3A_247], %swap3A_250 {strides = array<i32>} : memref<640xf32, #tpu.memory_space<vmem>>, vector<16xf32>,
    %broadcast_in_dim3A_251 = arith.constant 0.000000e+00 : f32
    %broadcast_in_dim3A_252 = vector.broadcast %broadcast_in_dim3A_251 : f32 to vector<16xf32>
    %swap3A_253 = arith.constant 528 : index
    %swap3A_254 = tpu.vector_load %arg20[%swap3A_253] {strides = array<i32>} : memref<640xf32, #tpu.memory_space<vmem>>, vector<16xf32>,
    %swap3A_255 = vector.shape_cast %swap3A_254 : vector<16xf32> to vector<16xf32>
    %swap3A_256 = vector.shape_cast %broadcast_in_dim3A_252 : vector<16xf32> to vector<16xf32>
    tpu.vector_store %arg20[%swap3A_253], %swap3A_256 {strides = array<i32>} : memref<640xf32, #tpu.memory_space<vmem>>, vector<16xf32>,
    %broadcast_in_dim3A_257 = arith.constant 0.000000e+00 : f32
    %broadcast_in_dim3A_258 = vector.broadcast %broadcast_in_dim3A_257 : f32 to vector<16xf32>
    %swap3A_259 = arith.constant 544 : index
    %swap3A_260 = tpu.vector_load %arg20[%swap3A_259] {strides = array<i32>} : memref<640xf32, #tpu.memory_space<vmem>>, vector<16xf32>,
    %swap3A_261 = vector.shape_cast %swap3A_260 : vector<16xf32> to vector<16xf32>
    %swap3A_262 = vector.shape_cast %broadcast_in_dim3A_258 : vector<16xf32> to vector<16xf32>
    tpu.vector_store %arg20[%swap3A_259], %swap3A_262 {strides = array<i32>} : memref<640xf32, #tpu.memory_space<vmem>>, vector<16xf32>,
    %broadcast_in_dim3A_263 = arith.constant 0.000000e+00 : f32
    %broadcast_in_dim3A_264 = vector.broadcast %broadcast_in_dim3A_263 : f32 to vector<16xf32>
    %swap3A_265 = arith.constant 560 : index
    %swap3A_266 = tpu.vector_load %arg20[%swap3A_265] {strides = array<i32>} : memref<640xf32, #tpu.memory_space<vmem>>, vector<16xf32>,
    %swap3A_267 = vector.shape_cast %swap3A_266 : vector<16xf32> to vector<16xf32>
    %swap3A_268 = vector.shape_cast %broadcast_in_dim3A_264 : vector<16xf32> to vector<16xf32>
    tpu.vector_store %arg20[%swap3A_265], %swap3A_268 {strides = array<i32>} : memref<640xf32, #tpu.memory_space<vmem>>, vector<16xf32>,
    %broadcast_in_dim3A_269 = arith.constant 0.000000e+00 : f32
    %broadcast_in_dim3A_270 = vector.broadcast %broadcast_in_dim3A_269 : f32 to vector<16xf32>
    %swap3A_271 = arith.constant 576 : index
    %swap3A_272 = tpu.vector_load %arg20[%swap3A_271] {strides = array<i32>} : memref<640xf32, #tpu.memory_space<vmem>>, vector<16xf32>,
    %swap3A_273 = vector.shape_cast %swap3A_272 : vector<16xf32> to vector<16xf32>
    %swap3A_274 = vector.shape_cast %broadcast_in_dim3A_270 : vector<16xf32> to vector<16xf32>
    tpu.vector_store %arg20[%swap3A_271], %swap3A_274 {strides = array<i32>} : memref<640xf32, #tpu.memory_space<vmem>>, vector<16xf32>,
    %broadcast_in_dim3A_275 = arith.constant 0.000000e+00 : f32
    %broadcast_in_dim3A_276 = vector.broadcast %broadcast_in_dim3A_275 : f32 to vector<16xf32>
    %swap3A_277 = arith.constant 592 : index
    %swap3A_278 = tpu.vector_load %arg20[%swap3A_277] {strides = array<i32>} : memref<640xf32, #tpu.memory_space<vmem>>, vector<16xf32>,
    %swap3A_279 = vector.shape_cast %swap3A_278 : vector<16xf32> to vector<16xf32>
    %swap3A_280 = vector.shape_cast %broadcast_in_dim3A_276 : vector<16xf32> to vector<16xf32>
    tpu.vector_store %arg20[%swap3A_277], %swap3A_280 {strides = array<i32>} : memref<640xf32, #tpu.memory_space<vmem>>, vector<16xf32>,
    %broadcast_in_dim3A_281 = arith.constant 0.000000e+00 : f32
    %broadcast_in_dim3A_282 = vector.broadcast %broadcast_in_dim3A_281 : f32 to vector<16xf32>
    %swap3A_283 = arith.constant 608 : index
    %swap3A_284 = tpu.vector_load %arg20[%swap3A_283] {strides = array<i32>} : memref<640xf32, #tpu.memory_space<vmem>>, vector<16xf32>,
    %swap3A_285 = vector.shape_cast %swap3A_284 : vector<16xf32> to vector<16xf32>
    %swap3A_286 = vector.shape_cast %broadcast_in_dim3A_282 : vector<16xf32> to vector<16xf32>
    tpu.vector_store %arg20[%swap3A_283], %swap3A_286 {strides = array<i32>} : memref<640xf32, #tpu.memory_space<vmem>>, vector<16xf32>,
    %broadcast_in_dim3A_287 = arith.constant 0.000000e+00 : f32
    %broadcast_in_dim3A_288 = vector.broadcast %broadcast_in_dim3A_287 : f32 to vector<16xf32>
    %swap3A_289 = arith.constant 624 : index
    %swap3A_290 = tpu.vector_load %arg20[%swap3A_289] {strides = array<i32>} : memref<640xf32, #tpu.memory_space<vmem>>, vector<16xf32>,
    %swap3A_291 = vector.shape_cast %swap3A_290 : vector<16xf32> to vector<16xf32>
    %swap3A_292 = vector.shape_cast %broadcast_in_dim3A_288 : vector<16xf32> to vector<16xf32>
    tpu.vector_store %arg20[%swap3A_289], %swap3A_292 {strides = array<i32>} : memref<640xf32, #tpu.memory_space<vmem>>, vector<16xf32>,
    %lt3A = arith.constant 2 : i32
    %lt3A_293 = arith.cmpi slt, %arg1, %lt3A : i32
    %jit3A = arith.constant 79 : i32
    %jit3A_294 = arith.constant 78 : i32
    %select_n3A = arith.select %lt3A_293, %jit3A, %jit3A_294 : i32
    %add3A = arith.constant 0 : i32
    %add3A_295 = arith.addi %mul3A_0, %add3A : i32
    "tpu.region"() ({
      %run_scoped3A_450 = tpu.sem_alloc : memref<!tpu.dma_semaphore, #tpu.memory_space<semaphore_mem>>
      %dma_start3A = arith.constant 0 : i32
      %dma_start3A_451 = tpu.memref_slice %arg13[%add3A_295, %dma_start3A] : memref<10240x128xf32, #tpu.memory_space<vmem_shared>> -> memref<128x128xf32, #tpu.memory_space<vmem_shared>>
      %dma_start3A_452 = arith.constant 0 : i32
      %dma_start3A_453 = tpu.memref_slice %arg13[%add3A_295, %dma_start3A_452] : memref<10240x128xf32, #tpu.memory_space<vmem_shared>> -> memref<128x128xf32, #tpu.memory_space<vmem_shared>>
      tpu.enqueue_dma source(%arg21 : memref<128x128xf32, #tpu.memory_space<vmem>>) target(%dma_start3A_453 : memref<128x128xf32, #tpu.memory_space<vmem_shared>>) target_semaphore(%run_scoped3A_450 : memref<!tpu.dma_semaphore, #tpu.memory_space<semaphore_mem>>)
      %dma_wait3A = arith.constant 0 : i32
      %dma_wait3A_454 = tpu.memref_slice %arg13[%add3A_295, %dma_wait3A] : memref<10240x128xf32, #tpu.memory_space<vmem_shared>> -> memref<128x128xf32, #tpu.memory_space<vmem_shared>>
      %dma_wait3A_455 = arith.constant 0 : i32
      %dma_wait3A_456 = tpu.memref_slice %arg13[%add3A_295, %dma_wait3A_455] : memref<10240x128xf32, #tpu.memory_space<vmem_shared>> -> memref<128x128xf32, #tpu.memory_space<vmem_shared>>
      tpu.wait_dma2 semaphore(%run_scoped3A_450 : memref<!tpu.dma_semaphore, #tpu.memory_space<semaphore_mem>>) src(%arg21 : memref<128x128xf32, #tpu.memory_space<vmem>>) dst(%dma_wait3A_456 : memref<128x128xf32, #tpu.memory_space<vmem_shared>>)
      tpu.yield
    }) : () -> ()
    %add3A_296 = arith.constant 128 : i32
    %add3A_297 = arith.addi %mul3A_0, %add3A_296 : i32
    "tpu.region"() ({
      %run_scoped3A_450 = tpu.sem_alloc : memref<!tpu.dma_semaphore, #tpu.memory_space<semaphore_mem>>
      %dma_start3A = arith.constant 0 : i32
      %dma_start3A_451 = tpu.memref_slice %arg13[%add3A_297, %dma_start3A] : memref<10240x128xf32, #tpu.memory_space<vmem_shared>> -> memref<128x128xf32, #tpu.memory_space<vmem_shared>>
      %dma_start3A_452 = arith.constant 0 : i32
      %dma_start3A_453 = tpu.memref_slice %arg13[%add3A_297, %dma_start3A_452] : memref<10240x128xf32, #tpu.memory_space<vmem_shared>> -> memref<128x128xf32, #tpu.memory_space<vmem_shared>>
      tpu.enqueue_dma source(%arg21 : memref<128x128xf32, #tpu.memory_space<vmem>>) target(%dma_start3A_453 : memref<128x128xf32, #tpu.memory_space<vmem_shared>>) target_semaphore(%run_scoped3A_450 : memref<!tpu.dma_semaphore, #tpu.memory_space<semaphore_mem>>)
      %dma_wait3A = arith.constant 0 : i32
      %dma_wait3A_454 = tpu.memref_slice %arg13[%add3A_297, %dma_wait3A] : memref<10240x128xf32, #tpu.memory_space<vmem_shared>> -> memref<128x128xf32, #tpu.memory_space<vmem_shared>>
      %dma_wait3A_455 = arith.constant 0 : i32
      %dma_wait3A_456 = tpu.memref_slice %arg13[%add3A_297, %dma_wait3A_455] : memref<10240x128xf32, #tpu.memory_space<vmem_shared>> -> memref<128x128xf32, #tpu.memory_space<vmem_shared>>
      tpu.wait_dma2 semaphore(%run_scoped3A_450 : memref<!tpu.dma_semaphore, #tpu.memory_space<semaphore_mem>>) src(%arg21 : memref<128x128xf32, #tpu.memory_space<vmem>>) dst(%dma_wait3A_456 : memref<128x128xf32, #tpu.memory_space<vmem_shared>>)
      tpu.yield
    }) : () -> ()
    %add3A_298 = arith.constant 256 : i32
    %add3A_299 = arith.addi %mul3A_0, %add3A_298 : i32
    "tpu.region"() ({
      %run_scoped3A_450 = tpu.sem_alloc : memref<!tpu.dma_semaphore, #tpu.memory_space<semaphore_mem>>
      %dma_start3A = arith.constant 0 : i32
      %dma_start3A_451 = tpu.memref_slice %arg13[%add3A_299, %dma_start3A] : memref<10240x128xf32, #tpu.memory_space<vmem_shared>> -> memref<128x128xf32, #tpu.memory_space<vmem_shared>>
      %dma_start3A_452 = arith.constant 0 : i32
      %dma_start3A_453 = tpu.memref_slice %arg13[%add3A_299, %dma_start3A_452] : memref<10240x128xf32, #tpu.memory_space<vmem_shared>> -> memref<128x128xf32, #tpu.memory_space<vmem_shared>>
      tpu.enqueue_dma source(%arg21 : memref<128x128xf32, #tpu.memory_space<vmem>>) target(%dma_start3A_453 : memref<128x128xf32, #tpu.memory_space<vmem_shared>>) target_semaphore(%run_scoped3A_450 : memref<!tpu.dma_semaphore, #tpu.memory_space<semaphore_mem>>)
      %dma_wait3A = arith.constant 0 : i32
      %dma_wait3A_454 = tpu.memref_slice %arg13[%add3A_299, %dma_wait3A] : memref<10240x128xf32, #tpu.memory_space<vmem_shared>> -> memref<128x128xf32, #tpu.memory_space<vmem_shared>>
      %dma_wait3A_455 = arith.constant 0 : i32
      %dma_wait3A_456 = tpu.memref_slice %arg13[%add3A_299, %dma_wait3A_455] : memref<10240x128xf32, #tpu.memory_space<vmem_shared>> -> memref<128x128xf32, #tpu.memory_space<vmem_shared>>
      tpu.wait_dma2 semaphore(%run_scoped3A_450 : memref<!tpu.dma_semaphore, #tpu.memory_space<semaphore_mem>>) src(%arg21 : memref<128x128xf32, #tpu.memory_space<vmem>>) dst(%dma_wait3A_456 : memref<128x128xf32, #tpu.memory_space<vmem_shared>>)
      tpu.yield
    }) : () -> ()
    %add3A_300 = arith.constant 384 : i32
    %add3A_301 = arith.addi %mul3A_0, %add3A_300 : i32
    "tpu.region"() ({
      %run_scoped3A_450 = tpu.sem_alloc : memref<!tpu.dma_semaphore, #tpu.memory_space<semaphore_mem>>
      %dma_start3A = arith.constant 0 : i32
      %dma_start3A_451 = tpu.memref_slice %arg13[%add3A_301, %dma_start3A] : memref<10240x128xf32, #tpu.memory_space<vmem_shared>> -> memref<128x128xf32, #tpu.memory_space<vmem_shared>>
      %dma_start3A_452 = arith.constant 0 : i32
      %dma_start3A_453 = tpu.memref_slice %arg13[%add3A_301, %dma_start3A_452] : memref<10240x128xf32, #tpu.memory_space<vmem_shared>> -> memref<128x128xf32, #tpu.memory_space<vmem_shared>>
      tpu.enqueue_dma source(%arg21 : memref<128x128xf32, #tpu.memory_space<vmem>>) target(%dma_start3A_453 : memref<128x128xf32, #tpu.memory_space<vmem_shared>>) target_semaphore(%run_scoped3A_450 : memref<!tpu.dma_semaphore, #tpu.memory_space<semaphore_mem>>)
      %dma_wait3A = arith.constant 0 : i32
      %dma_wait3A_454 = tpu.memref_slice %arg13[%add3A_301, %dma_wait3A] : memref<10240x128xf32, #tpu.memory_space<vmem_shared>> -> memref<128x128xf32, #tpu.memory_space<vmem_shared>>
      %dma_wait3A_455 = arith.constant 0 : i32
      %dma_wait3A_456 = tpu.memref_slice %arg13[%add3A_301, %dma_wait3A_455] : memref<10240x128xf32, #tpu.memory_space<vmem_shared>> -> memref<128x128xf32, #tpu.memory_space<vmem_shared>>
      tpu.wait_dma2 semaphore(%run_scoped3A_450 : memref<!tpu.dma_semaphore, #tpu.memory_space<semaphore_mem>>) src(%arg21 : memref<128x128xf32, #tpu.memory_space<vmem>>) dst(%dma_wait3A_456 : memref<128x128xf32, #tpu.memory_space<vmem_shared>>)
      tpu.yield
    }) : () -> ()
    %add3A_302 = arith.constant 512 : i32
    %add3A_303 = arith.addi %mul3A_0, %add3A_302 : i32
    "tpu.region"() ({
      %run_scoped3A_450 = tpu.sem_alloc : memref<!tpu.dma_semaphore, #tpu.memory_space<semaphore_mem>>
      %dma_start3A = arith.constant 0 : i32
      %dma_start3A_451 = tpu.memref_slice %arg13[%add3A_303, %dma_start3A] : memref<10240x128xf32, #tpu.memory_space<vmem_shared>> -> memref<128x128xf32, #tpu.memory_space<vmem_shared>>
      %dma_start3A_452 = arith.constant 0 : i32
      %dma_start3A_453 = tpu.memref_slice %arg13[%add3A_303, %dma_start3A_452] : memref<10240x128xf32, #tpu.memory_space<vmem_shared>> -> memref<128x128xf32, #tpu.memory_space<vmem_shared>>
      tpu.enqueue_dma source(%arg21 : memref<128x128xf32, #tpu.memory_space<vmem>>) target(%dma_start3A_453 : memref<128x128xf32, #tpu.memory_space<vmem_shared>>) target_semaphore(%run_scoped3A_450 : memref<!tpu.dma_semaphore, #tpu.memory_space<semaphore_mem>>)
      %dma_wait3A = arith.constant 0 : i32
      %dma_wait3A_454 = tpu.memref_slice %arg13[%add3A_303, %dma_wait3A] : memref<10240x128xf32, #tpu.memory_space<vmem_shared>> -> memref<128x128xf32, #tpu.memory_space<vmem_shared>>
      %dma_wait3A_455 = arith.constant 0 : i32
      %dma_wait3A_456 = tpu.memref_slice %arg13[%add3A_303, %dma_wait3A_455] : memref<10240x128xf32, #tpu.memory_space<vmem_shared>> -> memref<128x128xf32, #tpu.memory_space<vmem_shared>>
      tpu.wait_dma2 semaphore(%run_scoped3A_450 : memref<!tpu.dma_semaphore, #tpu.memory_space<semaphore_mem>>) src(%arg21 : memref<128x128xf32, #tpu.memory_space<vmem>>) dst(%dma_wait3A_456 : memref<128x128xf32, #tpu.memory_space<vmem_shared>>)
      tpu.yield
    }) : () -> ()
    "tpu.region"() ({
      %run_scoped3A_450 = tpu.sem_alloc : memref<!tpu.dma_semaphore, #tpu.memory_space<semaphore_mem>>
      %dma_start3A = tpu.memref_slice %arg14[%mul3A_0] : memref<10240xf32, #tpu.memory_space<vmem_shared>> -> memref<640xf32, #tpu.memory_space<vmem_shared>>
      %dma_start3A_451 = tpu.memref_slice %arg14[%mul3A_0] : memref<10240xf32, #tpu.memory_space<vmem_shared>> -> memref<640xf32, #tpu.memory_space<vmem_shared>>
      tpu.enqueue_dma source(%arg20 : memref<640xf32, #tpu.memory_space<vmem>>) target(%dma_start3A_451 : memref<640xf32, #tpu.memory_space<vmem_shared>>) target_semaphore(%run_scoped3A_450 : memref<!tpu.dma_semaphore, #tpu.memory_space<semaphore_mem>>)
      %dma_wait3A = tpu.memref_slice %arg14[%mul3A_0] : memref<10240xf32, #tpu.memory_space<vmem_shared>> -> memref<640xf32, #tpu.memory_space<vmem_shared>>
      %dma_wait3A_452 = tpu.memref_slice %arg14[%mul3A_0] : memref<10240xf32, #tpu.memory_space<vmem_shared>> -> memref<640xf32, #tpu.memory_space<vmem_shared>>
      tpu.wait_dma2 semaphore(%run_scoped3A_450 : memref<!tpu.dma_semaphore, #tpu.memory_space<semaphore_mem>>) src(%arg20 : memref<640xf32, #tpu.memory_space<vmem>>) dst(%dma_wait3A_452 : memref<640xf32, #tpu.memory_space<vmem_shared>>)
      tpu.yield
    }) : () -> ()
    %barrier3A = arith.constant 0 : index
    tpu.barrier barrier_id(%barrier3A)
    %mul3A_304 = arith.constant 1250 : i32
    %mul3A_305 = arith.muli %arg0, %mul3A_304 : i32
    %while3A = arith.constant 0 : i32
    %while3A_306 = arith.constant 0 : i32
    %while3A_307 = arith.subi %select_n3A, %while3A : i32
    %while3A_308 = arith.addi %while3A, %while3A_307 : i32
    %while3A_309 = arith.constant 1 : i32
    %while3A_310 = arith.divsi %while3A_307, %while3A_309 : i32
    %while3A_311 = arith.muli %while3A_310, %while3A_309 : i32
    %while3A_312 = arith.addi %while3A, %while3A_311 : i32
    %while3A_313 = arith.constant 1 : i32
    %while3A_314 = scf.for %while3A_450 = %while3A to %while3A_312 step %while3A_313 iter_args(%while3A_451 = %while3A_306) -> (i32)  : i32 {
      %add3A_452 = arith.addi %mul3A_305, %arg1 : i32
      %mul3A_453 = arith.constant 16 : i32
      %mul3A_454 = arith.muli %while3A_450, %mul3A_453 : i32
      %add3A_455 = arith.addi %add3A_452, %mul3A_454 : i32
      %mul3A_456 = arith.constant 128 : i32
      %mul3A_457 = arith.muli %add3A_455, %mul3A_456 : i32
      "tpu.region"() ({
        %run_scoped3A_463 = tpu.sem_alloc : memref<!tpu.dma_semaphore, #tpu.memory_space<semaphore_mem>>
        %dma_start3A_464 = tpu.memref_slice %arg5[%mul3A_457] : memref<320000xi32, #tpu.memory_space<hbm>> -> memref<128xi32, #tpu.memory_space<hbm>>
        %dma_start3A_465 = tpu.memref_slice %arg5[%mul3A_457] : memref<320000xi32, #tpu.memory_space<hbm>> -> memref<128xi32, #tpu.memory_space<hbm>>
        tpu.enqueue_dma source(%dma_start3A_465 : memref<128xi32, #tpu.memory_space<hbm>>) target(%arg19 : memref<128xi32, #tpu.memory_space<vmem>>) target_semaphore(%run_scoped3A_463 : memref<!tpu.dma_semaphore, #tpu.memory_space<semaphore_mem>>)
        %dma_wait3A_466 = tpu.memref_slice %arg5[%mul3A_457] : memref<320000xi32, #tpu.memory_space<hbm>> -> memref<128xi32, #tpu.memory_space<hbm>>
        %dma_wait3A_467 = tpu.memref_slice %arg5[%mul3A_457] : memref<320000xi32, #tpu.memory_space<hbm>> -> memref<128xi32, #tpu.memory_space<hbm>>
        tpu.wait_dma2 semaphore(%run_scoped3A_463 : memref<!tpu.dma_semaphore, #tpu.memory_space<semaphore_mem>>) src(%dma_wait3A_467 : memref<128xi32, #tpu.memory_space<hbm>>) dst(%arg19 : memref<128xi32, #tpu.memory_space<vmem>>)
        tpu.yield
      }) : () -> ()
      "tpu.region"() ({
        %run_scoped3A_463 = tpu.sem_alloc : memref<!tpu.dma_semaphore, #tpu.memory_space<semaphore_mem>>
        %dma_start3A_464 = tpu.memref_slice %arg8[%mul3A_457] : memref<320000xi32, #tpu.memory_space<hbm>> -> memref<128xi32, #tpu.memory_space<hbm>>
        %dma_start3A_465 = tpu.memref_slice %arg8[%mul3A_457] : memref<320000xi32, #tpu.memory_space<hbm>> -> memref<128xi32, #tpu.memory_space<hbm>>
        tpu.enqueue_dma source(%dma_start3A_465 : memref<128xi32, #tpu.memory_space<hbm>>) target(%arg15 : memref<128xi32, #tpu.memory_space<vmem>>) target_semaphore(%run_scoped3A_463 : memref<!tpu.dma_semaphore, #tpu.memory_space<semaphore_mem>>)
        %dma_wait3A_466 = tpu.memref_slice %arg8[%mul3A_457] : memref<320000xi32, #tpu.memory_space<hbm>> -> memref<128xi32, #tpu.memory_space<hbm>>
        %dma_wait3A_467 = tpu.memref_slice %arg8[%mul3A_457] : memref<320000xi32, #tpu.memory_space<hbm>> -> memref<128xi32, #tpu.memory_space<hbm>>
        tpu.wait_dma2 semaphore(%run_scoped3A_463 : memref<!tpu.dma_semaphore, #tpu.memory_space<semaphore_mem>>) src(%dma_wait3A_467 : memref<128xi32, #tpu.memory_space<hbm>>) dst(%arg15 : memref<128xi32, #tpu.memory_space<vmem>>)
        tpu.yield
      }) : () -> ()
      %dma_start3A = arith.constant 0 : i32
      %dma_start3A_458 = arith.constant 0 : i32
      %dma_start3A_459 = tpu.memref_slice %arg2[%dma_start3A, %dma_start3A_458] : memref<10000x128xf32, #tpu.memory_space<hbm>> -> memref<10000x128xf32, #tpu.memory_space<hbm>>
      tpu.enqueue_indirect_dma source(%dma_start3A_459 : memref<10000x128xf32, #tpu.memory_space<hbm>>) target(%arg17 : memref<128x128xf32, #tpu.memory_space<vmem>>) offsets(%arg19 : memref<128xi32, #tpu.memory_space<vmem>>) semaphore(%arg18 : memref<!tpu.dma_semaphore, #tpu.memory_space<semaphore_mem>>)
      %dma_wait3A = arith.constant 0 : i32
      %dma_wait3A_460 = arith.constant 0 : i32
      %dma_wait3A_461 = tpu.memref_slice %arg2[%dma_wait3A, %dma_wait3A_460] : memref<10000x128xf32, #tpu.memory_space<hbm>> -> memref<10000x128xf32, #tpu.memory_space<hbm>>
      tpu.wait_indirect_dma semaphore(%arg18 : memref<!tpu.dma_semaphore, #tpu.memory_space<semaphore_mem>>) src(%dma_wait3A_461 : memref<10000x128xf32, #tpu.memory_space<hbm>>) dst(%arg17 : memref<128x128xf32, #tpu.memory_space<vmem>>)
      "tpu.region"() ({
        %run_scoped3A_463 = tpu.sem_alloc : memref<!tpu.dma_semaphore, #tpu.memory_space<semaphore_mem>>
        %dma_start3A_464 = arith.constant 0 : i32
        %dma_start3A_465 = arith.constant 0 : i32
        %dma_start3A_466 = tpu.memref_slice %arg13[%dma_start3A_464, %dma_start3A_465] : memref<10240x128xf32, #tpu.memory_space<vmem_shared>> -> memref<10240x128xf32, #tpu.memory_space<vmem_shared>>
        tpu.enqueue_indirect_dma source(%arg17 : memref<128x128xf32, #tpu.memory_space<vmem>>) target(%dma_start3A_466 : memref<10240x128xf32, #tpu.memory_space<vmem_shared>>) offsets(%arg15 : memref<128xi32, #tpu.memory_space<vmem>>) semaphore(%run_scoped3A_463 : memref<!tpu.dma_semaphore, #tpu.memory_space<semaphore_mem>>) {add = true}
        %dma_wait3A_467 = arith.constant 0 : i32
        %dma_wait3A_468 = arith.constant 0 : i32
        %dma_wait3A_469 = tpu.memref_slice %arg13[%dma_wait3A_467, %dma_wait3A_468] : memref<10240x128xf32, #tpu.memory_space<vmem_shared>> -> memref<10240x128xf32, #tpu.memory_space<vmem_shared>>
        tpu.wait_indirect_dma semaphore(%run_scoped3A_463 : memref<!tpu.dma_semaphore, #tpu.memory_space<semaphore_mem>>) src(%arg17 : memref<128x128xf32, #tpu.memory_space<vmem>>) dst(%dma_wait3A_469 : memref<10240x128xf32, #tpu.memory_space<vmem_shared>>)
        tpu.yield
      }) : () -> ()
      "tpu.region"() ({
        %run_scoped3A_463 = tpu.sem_alloc : memref<!tpu.dma_semaphore, #tpu.memory_space<semaphore_mem>>
        %dma_start3A_464 = arith.constant 0 : i32
        %dma_start3A_465 = tpu.memref_slice %arg14[%dma_start3A_464] : memref<10240xf32, #tpu.memory_space<vmem_shared>> -> memref<10240xf32, #tpu.memory_space<vmem_shared>>
        tpu.enqueue_indirect_dma source(%arg16 : memref<128xf32, #tpu.memory_space<vmem>>) target(%dma_start3A_465 : memref<10240xf32, #tpu.memory_space<vmem_shared>>) offsets(%arg15 : memref<128xi32, #tpu.memory_space<vmem>>) semaphore(%run_scoped3A_463 : memref<!tpu.dma_semaphore, #tpu.memory_space<semaphore_mem>>) {add = true}
        %dma_wait3A_466 = arith.constant 0 : i32
        %dma_wait3A_467 = tpu.memref_slice %arg14[%dma_wait3A_466] : memref<10240xf32, #tpu.memory_space<vmem_shared>> -> memref<10240xf32, #tpu.memory_space<vmem_shared>>
        tpu.wait_indirect_dma semaphore(%run_scoped3A_463 : memref<!tpu.dma_semaphore, #tpu.memory_space<semaphore_mem>>) src(%arg16 : memref<128xf32, #tpu.memory_space<vmem>>) dst(%dma_wait3A_467 : memref<10240xf32, #tpu.memory_space<vmem_shared>>)
        tpu.yield
      }) : () -> ()
      %while3A_462 = arith.constant 0 : i32
      scf.yield %while3A_462 : i32
    }
    %while3A_315 = arith.constant 1 : i32
    %while3A_316 = scf.for %while3A_450 = %while3A_312 to %while3A_308 step %while3A_315 iter_args(%while3A_451 = %while3A_314) -> (i32)  : i32 {
      %add3A_452 = arith.addi %mul3A_305, %arg1 : i32
      %mul3A_453 = arith.constant 16 : i32
      %mul3A_454 = arith.muli %while3A_450, %mul3A_453 : i32
      %add3A_455 = arith.addi %add3A_452, %mul3A_454 : i32
      %mul3A_456 = arith.constant 128 : i32
      %mul3A_457 = arith.muli %add3A_455, %mul3A_456 : i32
      "tpu.region"() ({
        %run_scoped3A_463 = tpu.sem_alloc : memref<!tpu.dma_semaphore, #tpu.memory_space<semaphore_mem>>
        %dma_start3A_464 = tpu.memref_slice %arg5[%mul3A_457] : memref<320000xi32, #tpu.memory_space<hbm>> -> memref<128xi32, #tpu.memory_space<hbm>>
        %dma_start3A_465 = tpu.memref_slice %arg5[%mul3A_457] : memref<320000xi32, #tpu.memory_space<hbm>> -> memref<128xi32, #tpu.memory_space<hbm>>
        tpu.enqueue_dma source(%dma_start3A_465 : memref<128xi32, #tpu.memory_space<hbm>>) target(%arg19 : memref<128xi32, #tpu.memory_space<vmem>>) target_semaphore(%run_scoped3A_463 : memref<!tpu.dma_semaphore, #tpu.memory_space<semaphore_mem>>)
        %dma_wait3A_466 = tpu.memref_slice %arg5[%mul3A_457] : memref<320000xi32, #tpu.memory_space<hbm>> -> memref<128xi32, #tpu.memory_space<hbm>>
        %dma_wait3A_467 = tpu.memref_slice %arg5[%mul3A_457] : memref<320000xi32, #tpu.memory_space<hbm>> -> memref<128xi32, #tpu.memory_space<hbm>>
        tpu.wait_dma2 semaphore(%run_scoped3A_463 : memref<!tpu.dma_semaphore, #tpu.memory_space<semaphore_mem>>) src(%dma_wait3A_467 : memref<128xi32, #tpu.memory_space<hbm>>) dst(%arg19 : memref<128xi32, #tpu.memory_space<vmem>>)
        tpu.yield
      }) : () -> ()
      "tpu.region"() ({
        %run_scoped3A_463 = tpu.sem_alloc : memref<!tpu.dma_semaphore, #tpu.memory_space<semaphore_mem>>
        %dma_start3A_464 = tpu.memref_slice %arg8[%mul3A_457] : memref<320000xi32, #tpu.memory_space<hbm>> -> memref<128xi32, #tpu.memory_space<hbm>>
        %dma_start3A_465 = tpu.memref_slice %arg8[%mul3A_457] : memref<320000xi32, #tpu.memory_space<hbm>> -> memref<128xi32, #tpu.memory_space<hbm>>
        tpu.enqueue_dma source(%dma_start3A_465 : memref<128xi32, #tpu.memory_space<hbm>>) target(%arg15 : memref<128xi32, #tpu.memory_space<vmem>>) target_semaphore(%run_scoped3A_463 : memref<!tpu.dma_semaphore, #tpu.memory_space<semaphore_mem>>)
        %dma_wait3A_466 = tpu.memref_slice %arg8[%mul3A_457] : memref<320000xi32, #tpu.memory_space<hbm>> -> memref<128xi32, #tpu.memory_space<hbm>>
        %dma_wait3A_467 = tpu.memref_slice %arg8[%mul3A_457] : memref<320000xi32, #tpu.memory_space<hbm>> -> memref<128xi32, #tpu.memory_space<hbm>>
        tpu.wait_dma2 semaphore(%run_scoped3A_463 : memref<!tpu.dma_semaphore, #tpu.memory_space<semaphore_mem>>) src(%dma_wait3A_467 : memref<128xi32, #tpu.memory_space<hbm>>) dst(%arg15 : memref<128xi32, #tpu.memory_space<vmem>>)
        tpu.yield
      }) : () -> ()
      %dma_start3A = arith.constant 0 : i32
      %dma_start3A_458 = arith.constant 0 : i32
      %dma_start3A_459 = tpu.memref_slice %arg2[%dma_start3A, %dma_start3A_458] : memref<10000x128xf32, #tpu.memory_space<hbm>> -> memref<10000x128xf32, #tpu.memory_space<hbm>>
      tpu.enqueue_indirect_dma source(%dma_start3A_459 : memref<10000x128xf32, #tpu.memory_space<hbm>>) target(%arg17 : memref<128x128xf32, #tpu.memory_space<vmem>>) offsets(%arg19 : memref<128xi32, #tpu.memory_space<vmem>>) semaphore(%arg18 : memref<!tpu.dma_semaphore, #tpu.memory_space<semaphore_mem>>)
      %dma_wait3A = arith.constant 0 : i32
      %dma_wait3A_460 = arith.constant 0 : i32
      %dma_wait3A_461 = tpu.memref_slice %arg2[%dma_wait3A, %dma_wait3A_460] : memref<10000x128xf32, #tpu.memory_space<hbm>> -> memref<10000x128xf32, #tpu.memory_space<hbm>>
      tpu.wait_indirect_dma semaphore(%arg18 : memref<!tpu.dma_semaphore, #tpu.memory_space<semaphore_mem>>) src(%dma_wait3A_461 : memref<10000x128xf32, #tpu.memory_space<hbm>>) dst(%arg17 : memref<128x128xf32, #tpu.memory_space<vmem>>)
      "tpu.region"() ({
        %run_scoped3A_463 = tpu.sem_alloc : memref<!tpu.dma_semaphore, #tpu.memory_space<semaphore_mem>>
        %dma_start3A_464 = arith.constant 0 : i32
        %dma_start3A_465 = arith.constant 0 : i32
        %dma_start3A_466 = tpu.memref_slice %arg13[%dma_start3A_464, %dma_start3A_465] : memref<10240x128xf32, #tpu.memory_space<vmem_shared>> -> memref<10240x128xf32, #tpu.memory_space<vmem_shared>>
        tpu.enqueue_indirect_dma source(%arg17 : memref<128x128xf32, #tpu.memory_space<vmem>>) target(%dma_start3A_466 : memref<10240x128xf32, #tpu.memory_space<vmem_shared>>) offsets(%arg15 : memref<128xi32, #tpu.memory_space<vmem>>) semaphore(%run_scoped3A_463 : memref<!tpu.dma_semaphore, #tpu.memory_space<semaphore_mem>>) {add = true}
        %dma_wait3A_467 = arith.constant 0 : i32
        %dma_wait3A_468 = arith.constant 0 : i32
        %dma_wait3A_469 = tpu.memref_slice %arg13[%dma_wait3A_467, %dma_wait3A_468] : memref<10240x128xf32, #tpu.memory_space<vmem_shared>> -> memref<10240x128xf32, #tpu.memory_space<vmem_shared>>
        tpu.wait_indirect_dma semaphore(%run_scoped3A_463 : memref<!tpu.dma_semaphore, #tpu.memory_space<semaphore_mem>>) src(%arg17 : memref<128x128xf32, #tpu.memory_space<vmem>>) dst(%dma_wait3A_469 : memref<10240x128xf32, #tpu.memory_space<vmem_shared>>)
        tpu.yield
      }) : () -> ()
      "tpu.region"() ({
        %run_scoped3A_463 = tpu.sem_alloc : memref<!tpu.dma_semaphore, #tpu.memory_space<semaphore_mem>>
        %dma_start3A_464 = arith.constant 0 : i32
        %dma_start3A_465 = tpu.memref_slice %arg14[%dma_start3A_464] : memref<10240xf32, #tpu.memory_space<vmem_shared>> -> memref<10240xf32, #tpu.memory_space<vmem_shared>>
        tpu.enqueue_indirect_dma source(%arg16 : memref<128xf32, #tpu.memory_space<vmem>>) target(%dma_start3A_465 : memref<10240xf32, #tpu.memory_space<vmem_shared>>) offsets(%arg15 : memref<128xi32, #tpu.memory_space<vmem>>) semaphore(%run_scoped3A_463 : memref<!tpu.dma_semaphore, #tpu.memory_space<semaphore_mem>>) {add = true}
        %dma_wait3A_466 = arith.constant 0 : i32
        %dma_wait3A_467 = tpu.memref_slice %arg14[%dma_wait3A_466] : memref<10240xf32, #tpu.memory_space<vmem_shared>> -> memref<10240xf32, #tpu.memory_space<vmem_shared>>
        tpu.wait_indirect_dma semaphore(%run_scoped3A_463 : memref<!tpu.dma_semaphore, #tpu.memory_space<semaphore_mem>>) src(%arg16 : memref<128xf32, #tpu.memory_space<vmem>>) dst(%dma_wait3A_467 : memref<10240xf32, #tpu.memory_space<vmem_shared>>)
        tpu.yield
      }) : () -> ()
      %while3A_462 = arith.constant 0 : i32
      scf.yield %while3A_462 : i32
    }
    %barrier3A_317 = arith.constant 0 : index
    tpu.barrier barrier_id(%barrier3A_317)
    %add3A_318 = arith.constant 0 : i32
    %add3A_319 = arith.addi %mul3A_0, %add3A_318 : i32
    %add3A_320 = arith.constant 0 : i32
    %add3A_321 = arith.addi %mul3A_0, %add3A_320 : i32
    %run_scoped3A = arith.constant 0 : i32
    "tpu.region"() ({
      %run_scoped3A_450 = tpu.sem_alloc : memref<!tpu.dma_semaphore, #tpu.memory_space<semaphore_mem>>
      %dma_start3A = arith.constant 0 : i32
      %dma_start3A_451 = tpu.memref_slice %arg11[%run_scoped3A, %arg0, %add3A_321, %dma_start3A] : memref<3x2x10240x128xf32, #tpu.memory_space<hbm>> -> memref<1x1x128x128xf32, #tpu.memory_space<hbm>>
      %dma_start3A_452 = tpu.memref_squeeze %dma_start3A_451 : memref<1x1x128x128xf32, #tpu.memory_space<hbm>> -> memref<128x128xf32, #tpu.memory_space<hbm>>
      %dma_start3A_453 = arith.constant 0 : i32
      %dma_start3A_454 = tpu.memref_slice %arg13[%add3A_319, %dma_start3A_453] : memref<10240x128xf32, #tpu.memory_space<vmem_shared>> -> memref<128x128xf32, #tpu.memory_space<vmem_shared>>
      tpu.enqueue_dma source(%dma_start3A_454 : memref<128x128xf32, #tpu.memory_space<vmem_shared>>) target(%dma_start3A_452 : memref<128x128xf32, #tpu.memory_space<hbm>>) target_semaphore(%run_scoped3A_450 : memref<!tpu.dma_semaphore, #tpu.memory_space<semaphore_mem>>)
      %dma_wait3A = arith.constant 0 : i32
      %dma_wait3A_455 = tpu.memref_slice %arg11[%run_scoped3A, %arg0, %add3A_321, %dma_wait3A] : memref<3x2x10240x128xf32, #tpu.memory_space<hbm>> -> memref<1x1x128x128xf32, #tpu.memory_space<hbm>>
      %dma_wait3A_456 = tpu.memref_squeeze %dma_wait3A_455 : memref<1x1x128x128xf32, #tpu.memory_space<hbm>> -> memref<128x128xf32, #tpu.memory_space<hbm>>
      %dma_wait3A_457 = arith.constant 0 : i32
      %dma_wait3A_458 = tpu.memref_slice %arg13[%add3A_319, %dma_wait3A_457] : memref<10240x128xf32, #tpu.memory_space<vmem_shared>> -> memref<128x128xf32, #tpu.memory_space<vmem_shared>>
      tpu.wait_dma2 semaphore(%run_scoped3A_450 : memref<!tpu.dma_semaphore, #tpu.memory_space<semaphore_mem>>) src(%dma_wait3A_458 : memref<128x128xf32, #tpu.memory_space<vmem_shared>>) dst(%dma_wait3A_456 : memref<128x128xf32, #tpu.memory_space<hbm>>)
      tpu.yield
    }) : () -> ()
    %add3A_322 = arith.constant 128 : i32
    %add3A_323 = arith.addi %mul3A_0, %add3A_322 : i32
    %add3A_324 = arith.constant 128 : i32
    %add3A_325 = arith.addi %mul3A_0, %add3A_324 : i32
    %run_scoped3A_326 = arith.constant 0 : i32
    "tpu.region"() ({
      %run_scoped3A_450 = tpu.sem_alloc : memref<!tpu.dma_semaphore, #tpu.memory_space<semaphore_mem>>
      %dma_start3A = arith.constant 0 : i32
      %dma_start3A_451 = tpu.memref_slice %arg11[%run_scoped3A_326, %arg0, %add3A_325, %dma_start3A] : memref<3x2x10240x128xf32, #tpu.memory_space<hbm>> -> memref<1x1x128x128xf32, #tpu.memory_space<hbm>>
      %dma_start3A_452 = tpu.memref_squeeze %dma_start3A_451 : memref<1x1x128x128xf32, #tpu.memory_space<hbm>> -> memref<128x128xf32, #tpu.memory_space<hbm>>
      %dma_start3A_453 = arith.constant 0 : i32
      %dma_start3A_454 = tpu.memref_slice %arg13[%add3A_323, %dma_start3A_453] : memref<10240x128xf32, #tpu.memory_space<vmem_shared>> -> memref<128x128xf32, #tpu.memory_space<vmem_shared>>
      tpu.enqueue_dma source(%dma_start3A_454 : memref<128x128xf32, #tpu.memory_space<vmem_shared>>) target(%dma_start3A_452 : memref<128x128xf32, #tpu.memory_space<hbm>>) target_semaphore(%run_scoped3A_450 : memref<!tpu.dma_semaphore, #tpu.memory_space<semaphore_mem>>)
      %dma_wait3A = arith.constant 0 : i32
      %dma_wait3A_455 = tpu.memref_slice %arg11[%run_scoped3A_326, %arg0, %add3A_325, %dma_wait3A] : memref<3x2x10240x128xf32, #tpu.memory_space<hbm>> -> memref<1x1x128x128xf32, #tpu.memory_space<hbm>>
      %dma_wait3A_456 = tpu.memref_squeeze %dma_wait3A_455 : memref<1x1x128x128xf32, #tpu.memory_space<hbm>> -> memref<128x128xf32, #tpu.memory_space<hbm>>
      %dma_wait3A_457 = arith.constant 0 : i32
      %dma_wait3A_458 = tpu.memref_slice %arg13[%add3A_323, %dma_wait3A_457] : memref<10240x128xf32, #tpu.memory_space<vmem_shared>> -> memref<128x128xf32, #tpu.memory_space<vmem_shared>>
      tpu.wait_dma2 semaphore(%run_scoped3A_450 : memref<!tpu.dma_semaphore, #tpu.memory_space<semaphore_mem>>) src(%dma_wait3A_458 : memref<128x128xf32, #tpu.memory_space<vmem_shared>>) dst(%dma_wait3A_456 : memref<128x128xf32, #tpu.memory_space<hbm>>)
      tpu.yield
    }) : () -> ()
    %add3A_327 = arith.constant 256 : i32
    %add3A_328 = arith.addi %mul3A_0, %add3A_327 : i32
    %add3A_329 = arith.constant 256 : i32
    %add3A_330 = arith.addi %mul3A_0, %add3A_329 : i32
    %run_scoped3A_331 = arith.constant 0 : i32
    "tpu.region"() ({
      %run_scoped3A_450 = tpu.sem_alloc : memref<!tpu.dma_semaphore, #tpu.memory_space<semaphore_mem>>
      %dma_start3A = arith.constant 0 : i32
      %dma_start3A_451 = tpu.memref_slice %arg11[%run_scoped3A_331, %arg0, %add3A_330, %dma_start3A] : memref<3x2x10240x128xf32, #tpu.memory_space<hbm>> -> memref<1x1x128x128xf32, #tpu.memory_space<hbm>>
      %dma_start3A_452 = tpu.memref_squeeze %dma_start3A_451 : memref<1x1x128x128xf32, #tpu.memory_space<hbm>> -> memref<128x128xf32, #tpu.memory_space<hbm>>
      %dma_start3A_453 = arith.constant 0 : i32
      %dma_start3A_454 = tpu.memref_slice %arg13[%add3A_328, %dma_start3A_453] : memref<10240x128xf32, #tpu.memory_space<vmem_shared>> -> memref<128x128xf32, #tpu.memory_space<vmem_shared>>
      tpu.enqueue_dma source(%dma_start3A_454 : memref<128x128xf32, #tpu.memory_space<vmem_shared>>) target(%dma_start3A_452 : memref<128x128xf32, #tpu.memory_space<hbm>>) target_semaphore(%run_scoped3A_450 : memref<!tpu.dma_semaphore, #tpu.memory_space<semaphore_mem>>)
      %dma_wait3A = arith.constant 0 : i32
      %dma_wait3A_455 = tpu.memref_slice %arg11[%run_scoped3A_331, %arg0, %add3A_330, %dma_wait3A] : memref<3x2x10240x128xf32, #tpu.memory_space<hbm>> -> memref<1x1x128x128xf32, #tpu.memory_space<hbm>>
      %dma_wait3A_456 = tpu.memref_squeeze %dma_wait3A_455 : memref<1x1x128x128xf32, #tpu.memory_space<hbm>> -> memref<128x128xf32, #tpu.memory_space<hbm>>
      %dma_wait3A_457 = arith.constant 0 : i32
      %dma_wait3A_458 = tpu.memref_slice %arg13[%add3A_328, %dma_wait3A_457] : memref<10240x128xf32, #tpu.memory_space<vmem_shared>> -> memref<128x128xf32, #tpu.memory_space<vmem_shared>>
      tpu.wait_dma2 semaphore(%run_scoped3A_450 : memref<!tpu.dma_semaphore, #tpu.memory_space<semaphore_mem>>) src(%dma_wait3A_458 : memref<128x128xf32, #tpu.memory_space<vmem_shared>>) dst(%dma_wait3A_456 : memref<128x128xf32, #tpu.memory_space<hbm>>)
      tpu.yield
    }) : () -> ()
    %add3A_332 = arith.constant 384 : i32
    %add3A_333 = arith.addi %mul3A_0, %add3A_332 : i32
    %add3A_334 = arith.constant 384 : i32
    %add3A_335 = arith.addi %mul3A_0, %add3A_334 : i32
    %run_scoped3A_336 = arith.constant 0 : i32
    "tpu.region"() ({
      %run_scoped3A_450 = tpu.sem_alloc : memref<!tpu.dma_semaphore, #tpu.memory_space<semaphore_mem>>
      %dma_start3A = arith.constant 0 : i32
      %dma_start3A_451 = tpu.memref_slice %arg11[%run_scoped3A_336, %arg0, %add3A_335, %dma_start3A] : memref<3x2x10240x128xf32, #tpu.memory_space<hbm>> -> memref<1x1x128x128xf32, #tpu.memory_space<hbm>>
      %dma_start3A_452 = tpu.memref_squeeze %dma_start3A_451 : memref<1x1x128x128xf32, #tpu.memory_space<hbm>> -> memref<128x128xf32, #tpu.memory_space<hbm>>
      %dma_start3A_453 = arith.constant 0 : i32
      %dma_start3A_454 = tpu.memref_slice %arg13[%add3A_333, %dma_start3A_453] : memref<10240x128xf32, #tpu.memory_space<vmem_shared>> -> memref<128x128xf32, #tpu.memory_space<vmem_shared>>
      tpu.enqueue_dma source(%dma_start3A_454 : memref<128x128xf32, #tpu.memory_space<vmem_shared>>) target(%dma_start3A_452 : memref<128x128xf32, #tpu.memory_space<hbm>>) target_semaphore(%run_scoped3A_450 : memref<!tpu.dma_semaphore, #tpu.memory_space<semaphore_mem>>)
      %dma_wait3A = arith.constant 0 : i32
      %dma_wait3A_455 = tpu.memref_slice %arg11[%run_scoped3A_336, %arg0, %add3A_335, %dma_wait3A] : memref<3x2x10240x128xf32, #tpu.memory_space<hbm>> -> memref<1x1x128x128xf32, #tpu.memory_space<hbm>>
      %dma_wait3A_456 = tpu.memref_squeeze %dma_wait3A_455 : memref<1x1x128x128xf32, #tpu.memory_space<hbm>> -> memref<128x128xf32, #tpu.memory_space<hbm>>
      %dma_wait3A_457 = arith.constant 0 : i32
      %dma_wait3A_458 = tpu.memref_slice %arg13[%add3A_333, %dma_wait3A_457] : memref<10240x128xf32, #tpu.memory_space<vmem_shared>> -> memref<128x128xf32, #tpu.memory_space<vmem_shared>>
      tpu.wait_dma2 semaphore(%run_scoped3A_450 : memref<!tpu.dma_semaphore, #tpu.memory_space<semaphore_mem>>) src(%dma_wait3A_458 : memref<128x128xf32, #tpu.memory_space<vmem_shared>>) dst(%dma_wait3A_456 : memref<128x128xf32, #tpu.memory_space<hbm>>)
      tpu.yield
    }) : () -> ()
    %add3A_337 = arith.constant 512 : i32
    %add3A_338 = arith.addi %mul3A_0, %add3A_337 : i32
    %add3A_339 = arith.constant 512 : i32
    %add3A_340 = arith.addi %mul3A_0, %add3A_339 : i32
    %run_scoped3A_341 = arith.constant 0 : i32
    "tpu.region"() ({
      %run_scoped3A_450 = tpu.sem_alloc : memref<!tpu.dma_semaphore, #tpu.memory_space<semaphore_mem>>
      %dma_start3A = arith.constant 0 : i32
      %dma_start3A_451 = tpu.memref_slice %arg11[%run_scoped3A_341, %arg0, %add3A_340, %dma_start3A] : memref<3x2x10240x128xf32, #tpu.memory_space<hbm>> -> memref<1x1x128x128xf32, #tpu.memory_space<hbm>>
      %dma_start3A_452 = tpu.memref_squeeze %dma_start3A_451 : memref<1x1x128x128xf32, #tpu.memory_space<hbm>> -> memref<128x128xf32, #tpu.memory_space<hbm>>
      %dma_start3A_453 = arith.constant 0 : i32
      %dma_start3A_454 = tpu.memref_slice %arg13[%add3A_338, %dma_start3A_453] : memref<10240x128xf32, #tpu.memory_space<vmem_shared>> -> memref<128x128xf32, #tpu.memory_space<vmem_shared>>
      tpu.enqueue_dma source(%dma_start3A_454 : memref<128x128xf32, #tpu.memory_space<vmem_shared>>) target(%dma_start3A_452 : memref<128x128xf32, #tpu.memory_space<hbm>>) target_semaphore(%run_scoped3A_450 : memref<!tpu.dma_semaphore, #tpu.memory_space<semaphore_mem>>)
      %dma_wait3A = arith.constant 0 : i32
      %dma_wait3A_455 = tpu.memref_slice %arg11[%run_scoped3A_341, %arg0, %add3A_340, %dma_wait3A] : memref<3x2x10240x128xf32, #tpu.memory_space<hbm>> -> memref<1x1x128x128xf32, #tpu.memory_space<hbm>>
      %dma_wait3A_456 = tpu.memref_squeeze %dma_wait3A_455 : memref<1x1x128x128xf32, #tpu.memory_space<hbm>> -> memref<128x128xf32, #tpu.memory_space<hbm>>
      %dma_wait3A_457 = arith.constant 0 : i32
      %dma_wait3A_458 = tpu.memref_slice %arg13[%add3A_338, %dma_wait3A_457] : memref<10240x128xf32, #tpu.memory_space<vmem_shared>> -> memref<128x128xf32, #tpu.memory_space<vmem_shared>>
      tpu.wait_dma2 semaphore(%run_scoped3A_450 : memref<!tpu.dma_semaphore, #tpu.memory_space<semaphore_mem>>) src(%dma_wait3A_458 : memref<128x128xf32, #tpu.memory_space<vmem_shared>>) dst(%dma_wait3A_456 : memref<128x128xf32, #tpu.memory_space<hbm>>)
      tpu.yield
    }) : () -> ()
    %run_scoped3A_342 = arith.constant 0 : i32
    "tpu.region"() ({
      %run_scoped3A_450 = tpu.sem_alloc : memref<!tpu.dma_semaphore, #tpu.memory_space<semaphore_mem>>
      %dma_start3A = tpu.memref_slice %arg12[%run_scoped3A_342, %arg0, %mul3A_0] : memref<3x2x10240xf32, #tpu.memory_space<hbm>> -> memref<1x1x640xf32, #tpu.memory_space<hbm>>
      %dma_start3A_451 = tpu.memref_squeeze %dma_start3A : memref<1x1x640xf32, #tpu.memory_space<hbm>> -> memref<640xf32, #tpu.memory_space<hbm>>
      %dma_start3A_452 = tpu.memref_slice %arg14[%mul3A_0] : memref<10240xf32, #tpu.memory_space<vmem_shared>> -> memref<640xf32, #tpu.memory_space<vmem_shared>>
      tpu.enqueue_dma source(%dma_start3A_452 : memref<640xf32, #tpu.memory_space<vmem_shared>>) target(%dma_start3A_451 : memref<640xf32, #tpu.memory_space<hbm>>) target_semaphore(%run_scoped3A_450 : memref<!tpu.dma_semaphore, #tpu.memory_space<semaphore_mem>>)
      %dma_wait3A = tpu.memref_slice %arg12[%run_scoped3A_342, %arg0, %mul3A_0] : memref<3x2x10240xf32, #tpu.memory_space<hbm>> -> memref<1x1x640xf32, #tpu.memory_space<hbm>>
      %dma_wait3A_453 = tpu.memref_squeeze %dma_wait3A : memref<1x1x640xf32, #tpu.memory_space<hbm>> -> memref<640xf32, #tpu.memory_space<hbm>>
      %dma_wait3A_454 = tpu.memref_slice %arg14[%mul3A_0] : memref<10240xf32, #tpu.memory_space<vmem_shared>> -> memref<640xf32, #tpu.memory_space<vmem_shared>>
      tpu.wait_dma2 semaphore(%run_scoped3A_450 : memref<!tpu.dma_semaphore, #tpu.memory_space<semaphore_mem>>) src(%dma_wait3A_454 : memref<640xf32, #tpu.memory_space<vmem_shared>>) dst(%dma_wait3A_453 : memref<640xf32, #tpu.memory_space<hbm>>)
      tpu.yield
    }) : () -> ()
    %barrier3A_343 = arith.constant 0 : index
    tpu.barrier barrier_id(%barrier3A_343)
    %add3A_344 = arith.constant 0 : i32
    %add3A_345 = arith.addi %mul3A_0, %add3A_344 : i32
    "tpu.region"() ({
      %run_scoped3A_450 = tpu.sem_alloc : memref<!tpu.dma_semaphore, #tpu.memory_space<semaphore_mem>>
      %dma_start3A = arith.constant 0 : i32
      %dma_start3A_451 = tpu.memref_slice %arg13[%add3A_345, %dma_start3A] : memref<10240x128xf32, #tpu.memory_space<vmem_shared>> -> memref<128x128xf32, #tpu.memory_space<vmem_shared>>
      %dma_start3A_452 = arith.constant 0 : i32
      %dma_start3A_453 = tpu.memref_slice %arg13[%add3A_345, %dma_start3A_452] : memref<10240x128xf32, #tpu.memory_space<vmem_shared>> -> memref<128x128xf32, #tpu.memory_space<vmem_shared>>
      tpu.enqueue_dma source(%arg21 : memref<128x128xf32, #tpu.memory_space<vmem>>) target(%dma_start3A_453 : memref<128x128xf32, #tpu.memory_space<vmem_shared>>) target_semaphore(%run_scoped3A_450 : memref<!tpu.dma_semaphore, #tpu.memory_space<semaphore_mem>>)
      %dma_wait3A = arith.constant 0 : i32
      %dma_wait3A_454 = tpu.memref_slice %arg13[%add3A_345, %dma_wait3A] : memref<10240x128xf32, #tpu.memory_space<vmem_shared>> -> memref<128x128xf32, #tpu.memory_space<vmem_shared>>
      %dma_wait3A_455 = arith.constant 0 : i32
      %dma_wait3A_456 = tpu.memref_slice %arg13[%add3A_345, %dma_wait3A_455] : memref<10240x128xf32, #tpu.memory_space<vmem_shared>> -> memref<128x128xf32, #tpu.memory_space<vmem_shared>>
      tpu.wait_dma2 semaphore(%run_scoped3A_450 : memref<!tpu.dma_semaphore, #tpu.memory_space<semaphore_mem>>) src(%arg21 : memref<128x128xf32, #tpu.memory_space<vmem>>) dst(%dma_wait3A_456 : memref<128x128xf32, #tpu.memory_space<vmem_shared>>)
      tpu.yield
    }) : () -> ()
    %add3A_346 = arith.constant 128 : i32
    %add3A_347 = arith.addi %mul3A_0, %add3A_346 : i32
    "tpu.region"() ({
      %run_scoped3A_450 = tpu.sem_alloc : memref<!tpu.dma_semaphore, #tpu.memory_space<semaphore_mem>>
      %dma_start3A = arith.constant 0 : i32
      %dma_start3A_451 = tpu.memref_slice %arg13[%add3A_347, %dma_start3A] : memref<10240x128xf32, #tpu.memory_space<vmem_shared>> -> memref<128x128xf32, #tpu.memory_space<vmem_shared>>
      %dma_start3A_452 = arith.constant 0 : i32
      %dma_start3A_453 = tpu.memref_slice %arg13[%add3A_347, %dma_start3A_452] : memref<10240x128xf32, #tpu.memory_space<vmem_shared>> -> memref<128x128xf32, #tpu.memory_space<vmem_shared>>
      tpu.enqueue_dma source(%arg21 : memref<128x128xf32, #tpu.memory_space<vmem>>) target(%dma_start3A_453 : memref<128x128xf32, #tpu.memory_space<vmem_shared>>) target_semaphore(%run_scoped3A_450 : memref<!tpu.dma_semaphore, #tpu.memory_space<semaphore_mem>>)
      %dma_wait3A = arith.constant 0 : i32
      %dma_wait3A_454 = tpu.memref_slice %arg13[%add3A_347, %dma_wait3A] : memref<10240x128xf32, #tpu.memory_space<vmem_shared>> -> memref<128x128xf32, #tpu.memory_space<vmem_shared>>
      %dma_wait3A_455 = arith.constant 0 : i32
      %dma_wait3A_456 = tpu.memref_slice %arg13[%add3A_347, %dma_wait3A_455] : memref<10240x128xf32, #tpu.memory_space<vmem_shared>> -> memref<128x128xf32, #tpu.memory_space<vmem_shared>>
      tpu.wait_dma2 semaphore(%run_scoped3A_450 : memref<!tpu.dma_semaphore, #tpu.memory_space<semaphore_mem>>) src(%arg21 : memref<128x128xf32, #tpu.memory_space<vmem>>) dst(%dma_wait3A_456 : memref<128x128xf32, #tpu.memory_space<vmem_shared>>)
      tpu.yield
    }) : () -> ()
    %add3A_348 = arith.constant 256 : i32
    %add3A_349 = arith.addi %mul3A_0, %add3A_348 : i32
    "tpu.region"() ({
      %run_scoped3A_450 = tpu.sem_alloc : memref<!tpu.dma_semaphore, #tpu.memory_space<semaphore_mem>>
      %dma_start3A = arith.constant 0 : i32
      %dma_start3A_451 = tpu.memref_slice %arg13[%add3A_349, %dma_start3A] : memref<10240x128xf32, #tpu.memory_space<vmem_shared>> -> memref<128x128xf32, #tpu.memory_space<vmem_shared>>
      %dma_start3A_452 = arith.constant 0 : i32
      %dma_start3A_453 = tpu.memref_slice %arg13[%add3A_349, %dma_start3A_452] : memref<10240x128xf32, #tpu.memory_space<vmem_shared>> -> memref<128x128xf32, #tpu.memory_space<vmem_shared>>
      tpu.enqueue_dma source(%arg21 : memref<128x128xf32, #tpu.memory_space<vmem>>) target(%dma_start3A_453 : memref<128x128xf32, #tpu.memory_space<vmem_shared>>) target_semaphore(%run_scoped3A_450 : memref<!tpu.dma_semaphore, #tpu.memory_space<semaphore_mem>>)
      %dma_wait3A = arith.constant 0 : i32
      %dma_wait3A_454 = tpu.memref_slice %arg13[%add3A_349, %dma_wait3A] : memref<10240x128xf32, #tpu.memory_space<vmem_shared>> -> memref<128x128xf32, #tpu.memory_space<vmem_shared>>
      %dma_wait3A_455 = arith.constant 0 : i32
      %dma_wait3A_456 = tpu.memref_slice %arg13[%add3A_349, %dma_wait3A_455] : memref<10240x128xf32, #tpu.memory_space<vmem_shared>> -> memref<128x128xf32, #tpu.memory_space<vmem_shared>>
      tpu.wait_dma2 semaphore(%run_scoped3A_450 : memref<!tpu.dma_semaphore, #tpu.memory_space<semaphore_mem>>) src(%arg21 : memref<128x128xf32, #tpu.memory_space<vmem>>) dst(%dma_wait3A_456 : memref<128x128xf32, #tpu.memory_space<vmem_shared>>)
      tpu.yield
    }) : () -> ()
    %add3A_350 = arith.constant 384 : i32
    %add3A_351 = arith.addi %mul3A_0, %add3A_350 : i32
    "tpu.region"() ({
      %run_scoped3A_450 = tpu.sem_alloc : memref<!tpu.dma_semaphore, #tpu.memory_space<semaphore_mem>>
      %dma_start3A = arith.constant 0 : i32
      %dma_start3A_451 = tpu.memref_slice %arg13[%add3A_351, %dma_start3A] : memref<10240x128xf32, #tpu.memory_space<vmem_shared>> -> memref<128x128xf32, #tpu.memory_space<vmem_shared>>
      %dma_start3A_452 = arith.constant 0 : i32
      %dma_start3A_453 = tpu.memref_slice %arg13[%add3A_351, %dma_start3A_452] : memref<10240x128xf32, #tpu.memory_space<vmem_shared>> -> memref<128x128xf32, #tpu.memory_space<vmem_shared>>
      tpu.enqueue_dma source(%arg21 : memref<128x128xf32, #tpu.memory_space<vmem>>) target(%dma_start3A_453 : memref<128x128xf32, #tpu.memory_space<vmem_shared>>) target_semaphore(%run_scoped3A_450 : memref<!tpu.dma_semaphore, #tpu.memory_space<semaphore_mem>>)
      %dma_wait3A = arith.constant 0 : i32
      %dma_wait3A_454 = tpu.memref_slice %arg13[%add3A_351, %dma_wait3A] : memref<10240x128xf32, #tpu.memory_space<vmem_shared>> -> memref<128x128xf32, #tpu.memory_space<vmem_shared>>
      %dma_wait3A_455 = arith.constant 0 : i32
      %dma_wait3A_456 = tpu.memref_slice %arg13[%add3A_351, %dma_wait3A_455] : memref<10240x128xf32, #tpu.memory_space<vmem_shared>> -> memref<128x128xf32, #tpu.memory_space<vmem_shared>>
      tpu.wait_dma2 semaphore(%run_scoped3A_450 : memref<!tpu.dma_semaphore, #tpu.memory_space<semaphore_mem>>) src(%arg21 : memref<128x128xf32, #tpu.memory_space<vmem>>) dst(%dma_wait3A_456 : memref<128x128xf32, #tpu.memory_space<vmem_shared>>)
      tpu.yield
    }) : () -> ()
    %add3A_352 = arith.constant 512 : i32
    %add3A_353 = arith.addi %mul3A_0, %add3A_352 : i32
    "tpu.region"() ({
      %run_scoped3A_450 = tpu.sem_alloc : memref<!tpu.dma_semaphore, #tpu.memory_space<semaphore_mem>>
      %dma_start3A = arith.constant 0 : i32
      %dma_start3A_451 = tpu.memref_slice %arg13[%add3A_353, %dma_start3A] : memref<10240x128xf32, #tpu.memory_space<vmem_shared>> -> memref<128x128xf32, #tpu.memory_space<vmem_shared>>
      %dma_start3A_452 = arith.constant 0 : i32
      %dma_start3A_453 = tpu.memref_slice %arg13[%add3A_353, %dma_start3A_452] : memref<10240x128xf32, #tpu.memory_space<vmem_shared>> -> memref<128x128xf32, #tpu.memory_space<vmem_shared>>
      tpu.enqueue_dma source(%arg21 : memref<128x128xf32, #tpu.memory_space<vmem>>) target(%dma_start3A_453 : memref<128x128xf32, #tpu.memory_space<vmem_shared>>) target_semaphore(%run_scoped3A_450 : memref<!tpu.dma_semaphore, #tpu.memory_space<semaphore_mem>>)
      %dma_wait3A = arith.constant 0 : i32
      %dma_wait3A_454 = tpu.memref_slice %arg13[%add3A_353, %dma_wait3A] : memref<10240x128xf32, #tpu.memory_space<vmem_shared>> -> memref<128x128xf32, #tpu.memory_space<vmem_shared>>
      %dma_wait3A_455 = arith.constant 0 : i32
      %dma_wait3A_456 = tpu.memref_slice %arg13[%add3A_353, %dma_wait3A_455] : memref<10240x128xf32, #tpu.memory_space<vmem_shared>> -> memref<128x128xf32, #tpu.memory_space<vmem_shared>>
      tpu.wait_dma2 semaphore(%run_scoped3A_450 : memref<!tpu.dma_semaphore, #tpu.memory_space<semaphore_mem>>) src(%arg21 : memref<128x128xf32, #tpu.memory_space<vmem>>) dst(%dma_wait3A_456 : memref<128x128xf32, #tpu.memory_space<vmem_shared>>)
      tpu.yield
    }) : () -> ()
    "tpu.region"() ({
      %run_scoped3A_450 = tpu.sem_alloc : memref<!tpu.dma_semaphore, #tpu.memory_space<semaphore_mem>>
      %dma_start3A = tpu.memref_slice %arg14[%mul3A_0] : memref<10240xf32, #tpu.memory_space<vmem_shared>> -> memref<640xf32, #tpu.memory_space<vmem_shared>>
      %dma_start3A_451 = tpu.memref_slice %arg14[%mul3A_0] : memref<10240xf32, #tpu.memory_space<vmem_shared>> -> memref<640xf32, #tpu.memory_space<vmem_shared>>
      tpu.enqueue_dma source(%arg20 : memref<640xf32, #tpu.memory_space<vmem>>) target(%dma_start3A_451 : memref<640xf32, #tpu.memory_space<vmem_shared>>) target_semaphore(%run_scoped3A_450 : memref<!tpu.dma_semaphore, #tpu.memory_space<semaphore_mem>>)
      %dma_wait3A = tpu.memref_slice %arg14[%mul3A_0] : memref<10240xf32, #tpu.memory_space<vmem_shared>> -> memref<640xf32, #tpu.memory_space<vmem_shared>>
      %dma_wait3A_452 = tpu.memref_slice %arg14[%mul3A_0] : memref<10240xf32, #tpu.memory_space<vmem_shared>> -> memref<640xf32, #tpu.memory_space<vmem_shared>>
      tpu.wait_dma2 semaphore(%run_scoped3A_450 : memref<!tpu.dma_semaphore, #tpu.memory_space<semaphore_mem>>) src(%arg20 : memref<640xf32, #tpu.memory_space<vmem>>) dst(%dma_wait3A_452 : memref<640xf32, #tpu.memory_space<vmem_shared>>)
      tpu.yield
    }) : () -> ()
    %barrier3A_354 = arith.constant 0 : index
    tpu.barrier barrier_id(%barrier3A_354)
    %mul3A_355 = arith.constant 1250 : i32
    %mul3A_356 = arith.muli %arg0, %mul3A_355 : i32
    %while3A_357 = arith.constant 0 : i32
    %while3A_358 = arith.constant 0 : i32
    %while3A_359 = arith.subi %select_n3A, %while3A_357 : i32
    %while3A_360 = arith.addi %while3A_357, %while3A_359 : i32
    %while3A_361 = arith.constant 1 : i32
    %while3A_362 = arith.divsi %while3A_359, %while3A_361 : i32
    %while3A_363 = arith.muli %while3A_362, %while3A_361 : i32
    %while3A_364 = arith.addi %while3A_357, %while3A_363 : i32
    %while3A_365 = arith.constant 1 : i32
    %while3A_366 = scf.for %while3A_450 = %while3A_357 to %while3A_364 step %while3A_365 iter_args(%while3A_451 = %while3A_358) -> (i32)  : i32 {
      %add3A_452 = arith.addi %mul3A_356, %arg1 : i32
      %mul3A_453 = arith.constant 16 : i32
      %mul3A_454 = arith.muli %while3A_450, %mul3A_453 : i32
      %add3A_455 = arith.addi %add3A_452, %mul3A_454 : i32
      %mul3A_456 = arith.constant 128 : i32
      %mul3A_457 = arith.muli %add3A_455, %mul3A_456 : i32
      "tpu.region"() ({
        %run_scoped3A_463 = tpu.sem_alloc : memref<!tpu.dma_semaphore, #tpu.memory_space<semaphore_mem>>
        %dma_start3A_464 = tpu.memref_slice %arg6[%mul3A_457] : memref<320000xi32, #tpu.memory_space<hbm>> -> memref<128xi32, #tpu.memory_space<hbm>>
        %dma_start3A_465 = tpu.memref_slice %arg6[%mul3A_457] : memref<320000xi32, #tpu.memory_space<hbm>> -> memref<128xi32, #tpu.memory_space<hbm>>
        tpu.enqueue_dma source(%dma_start3A_465 : memref<128xi32, #tpu.memory_space<hbm>>) target(%arg19 : memref<128xi32, #tpu.memory_space<vmem>>) target_semaphore(%run_scoped3A_463 : memref<!tpu.dma_semaphore, #tpu.memory_space<semaphore_mem>>)
        %dma_wait3A_466 = tpu.memref_slice %arg6[%mul3A_457] : memref<320000xi32, #tpu.memory_space<hbm>> -> memref<128xi32, #tpu.memory_space<hbm>>
        %dma_wait3A_467 = tpu.memref_slice %arg6[%mul3A_457] : memref<320000xi32, #tpu.memory_space<hbm>> -> memref<128xi32, #tpu.memory_space<hbm>>
        tpu.wait_dma2 semaphore(%run_scoped3A_463 : memref<!tpu.dma_semaphore, #tpu.memory_space<semaphore_mem>>) src(%dma_wait3A_467 : memref<128xi32, #tpu.memory_space<hbm>>) dst(%arg19 : memref<128xi32, #tpu.memory_space<vmem>>)
        tpu.yield
      }) : () -> ()
      "tpu.region"() ({
        %run_scoped3A_463 = tpu.sem_alloc : memref<!tpu.dma_semaphore, #tpu.memory_space<semaphore_mem>>
        %dma_start3A_464 = tpu.memref_slice %arg9[%mul3A_457] : memref<320000xi32, #tpu.memory_space<hbm>> -> memref<128xi32, #tpu.memory_space<hbm>>
        %dma_start3A_465 = tpu.memref_slice %arg9[%mul3A_457] : memref<320000xi32, #tpu.memory_space<hbm>> -> memref<128xi32, #tpu.memory_space<hbm>>
        tpu.enqueue_dma source(%dma_start3A_465 : memref<128xi32, #tpu.memory_space<hbm>>) target(%arg15 : memref<128xi32, #tpu.memory_space<vmem>>) target_semaphore(%run_scoped3A_463 : memref<!tpu.dma_semaphore, #tpu.memory_space<semaphore_mem>>)
        %dma_wait3A_466 = tpu.memref_slice %arg9[%mul3A_457] : memref<320000xi32, #tpu.memory_space<hbm>> -> memref<128xi32, #tpu.memory_space<hbm>>
        %dma_wait3A_467 = tpu.memref_slice %arg9[%mul3A_457] : memref<320000xi32, #tpu.memory_space<hbm>> -> memref<128xi32, #tpu.memory_space<hbm>>
        tpu.wait_dma2 semaphore(%run_scoped3A_463 : memref<!tpu.dma_semaphore, #tpu.memory_space<semaphore_mem>>) src(%dma_wait3A_467 : memref<128xi32, #tpu.memory_space<hbm>>) dst(%arg15 : memref<128xi32, #tpu.memory_space<vmem>>)
        tpu.yield
      }) : () -> ()
      %dma_start3A = arith.constant 0 : i32
      %dma_start3A_458 = arith.constant 0 : i32
      %dma_start3A_459 = tpu.memref_slice %arg3[%dma_start3A, %dma_start3A_458] : memref<10000x128xf32, #tpu.memory_space<hbm>> -> memref<10000x128xf32, #tpu.memory_space<hbm>>
      tpu.enqueue_indirect_dma source(%dma_start3A_459 : memref<10000x128xf32, #tpu.memory_space<hbm>>) target(%arg17 : memref<128x128xf32, #tpu.memory_space<vmem>>) offsets(%arg19 : memref<128xi32, #tpu.memory_space<vmem>>) semaphore(%arg18 : memref<!tpu.dma_semaphore, #tpu.memory_space<semaphore_mem>>)
      %dma_wait3A = arith.constant 0 : i32
      %dma_wait3A_460 = arith.constant 0 : i32
      %dma_wait3A_461 = tpu.memref_slice %arg3[%dma_wait3A, %dma_wait3A_460] : memref<10000x128xf32, #tpu.memory_space<hbm>> -> memref<10000x128xf32, #tpu.memory_space<hbm>>
      tpu.wait_indirect_dma semaphore(%arg18 : memref<!tpu.dma_semaphore, #tpu.memory_space<semaphore_mem>>) src(%dma_wait3A_461 : memref<10000x128xf32, #tpu.memory_space<hbm>>) dst(%arg17 : memref<128x128xf32, #tpu.memory_space<vmem>>)
      "tpu.region"() ({
        %run_scoped3A_463 = tpu.sem_alloc : memref<!tpu.dma_semaphore, #tpu.memory_space<semaphore_mem>>
        %dma_start3A_464 = arith.constant 0 : i32
        %dma_start3A_465 = arith.constant 0 : i32
        %dma_start3A_466 = tpu.memref_slice %arg13[%dma_start3A_464, %dma_start3A_465] : memref<10240x128xf32, #tpu.memory_space<vmem_shared>> -> memref<10240x128xf32, #tpu.memory_space<vmem_shared>>
        tpu.enqueue_indirect_dma source(%arg17 : memref<128x128xf32, #tpu.memory_space<vmem>>) target(%dma_start3A_466 : memref<10240x128xf32, #tpu.memory_space<vmem_shared>>) offsets(%arg15 : memref<128xi32, #tpu.memory_space<vmem>>) semaphore(%run_scoped3A_463 : memref<!tpu.dma_semaphore, #tpu.memory_space<semaphore_mem>>) {add = true}
        %dma_wait3A_467 = arith.constant 0 : i32
        %dma_wait3A_468 = arith.constant 0 : i32
        %dma_wait3A_469 = tpu.memref_slice %arg13[%dma_wait3A_467, %dma_wait3A_468] : memref<10240x128xf32, #tpu.memory_space<vmem_shared>> -> memref<10240x128xf32, #tpu.memory_space<vmem_shared>>
        tpu.wait_indirect_dma semaphore(%run_scoped3A_463 : memref<!tpu.dma_semaphore, #tpu.memory_space<semaphore_mem>>) src(%arg17 : memref<128x128xf32, #tpu.memory_space<vmem>>) dst(%dma_wait3A_469 : memref<10240x128xf32, #tpu.memory_space<vmem_shared>>)
        tpu.yield
      }) : () -> ()
      "tpu.region"() ({
        %run_scoped3A_463 = tpu.sem_alloc : memref<!tpu.dma_semaphore, #tpu.memory_space<semaphore_mem>>
        %dma_start3A_464 = arith.constant 0 : i32
        %dma_start3A_465 = tpu.memref_slice %arg14[%dma_start3A_464] : memref<10240xf32, #tpu.memory_space<vmem_shared>> -> memref<10240xf32, #tpu.memory_space<vmem_shared>>
        tpu.enqueue_indirect_dma source(%arg16 : memref<128xf32, #tpu.memory_space<vmem>>) target(%dma_start3A_465 : memref<10240xf32, #tpu.memory_space<vmem_shared>>) offsets(%arg15 : memref<128xi32, #tpu.memory_space<vmem>>) semaphore(%run_scoped3A_463 : memref<!tpu.dma_semaphore, #tpu.memory_space<semaphore_mem>>) {add = true}
        %dma_wait3A_466 = arith.constant 0 : i32
        %dma_wait3A_467 = tpu.memref_slice %arg14[%dma_wait3A_466] : memref<10240xf32, #tpu.memory_space<vmem_shared>> -> memref<10240xf32, #tpu.memory_space<vmem_shared>>
        tpu.wait_indirect_dma semaphore(%run_scoped3A_463 : memref<!tpu.dma_semaphore, #tpu.memory_space<semaphore_mem>>) src(%arg16 : memref<128xf32, #tpu.memory_space<vmem>>) dst(%dma_wait3A_467 : memref<10240xf32, #tpu.memory_space<vmem_shared>>)
        tpu.yield
      }) : () -> ()
      %while3A_462 = arith.constant 0 : i32
      scf.yield %while3A_462 : i32
    }
    %while3A_367 = arith.constant 1 : i32
    %while3A_368 = scf.for %while3A_450 = %while3A_364 to %while3A_360 step %while3A_367 iter_args(%while3A_451 = %while3A_366) -> (i32)  : i32 {
      %add3A_452 = arith.addi %mul3A_356, %arg1 : i32
      %mul3A_453 = arith.constant 16 : i32
      %mul3A_454 = arith.muli %while3A_450, %mul3A_453 : i32
      %add3A_455 = arith.addi %add3A_452, %mul3A_454 : i32
      %mul3A_456 = arith.constant 128 : i32
      %mul3A_457 = arith.muli %add3A_455, %mul3A_456 : i32
      "tpu.region"() ({
        %run_scoped3A_463 = tpu.sem_alloc : memref<!tpu.dma_semaphore, #tpu.memory_space<semaphore_mem>>
        %dma_start3A_464 = tpu.memref_slice %arg6[%mul3A_457] : memref<320000xi32, #tpu.memory_space<hbm>> -> memref<128xi32, #tpu.memory_space<hbm>>
        %dma_start3A_465 = tpu.memref_slice %arg6[%mul3A_457] : memref<320000xi32, #tpu.memory_space<hbm>> -> memref<128xi32, #tpu.memory_space<hbm>>
        tpu.enqueue_dma source(%dma_start3A_465 : memref<128xi32, #tpu.memory_space<hbm>>) target(%arg19 : memref<128xi32, #tpu.memory_space<vmem>>) target_semaphore(%run_scoped3A_463 : memref<!tpu.dma_semaphore, #tpu.memory_space<semaphore_mem>>)
        %dma_wait3A_466 = tpu.memref_slice %arg6[%mul3A_457] : memref<320000xi32, #tpu.memory_space<hbm>> -> memref<128xi32, #tpu.memory_space<hbm>>
        %dma_wait3A_467 = tpu.memref_slice %arg6[%mul3A_457] : memref<320000xi32, #tpu.memory_space<hbm>> -> memref<128xi32, #tpu.memory_space<hbm>>
        tpu.wait_dma2 semaphore(%run_scoped3A_463 : memref<!tpu.dma_semaphore, #tpu.memory_space<semaphore_mem>>) src(%dma_wait3A_467 : memref<128xi32, #tpu.memory_space<hbm>>) dst(%arg19 : memref<128xi32, #tpu.memory_space<vmem>>)
        tpu.yield
      }) : () -> ()
      "tpu.region"() ({
        %run_scoped3A_463 = tpu.sem_alloc : memref<!tpu.dma_semaphore, #tpu.memory_space<semaphore_mem>>
        %dma_start3A_464 = tpu.memref_slice %arg9[%mul3A_457] : memref<320000xi32, #tpu.memory_space<hbm>> -> memref<128xi32, #tpu.memory_space<hbm>>
        %dma_start3A_465 = tpu.memref_slice %arg9[%mul3A_457] : memref<320000xi32, #tpu.memory_space<hbm>> -> memref<128xi32, #tpu.memory_space<hbm>>
        tpu.enqueue_dma source(%dma_start3A_465 : memref<128xi32, #tpu.memory_space<hbm>>) target(%arg15 : memref<128xi32, #tpu.memory_space<vmem>>) target_semaphore(%run_scoped3A_463 : memref<!tpu.dma_semaphore, #tpu.memory_space<semaphore_mem>>)
        %dma_wait3A_466 = tpu.memref_slice %arg9[%mul3A_457] : memref<320000xi32, #tpu.memory_space<hbm>> -> memref<128xi32, #tpu.memory_space<hbm>>
        %dma_wait3A_467 = tpu.memref_slice %arg9[%mul3A_457] : memref<320000xi32, #tpu.memory_space<hbm>> -> memref<128xi32, #tpu.memory_space<hbm>>
        tpu.wait_dma2 semaphore(%run_scoped3A_463 : memref<!tpu.dma_semaphore, #tpu.memory_space<semaphore_mem>>) src(%dma_wait3A_467 : memref<128xi32, #tpu.memory_space<hbm>>) dst(%arg15 : memref<128xi32, #tpu.memory_space<vmem>>)
        tpu.yield
      }) : () -> ()
      %dma_start3A = arith.constant 0 : i32
      %dma_start3A_458 = arith.constant 0 : i32
      %dma_start3A_459 = tpu.memref_slice %arg3[%dma_start3A, %dma_start3A_458] : memref<10000x128xf32, #tpu.memory_space<hbm>> -> memref<10000x128xf32, #tpu.memory_space<hbm>>
      tpu.enqueue_indirect_dma source(%dma_start3A_459 : memref<10000x128xf32, #tpu.memory_space<hbm>>) target(%arg17 : memref<128x128xf32, #tpu.memory_space<vmem>>) offsets(%arg19 : memref<128xi32, #tpu.memory_space<vmem>>) semaphore(%arg18 : memref<!tpu.dma_semaphore, #tpu.memory_space<semaphore_mem>>)
      %dma_wait3A = arith.constant 0 : i32
      %dma_wait3A_460 = arith.constant 0 : i32
      %dma_wait3A_461 = tpu.memref_slice %arg3[%dma_wait3A, %dma_wait3A_460] : memref<10000x128xf32, #tpu.memory_space<hbm>> -> memref<10000x128xf32, #tpu.memory_space<hbm>>
      tpu.wait_indirect_dma semaphore(%arg18 : memref<!tpu.dma_semaphore, #tpu.memory_space<semaphore_mem>>) src(%dma_wait3A_461 : memref<10000x128xf32, #tpu.memory_space<hbm>>) dst(%arg17 : memref<128x128xf32, #tpu.memory_space<vmem>>)
      "tpu.region"() ({
        %run_scoped3A_463 = tpu.sem_alloc : memref<!tpu.dma_semaphore, #tpu.memory_space<semaphore_mem>>
        %dma_start3A_464 = arith.constant 0 : i32
        %dma_start3A_465 = arith.constant 0 : i32
        %dma_start3A_466 = tpu.memref_slice %arg13[%dma_start3A_464, %dma_start3A_465] : memref<10240x128xf32, #tpu.memory_space<vmem_shared>> -> memref<10240x128xf32, #tpu.memory_space<vmem_shared>>
        tpu.enqueue_indirect_dma source(%arg17 : memref<128x128xf32, #tpu.memory_space<vmem>>) target(%dma_start3A_466 : memref<10240x128xf32, #tpu.memory_space<vmem_shared>>) offsets(%arg15 : memref<128xi32, #tpu.memory_space<vmem>>) semaphore(%run_scoped3A_463 : memref<!tpu.dma_semaphore, #tpu.memory_space<semaphore_mem>>) {add = true}
        %dma_wait3A_467 = arith.constant 0 : i32
        %dma_wait3A_468 = arith.constant 0 : i32
        %dma_wait3A_469 = tpu.memref_slice %arg13[%dma_wait3A_467, %dma_wait3A_468] : memref<10240x128xf32, #tpu.memory_space<vmem_shared>> -> memref<10240x128xf32, #tpu.memory_space<vmem_shared>>
        tpu.wait_indirect_dma semaphore(%run_scoped3A_463 : memref<!tpu.dma_semaphore, #tpu.memory_space<semaphore_mem>>) src(%arg17 : memref<128x128xf32, #tpu.memory_space<vmem>>) dst(%dma_wait3A_469 : memref<10240x128xf32, #tpu.memory_space<vmem_shared>>)
        tpu.yield
      }) : () -> ()
      "tpu.region"() ({
        %run_scoped3A_463 = tpu.sem_alloc : memref<!tpu.dma_semaphore, #tpu.memory_space<semaphore_mem>>
        %dma_start3A_464 = arith.constant 0 : i32
        %dma_start3A_465 = tpu.memref_slice %arg14[%dma_start3A_464] : memref<10240xf32, #tpu.memory_space<vmem_shared>> -> memref<10240xf32, #tpu.memory_space<vmem_shared>>
        tpu.enqueue_indirect_dma source(%arg16 : memref<128xf32, #tpu.memory_space<vmem>>) target(%dma_start3A_465 : memref<10240xf32, #tpu.memory_space<vmem_shared>>) offsets(%arg15 : memref<128xi32, #tpu.memory_space<vmem>>) semaphore(%run_scoped3A_463 : memref<!tpu.dma_semaphore, #tpu.memory_space<semaphore_mem>>) {add = true}
        %dma_wait3A_466 = arith.constant 0 : i32
        %dma_wait3A_467 = tpu.memref_slice %arg14[%dma_wait3A_466] : memref<10240xf32, #tpu.memory_space<vmem_shared>> -> memref<10240xf32, #tpu.memory_space<vmem_shared>>
        tpu.wait_indirect_dma semaphore(%run_scoped3A_463 : memref<!tpu.dma_semaphore, #tpu.memory_space<semaphore_mem>>) src(%arg16 : memref<128xf32, #tpu.memory_space<vmem>>) dst(%dma_wait3A_467 : memref<10240xf32, #tpu.memory_space<vmem_shared>>)
        tpu.yield
      }) : () -> ()
      %while3A_462 = arith.constant 0 : i32
      scf.yield %while3A_462 : i32
    }
    %barrier3A_369 = arith.constant 0 : index
    tpu.barrier barrier_id(%barrier3A_369)
    %add3A_370 = arith.constant 0 : i32
    %add3A_371 = arith.addi %mul3A_0, %add3A_370 : i32
    %add3A_372 = arith.constant 0 : i32
    %add3A_373 = arith.addi %mul3A_0, %add3A_372 : i32
    %run_scoped3A_374 = arith.constant 1 : i32
    "tpu.region"() ({
      %run_scoped3A_450 = tpu.sem_alloc : memref<!tpu.dma_semaphore, #tpu.memory_space<semaphore_mem>>
      %dma_start3A = arith.constant 0 : i32
      %dma_start3A_451 = tpu.memref_slice %arg11[%run_scoped3A_374, %arg0, %add3A_373, %dma_start3A] : memref<3x2x10240x128xf32, #tpu.memory_space<hbm>> -> memref<1x1x128x128xf32, #tpu.memory_space<hbm>>
      %dma_start3A_452 = tpu.memref_squeeze %dma_start3A_451 : memref<1x1x128x128xf32, #tpu.memory_space<hbm>> -> memref<128x128xf32, #tpu.memory_space<hbm>>
      %dma_start3A_453 = arith.constant 0 : i32
      %dma_start3A_454 = tpu.memref_slice %arg13[%add3A_371, %dma_start3A_453] : memref<10240x128xf32, #tpu.memory_space<vmem_shared>> -> memref<128x128xf32, #tpu.memory_space<vmem_shared>>
      tpu.enqueue_dma source(%dma_start3A_454 : memref<128x128xf32, #tpu.memory_space<vmem_shared>>) target(%dma_start3A_452 : memref<128x128xf32, #tpu.memory_space<hbm>>) target_semaphore(%run_scoped3A_450 : memref<!tpu.dma_semaphore, #tpu.memory_space<semaphore_mem>>)
      %dma_wait3A = arith.constant 0 : i32
      %dma_wait3A_455 = tpu.memref_slice %arg11[%run_scoped3A_374, %arg0, %add3A_373, %dma_wait3A] : memref<3x2x10240x128xf32, #tpu.memory_space<hbm>> -> memref<1x1x128x128xf32, #tpu.memory_space<hbm>>
      %dma_wait3A_456 = tpu.memref_squeeze %dma_wait3A_455 : memref<1x1x128x128xf32, #tpu.memory_space<hbm>> -> memref<128x128xf32, #tpu.memory_space<hbm>>
      %dma_wait3A_457 = arith.constant 0 : i32
      %dma_wait3A_458 = tpu.memref_slice %arg13[%add3A_371, %dma_wait3A_457] : memref<10240x128xf32, #tpu.memory_space<vmem_shared>> -> memref<128x128xf32, #tpu.memory_space<vmem_shared>>
      tpu.wait_dma2 semaphore(%run_scoped3A_450 : memref<!tpu.dma_semaphore, #tpu.memory_space<semaphore_mem>>) src(%dma_wait3A_458 : memref<128x128xf32, #tpu.memory_space<vmem_shared>>) dst(%dma_wait3A_456 : memref<128x128xf32, #tpu.memory_space<hbm>>)
      tpu.yield
    }) : () -> ()
    %add3A_375 = arith.constant 128 : i32
    %add3A_376 = arith.addi %mul3A_0, %add3A_375 : i32
    %add3A_377 = arith.constant 128 : i32
    %add3A_378 = arith.addi %mul3A_0, %add3A_377 : i32
    %run_scoped3A_379 = arith.constant 1 : i32
    "tpu.region"() ({
      %run_scoped3A_450 = tpu.sem_alloc : memref<!tpu.dma_semaphore, #tpu.memory_space<semaphore_mem>>
      %dma_start3A = arith.constant 0 : i32
      %dma_start3A_451 = tpu.memref_slice %arg11[%run_scoped3A_379, %arg0, %add3A_378, %dma_start3A] : memref<3x2x10240x128xf32, #tpu.memory_space<hbm>> -> memref<1x1x128x128xf32, #tpu.memory_space<hbm>>
      %dma_start3A_452 = tpu.memref_squeeze %dma_start3A_451 : memref<1x1x128x128xf32, #tpu.memory_space<hbm>> -> memref<128x128xf32, #tpu.memory_space<hbm>>
      %dma_start3A_453 = arith.constant 0 : i32
      %dma_start3A_454 = tpu.memref_slice %arg13[%add3A_376, %dma_start3A_453] : memref<10240x128xf32, #tpu.memory_space<vmem_shared>> -> memref<128x128xf32, #tpu.memory_space<vmem_shared>>
      tpu.enqueue_dma source(%dma_start3A_454 : memref<128x128xf32, #tpu.memory_space<vmem_shared>>) target(%dma_start3A_452 : memref<128x128xf32, #tpu.memory_space<hbm>>) target_semaphore(%run_scoped3A_450 : memref<!tpu.dma_semaphore, #tpu.memory_space<semaphore_mem>>)
      %dma_wait3A = arith.constant 0 : i32
      %dma_wait3A_455 = tpu.memref_slice %arg11[%run_scoped3A_379, %arg0, %add3A_378, %dma_wait3A] : memref<3x2x10240x128xf32, #tpu.memory_space<hbm>> -> memref<1x1x128x128xf32, #tpu.memory_space<hbm>>
      %dma_wait3A_456 = tpu.memref_squeeze %dma_wait3A_455 : memref<1x1x128x128xf32, #tpu.memory_space<hbm>> -> memref<128x128xf32, #tpu.memory_space<hbm>>
      %dma_wait3A_457 = arith.constant 0 : i32
      %dma_wait3A_458 = tpu.memref_slice %arg13[%add3A_376, %dma_wait3A_457] : memref<10240x128xf32, #tpu.memory_space<vmem_shared>> -> memref<128x128xf32, #tpu.memory_space<vmem_shared>>
      tpu.wait_dma2 semaphore(%run_scoped3A_450 : memref<!tpu.dma_semaphore, #tpu.memory_space<semaphore_mem>>) src(%dma_wait3A_458 : memref<128x128xf32, #tpu.memory_space<vmem_shared>>) dst(%dma_wait3A_456 : memref<128x128xf32, #tpu.memory_space<hbm>>)
      tpu.yield
    }) : () -> ()
    %add3A_380 = arith.constant 256 : i32
    %add3A_381 = arith.addi %mul3A_0, %add3A_380 : i32
    %add3A_382 = arith.constant 256 : i32
    %add3A_383 = arith.addi %mul3A_0, %add3A_382 : i32
    %run_scoped3A_384 = arith.constant 1 : i32
    "tpu.region"() ({
      %run_scoped3A_450 = tpu.sem_alloc : memref<!tpu.dma_semaphore, #tpu.memory_space<semaphore_mem>>
      %dma_start3A = arith.constant 0 : i32
      %dma_start3A_451 = tpu.memref_slice %arg11[%run_scoped3A_384, %arg0, %add3A_383, %dma_start3A] : memref<3x2x10240x128xf32, #tpu.memory_space<hbm>> -> memref<1x1x128x128xf32, #tpu.memory_space<hbm>>
      %dma_start3A_452 = tpu.memref_squeeze %dma_start3A_451 : memref<1x1x128x128xf32, #tpu.memory_space<hbm>> -> memref<128x128xf32, #tpu.memory_space<hbm>>
      %dma_start3A_453 = arith.constant 0 : i32
      %dma_start3A_454 = tpu.memref_slice %arg13[%add3A_381, %dma_start3A_453] : memref<10240x128xf32, #tpu.memory_space<vmem_shared>> -> memref<128x128xf32, #tpu.memory_space<vmem_shared>>
      tpu.enqueue_dma source(%dma_start3A_454 : memref<128x128xf32, #tpu.memory_space<vmem_shared>>) target(%dma_start3A_452 : memref<128x128xf32, #tpu.memory_space<hbm>>) target_semaphore(%run_scoped3A_450 : memref<!tpu.dma_semaphore, #tpu.memory_space<semaphore_mem>>)
      %dma_wait3A = arith.constant 0 : i32
      %dma_wait3A_455 = tpu.memref_slice %arg11[%run_scoped3A_384, %arg0, %add3A_383, %dma_wait3A] : memref<3x2x10240x128xf32, #tpu.memory_space<hbm>> -> memref<1x1x128x128xf32, #tpu.memory_space<hbm>>
      %dma_wait3A_456 = tpu.memref_squeeze %dma_wait3A_455 : memref<1x1x128x128xf32, #tpu.memory_space<hbm>> -> memref<128x128xf32, #tpu.memory_space<hbm>>
      %dma_wait3A_457 = arith.constant 0 : i32
      %dma_wait3A_458 = tpu.memref_slice %arg13[%add3A_381, %dma_wait3A_457] : memref<10240x128xf32, #tpu.memory_space<vmem_shared>> -> memref<128x128xf32, #tpu.memory_space<vmem_shared>>
      tpu.wait_dma2 semaphore(%run_scoped3A_450 : memref<!tpu.dma_semaphore, #tpu.memory_space<semaphore_mem>>) src(%dma_wait3A_458 : memref<128x128xf32, #tpu.memory_space<vmem_shared>>) dst(%dma_wait3A_456 : memref<128x128xf32, #tpu.memory_space<hbm>>)
      tpu.yield
    }) : () -> ()
    %add3A_385 = arith.constant 384 : i32
    %add3A_386 = arith.addi %mul3A_0, %add3A_385 : i32
    %add3A_387 = arith.constant 384 : i32
    %add3A_388 = arith.addi %mul3A_0, %add3A_387 : i32
    %run_scoped3A_389 = arith.constant 1 : i32
    "tpu.region"() ({
      %run_scoped3A_450 = tpu.sem_alloc : memref<!tpu.dma_semaphore, #tpu.memory_space<semaphore_mem>>
      %dma_start3A = arith.constant 0 : i32
      %dma_start3A_451 = tpu.memref_slice %arg11[%run_scoped3A_389, %arg0, %add3A_388, %dma_start3A] : memref<3x2x10240x128xf32, #tpu.memory_space<hbm>> -> memref<1x1x128x128xf32, #tpu.memory_space<hbm>>
      %dma_start3A_452 = tpu.memref_squeeze %dma_start3A_451 : memref<1x1x128x128xf32, #tpu.memory_space<hbm>> -> memref<128x128xf32, #tpu.memory_space<hbm>>
      %dma_start3A_453 = arith.constant 0 : i32
      %dma_start3A_454 = tpu.memref_slice %arg13[%add3A_386, %dma_start3A_453] : memref<10240x128xf32, #tpu.memory_space<vmem_shared>> -> memref<128x128xf32, #tpu.memory_space<vmem_shared>>
      tpu.enqueue_dma source(%dma_start3A_454 : memref<128x128xf32, #tpu.memory_space<vmem_shared>>) target(%dma_start3A_452 : memref<128x128xf32, #tpu.memory_space<hbm>>) target_semaphore(%run_scoped3A_450 : memref<!tpu.dma_semaphore, #tpu.memory_space<semaphore_mem>>)
      %dma_wait3A = arith.constant 0 : i32
      %dma_wait3A_455 = tpu.memref_slice %arg11[%run_scoped3A_389, %arg0, %add3A_388, %dma_wait3A] : memref<3x2x10240x128xf32, #tpu.memory_space<hbm>> -> memref<1x1x128x128xf32, #tpu.memory_space<hbm>>
      %dma_wait3A_456 = tpu.memref_squeeze %dma_wait3A_455 : memref<1x1x128x128xf32, #tpu.memory_space<hbm>> -> memref<128x128xf32, #tpu.memory_space<hbm>>
      %dma_wait3A_457 = arith.constant 0 : i32
      %dma_wait3A_458 = tpu.memref_slice %arg13[%add3A_386, %dma_wait3A_457] : memref<10240x128xf32, #tpu.memory_space<vmem_shared>> -> memref<128x128xf32, #tpu.memory_space<vmem_shared>>
      tpu.wait_dma2 semaphore(%run_scoped3A_450 : memref<!tpu.dma_semaphore, #tpu.memory_space<semaphore_mem>>) src(%dma_wait3A_458 : memref<128x128xf32, #tpu.memory_space<vmem_shared>>) dst(%dma_wait3A_456 : memref<128x128xf32, #tpu.memory_space<hbm>>)
      tpu.yield
    }) : () -> ()
    %add3A_390 = arith.constant 512 : i32
    %add3A_391 = arith.addi %mul3A_0, %add3A_390 : i32
    %add3A_392 = arith.constant 512 : i32
    %add3A_393 = arith.addi %mul3A_0, %add3A_392 : i32
    %run_scoped3A_394 = arith.constant 1 : i32
    "tpu.region"() ({
      %run_scoped3A_450 = tpu.sem_alloc : memref<!tpu.dma_semaphore, #tpu.memory_space<semaphore_mem>>
      %dma_start3A = arith.constant 0 : i32
      %dma_start3A_451 = tpu.memref_slice %arg11[%run_scoped3A_394, %arg0, %add3A_393, %dma_start3A] : memref<3x2x10240x128xf32, #tpu.memory_space<hbm>> -> memref<1x1x128x128xf32, #tpu.memory_space<hbm>>
      %dma_start3A_452 = tpu.memref_squeeze %dma_start3A_451 : memref<1x1x128x128xf32, #tpu.memory_space<hbm>> -> memref<128x128xf32, #tpu.memory_space<hbm>>
      %dma_start3A_453 = arith.constant 0 : i32
      %dma_start3A_454 = tpu.memref_slice %arg13[%add3A_391, %dma_start3A_453] : memref<10240x128xf32, #tpu.memory_space<vmem_shared>> -> memref<128x128xf32, #tpu.memory_space<vmem_shared>>
      tpu.enqueue_dma source(%dma_start3A_454 : memref<128x128xf32, #tpu.memory_space<vmem_shared>>) target(%dma_start3A_452 : memref<128x128xf32, #tpu.memory_space<hbm>>) target_semaphore(%run_scoped3A_450 : memref<!tpu.dma_semaphore, #tpu.memory_space<semaphore_mem>>)
      %dma_wait3A = arith.constant 0 : i32
      %dma_wait3A_455 = tpu.memref_slice %arg11[%run_scoped3A_394, %arg0, %add3A_393, %dma_wait3A] : memref<3x2x10240x128xf32, #tpu.memory_space<hbm>> -> memref<1x1x128x128xf32, #tpu.memory_space<hbm>>
      %dma_wait3A_456 = tpu.memref_squeeze %dma_wait3A_455 : memref<1x1x128x128xf32, #tpu.memory_space<hbm>> -> memref<128x128xf32, #tpu.memory_space<hbm>>
      %dma_wait3A_457 = arith.constant 0 : i32
      %dma_wait3A_458 = tpu.memref_slice %arg13[%add3A_391, %dma_wait3A_457] : memref<10240x128xf32, #tpu.memory_space<vmem_shared>> -> memref<128x128xf32, #tpu.memory_space<vmem_shared>>
      tpu.wait_dma2 semaphore(%run_scoped3A_450 : memref<!tpu.dma_semaphore, #tpu.memory_space<semaphore_mem>>) src(%dma_wait3A_458 : memref<128x128xf32, #tpu.memory_space<vmem_shared>>) dst(%dma_wait3A_456 : memref<128x128xf32, #tpu.memory_space<hbm>>)
      tpu.yield
    }) : () -> ()
    %run_scoped3A_395 = arith.constant 1 : i32
    "tpu.region"() ({
      %run_scoped3A_450 = tpu.sem_alloc : memref<!tpu.dma_semaphore, #tpu.memory_space<semaphore_mem>>
      %dma_start3A = tpu.memref_slice %arg12[%run_scoped3A_395, %arg0, %mul3A_0] : memref<3x2x10240xf32, #tpu.memory_space<hbm>> -> memref<1x1x640xf32, #tpu.memory_space<hbm>>
      %dma_start3A_451 = tpu.memref_squeeze %dma_start3A : memref<1x1x640xf32, #tpu.memory_space<hbm>> -> memref<640xf32, #tpu.memory_space<hbm>>
      %dma_start3A_452 = tpu.memref_slice %arg14[%mul3A_0] : memref<10240xf32, #tpu.memory_space<vmem_shared>> -> memref<640xf32, #tpu.memory_space<vmem_shared>>
      tpu.enqueue_dma source(%dma_start3A_452 : memref<640xf32, #tpu.memory_space<vmem_shared>>) target(%dma_start3A_451 : memref<640xf32, #tpu.memory_space<hbm>>) target_semaphore(%run_scoped3A_450 : memref<!tpu.dma_semaphore, #tpu.memory_space<semaphore_mem>>)
      %dma_wait3A = tpu.memref_slice %arg12[%run_scoped3A_395, %arg0, %mul3A_0] : memref<3x2x10240xf32, #tpu.memory_space<hbm>> -> memref<1x1x640xf32, #tpu.memory_space<hbm>>
      %dma_wait3A_453 = tpu.memref_squeeze %dma_wait3A : memref<1x1x640xf32, #tpu.memory_space<hbm>> -> memref<640xf32, #tpu.memory_space<hbm>>
      %dma_wait3A_454 = tpu.memref_slice %arg14[%mul3A_0] : memref<10240xf32, #tpu.memory_space<vmem_shared>> -> memref<640xf32, #tpu.memory_space<vmem_shared>>
      tpu.wait_dma2 semaphore(%run_scoped3A_450 : memref<!tpu.dma_semaphore, #tpu.memory_space<semaphore_mem>>) src(%dma_wait3A_454 : memref<640xf32, #tpu.memory_space<vmem_shared>>) dst(%dma_wait3A_453 : memref<640xf32, #tpu.memory_space<hbm>>)
      tpu.yield
    }) : () -> ()
    %barrier3A_396 = arith.constant 0 : index
    tpu.barrier barrier_id(%barrier3A_396)
    %add3A_397 = arith.constant 0 : i32
    %add3A_398 = arith.addi %mul3A_0, %add3A_397 : i32
    "tpu.region"() ({
      %run_scoped3A_450 = tpu.sem_alloc : memref<!tpu.dma_semaphore, #tpu.memory_space<semaphore_mem>>
      %dma_start3A = arith.constant 0 : i32
      %dma_start3A_451 = tpu.memref_slice %arg13[%add3A_398, %dma_start3A] : memref<10240x128xf32, #tpu.memory_space<vmem_shared>> -> memref<128x128xf32, #tpu.memory_space<vmem_shared>>
      %dma_start3A_452 = arith.constant 0 : i32
      %dma_start3A_453 = tpu.memref_slice %arg13[%add3A_398, %dma_start3A_452] : memref<10240x128xf32, #tpu.memory_space<vmem_shared>> -> memref<128x128xf32, #tpu.memory_space<vmem_shared>>
      tpu.enqueue_dma source(%arg21 : memref<128x128xf32, #tpu.memory_space<vmem>>) target(%dma_start3A_453 : memref<128x128xf32, #tpu.memory_space<vmem_shared>>) target_semaphore(%run_scoped3A_450 : memref<!tpu.dma_semaphore, #tpu.memory_space<semaphore_mem>>)
      %dma_wait3A = arith.constant 0 : i32
      %dma_wait3A_454 = tpu.memref_slice %arg13[%add3A_398, %dma_wait3A] : memref<10240x128xf32, #tpu.memory_space<vmem_shared>> -> memref<128x128xf32, #tpu.memory_space<vmem_shared>>
      %dma_wait3A_455 = arith.constant 0 : i32
      %dma_wait3A_456 = tpu.memref_slice %arg13[%add3A_398, %dma_wait3A_455] : memref<10240x128xf32, #tpu.memory_space<vmem_shared>> -> memref<128x128xf32, #tpu.memory_space<vmem_shared>>
      tpu.wait_dma2 semaphore(%run_scoped3A_450 : memref<!tpu.dma_semaphore, #tpu.memory_space<semaphore_mem>>) src(%arg21 : memref<128x128xf32, #tpu.memory_space<vmem>>) dst(%dma_wait3A_456 : memref<128x128xf32, #tpu.memory_space<vmem_shared>>)
      tpu.yield
    }) : () -> ()
    %add3A_399 = arith.constant 128 : i32
    %add3A_400 = arith.addi %mul3A_0, %add3A_399 : i32
    "tpu.region"() ({
      %run_scoped3A_450 = tpu.sem_alloc : memref<!tpu.dma_semaphore, #tpu.memory_space<semaphore_mem>>
      %dma_start3A = arith.constant 0 : i32
      %dma_start3A_451 = tpu.memref_slice %arg13[%add3A_400, %dma_start3A] : memref<10240x128xf32, #tpu.memory_space<vmem_shared>> -> memref<128x128xf32, #tpu.memory_space<vmem_shared>>
      %dma_start3A_452 = arith.constant 0 : i32
      %dma_start3A_453 = tpu.memref_slice %arg13[%add3A_400, %dma_start3A_452] : memref<10240x128xf32, #tpu.memory_space<vmem_shared>> -> memref<128x128xf32, #tpu.memory_space<vmem_shared>>
      tpu.enqueue_dma source(%arg21 : memref<128x128xf32, #tpu.memory_space<vmem>>) target(%dma_start3A_453 : memref<128x128xf32, #tpu.memory_space<vmem_shared>>) target_semaphore(%run_scoped3A_450 : memref<!tpu.dma_semaphore, #tpu.memory_space<semaphore_mem>>)
      %dma_wait3A = arith.constant 0 : i32
      %dma_wait3A_454 = tpu.memref_slice %arg13[%add3A_400, %dma_wait3A] : memref<10240x128xf32, #tpu.memory_space<vmem_shared>> -> memref<128x128xf32, #tpu.memory_space<vmem_shared>>
      %dma_wait3A_455 = arith.constant 0 : i32
      %dma_wait3A_456 = tpu.memref_slice %arg13[%add3A_400, %dma_wait3A_455] : memref<10240x128xf32, #tpu.memory_space<vmem_shared>> -> memref<128x128xf32, #tpu.memory_space<vmem_shared>>
      tpu.wait_dma2 semaphore(%run_scoped3A_450 : memref<!tpu.dma_semaphore, #tpu.memory_space<semaphore_mem>>) src(%arg21 : memref<128x128xf32, #tpu.memory_space<vmem>>) dst(%dma_wait3A_456 : memref<128x128xf32, #tpu.memory_space<vmem_shared>>)
      tpu.yield
    }) : () -> ()
    %add3A_401 = arith.constant 256 : i32
    %add3A_402 = arith.addi %mul3A_0, %add3A_401 : i32
    "tpu.region"() ({
      %run_scoped3A_450 = tpu.sem_alloc : memref<!tpu.dma_semaphore, #tpu.memory_space<semaphore_mem>>
      %dma_start3A = arith.constant 0 : i32
      %dma_start3A_451 = tpu.memref_slice %arg13[%add3A_402, %dma_start3A] : memref<10240x128xf32, #tpu.memory_space<vmem_shared>> -> memref<128x128xf32, #tpu.memory_space<vmem_shared>>
      %dma_start3A_452 = arith.constant 0 : i32
      %dma_start3A_453 = tpu.memref_slice %arg13[%add3A_402, %dma_start3A_452] : memref<10240x128xf32, #tpu.memory_space<vmem_shared>> -> memref<128x128xf32, #tpu.memory_space<vmem_shared>>
      tpu.enqueue_dma source(%arg21 : memref<128x128xf32, #tpu.memory_space<vmem>>) target(%dma_start3A_453 : memref<128x128xf32, #tpu.memory_space<vmem_shared>>) target_semaphore(%run_scoped3A_450 : memref<!tpu.dma_semaphore, #tpu.memory_space<semaphore_mem>>)
      %dma_wait3A = arith.constant 0 : i32
      %dma_wait3A_454 = tpu.memref_slice %arg13[%add3A_402, %dma_wait3A] : memref<10240x128xf32, #tpu.memory_space<vmem_shared>> -> memref<128x128xf32, #tpu.memory_space<vmem_shared>>
      %dma_wait3A_455 = arith.constant 0 : i32
      %dma_wait3A_456 = tpu.memref_slice %arg13[%add3A_402, %dma_wait3A_455] : memref<10240x128xf32, #tpu.memory_space<vmem_shared>> -> memref<128x128xf32, #tpu.memory_space<vmem_shared>>
      tpu.wait_dma2 semaphore(%run_scoped3A_450 : memref<!tpu.dma_semaphore, #tpu.memory_space<semaphore_mem>>) src(%arg21 : memref<128x128xf32, #tpu.memory_space<vmem>>) dst(%dma_wait3A_456 : memref<128x128xf32, #tpu.memory_space<vmem_shared>>)
      tpu.yield
    }) : () -> ()
    %add3A_403 = arith.constant 384 : i32
    %add3A_404 = arith.addi %mul3A_0, %add3A_403 : i32
    "tpu.region"() ({
      %run_scoped3A_450 = tpu.sem_alloc : memref<!tpu.dma_semaphore, #tpu.memory_space<semaphore_mem>>
      %dma_start3A = arith.constant 0 : i32
      %dma_start3A_451 = tpu.memref_slice %arg13[%add3A_404, %dma_start3A] : memref<10240x128xf32, #tpu.memory_space<vmem_shared>> -> memref<128x128xf32, #tpu.memory_space<vmem_shared>>
      %dma_start3A_452 = arith.constant 0 : i32
      %dma_start3A_453 = tpu.memref_slice %arg13[%add3A_404, %dma_start3A_452] : memref<10240x128xf32, #tpu.memory_space<vmem_shared>> -> memref<128x128xf32, #tpu.memory_space<vmem_shared>>
      tpu.enqueue_dma source(%arg21 : memref<128x128xf32, #tpu.memory_space<vmem>>) target(%dma_start3A_453 : memref<128x128xf32, #tpu.memory_space<vmem_shared>>) target_semaphore(%run_scoped3A_450 : memref<!tpu.dma_semaphore, #tpu.memory_space<semaphore_mem>>)
      %dma_wait3A = arith.constant 0 : i32
      %dma_wait3A_454 = tpu.memref_slice %arg13[%add3A_404, %dma_wait3A] : memref<10240x128xf32, #tpu.memory_space<vmem_shared>> -> memref<128x128xf32, #tpu.memory_space<vmem_shared>>
      %dma_wait3A_455 = arith.constant 0 : i32
      %dma_wait3A_456 = tpu.memref_slice %arg13[%add3A_404, %dma_wait3A_455] : memref<10240x128xf32, #tpu.memory_space<vmem_shared>> -> memref<128x128xf32, #tpu.memory_space<vmem_shared>>
      tpu.wait_dma2 semaphore(%run_scoped3A_450 : memref<!tpu.dma_semaphore, #tpu.memory_space<semaphore_mem>>) src(%arg21 : memref<128x128xf32, #tpu.memory_space<vmem>>) dst(%dma_wait3A_456 : memref<128x128xf32, #tpu.memory_space<vmem_shared>>)
      tpu.yield
    }) : () -> ()
    %add3A_405 = arith.constant 512 : i32
    %add3A_406 = arith.addi %mul3A_0, %add3A_405 : i32
    "tpu.region"() ({
      %run_scoped3A_450 = tpu.sem_alloc : memref<!tpu.dma_semaphore, #tpu.memory_space<semaphore_mem>>
      %dma_start3A = arith.constant 0 : i32
      %dma_start3A_451 = tpu.memref_slice %arg13[%add3A_406, %dma_start3A] : memref<10240x128xf32, #tpu.memory_space<vmem_shared>> -> memref<128x128xf32, #tpu.memory_space<vmem_shared>>
      %dma_start3A_452 = arith.constant 0 : i32
      %dma_start3A_453 = tpu.memref_slice %arg13[%add3A_406, %dma_start3A_452] : memref<10240x128xf32, #tpu.memory_space<vmem_shared>> -> memref<128x128xf32, #tpu.memory_space<vmem_shared>>
      tpu.enqueue_dma source(%arg21 : memref<128x128xf32, #tpu.memory_space<vmem>>) target(%dma_start3A_453 : memref<128x128xf32, #tpu.memory_space<vmem_shared>>) target_semaphore(%run_scoped3A_450 : memref<!tpu.dma_semaphore, #tpu.memory_space<semaphore_mem>>)
      %dma_wait3A = arith.constant 0 : i32
      %dma_wait3A_454 = tpu.memref_slice %arg13[%add3A_406, %dma_wait3A] : memref<10240x128xf32, #tpu.memory_space<vmem_shared>> -> memref<128x128xf32, #tpu.memory_space<vmem_shared>>
      %dma_wait3A_455 = arith.constant 0 : i32
      %dma_wait3A_456 = tpu.memref_slice %arg13[%add3A_406, %dma_wait3A_455] : memref<10240x128xf32, #tpu.memory_space<vmem_shared>> -> memref<128x128xf32, #tpu.memory_space<vmem_shared>>
      tpu.wait_dma2 semaphore(%run_scoped3A_450 : memref<!tpu.dma_semaphore, #tpu.memory_space<semaphore_mem>>) src(%arg21 : memref<128x128xf32, #tpu.memory_space<vmem>>) dst(%dma_wait3A_456 : memref<128x128xf32, #tpu.memory_space<vmem_shared>>)
      tpu.yield
    }) : () -> ()
    "tpu.region"() ({
      %run_scoped3A_450 = tpu.sem_alloc : memref<!tpu.dma_semaphore, #tpu.memory_space<semaphore_mem>>
      %dma_start3A = tpu.memref_slice %arg14[%mul3A_0] : memref<10240xf32, #tpu.memory_space<vmem_shared>> -> memref<640xf32, #tpu.memory_space<vmem_shared>>
      %dma_start3A_451 = tpu.memref_slice %arg14[%mul3A_0] : memref<10240xf32, #tpu.memory_space<vmem_shared>> -> memref<640xf32, #tpu.memory_space<vmem_shared>>
      tpu.enqueue_dma source(%arg20 : memref<640xf32, #tpu.memory_space<vmem>>) target(%dma_start3A_451 : memref<640xf32, #tpu.memory_space<vmem_shared>>) target_semaphore(%run_scoped3A_450 : memref<!tpu.dma_semaphore, #tpu.memory_space<semaphore_mem>>)
      %dma_wait3A = tpu.memref_slice %arg14[%mul3A_0] : memref<10240xf32, #tpu.memory_space<vmem_shared>> -> memref<640xf32, #tpu.memory_space<vmem_shared>>
      %dma_wait3A_452 = tpu.memref_slice %arg14[%mul3A_0] : memref<10240xf32, #tpu.memory_space<vmem_shared>> -> memref<640xf32, #tpu.memory_space<vmem_shared>>
      tpu.wait_dma2 semaphore(%run_scoped3A_450 : memref<!tpu.dma_semaphore, #tpu.memory_space<semaphore_mem>>) src(%arg20 : memref<640xf32, #tpu.memory_space<vmem>>) dst(%dma_wait3A_452 : memref<640xf32, #tpu.memory_space<vmem_shared>>)
      tpu.yield
    }) : () -> ()
    %barrier3A_407 = arith.constant 0 : index
    tpu.barrier barrier_id(%barrier3A_407)
    %mul3A_408 = arith.constant 1250 : i32
    %mul3A_409 = arith.muli %arg0, %mul3A_408 : i32
    %while3A_410 = arith.constant 0 : i32
    %while3A_411 = arith.constant 0 : i32
    %while3A_412 = arith.subi %select_n3A, %while3A_410 : i32
    %while3A_413 = arith.addi %while3A_410, %while3A_412 : i32
    %while3A_414 = arith.constant 1 : i32
    %while3A_415 = arith.divsi %while3A_412, %while3A_414 : i32
    %while3A_416 = arith.muli %while3A_415, %while3A_414 : i32
    %while3A_417 = arith.addi %while3A_410, %while3A_416 : i32
    %while3A_418 = arith.constant 1 : i32
    %while3A_419 = scf.for %while3A_450 = %while3A_410 to %while3A_417 step %while3A_418 iter_args(%while3A_451 = %while3A_411) -> (i32)  : i32 {
      %add3A_452 = arith.addi %mul3A_409, %arg1 : i32
      %mul3A_453 = arith.constant 16 : i32
      %mul3A_454 = arith.muli %while3A_450, %mul3A_453 : i32
      %add3A_455 = arith.addi %add3A_452, %mul3A_454 : i32
      %mul3A_456 = arith.constant 128 : i32
      %mul3A_457 = arith.muli %add3A_455, %mul3A_456 : i32
      "tpu.region"() ({
        %run_scoped3A_463 = tpu.sem_alloc : memref<!tpu.dma_semaphore, #tpu.memory_space<semaphore_mem>>
        %dma_start3A_464 = tpu.memref_slice %arg7[%mul3A_457] : memref<320000xi32, #tpu.memory_space<hbm>> -> memref<128xi32, #tpu.memory_space<hbm>>
        %dma_start3A_465 = tpu.memref_slice %arg7[%mul3A_457] : memref<320000xi32, #tpu.memory_space<hbm>> -> memref<128xi32, #tpu.memory_space<hbm>>
        tpu.enqueue_dma source(%dma_start3A_465 : memref<128xi32, #tpu.memory_space<hbm>>) target(%arg19 : memref<128xi32, #tpu.memory_space<vmem>>) target_semaphore(%run_scoped3A_463 : memref<!tpu.dma_semaphore, #tpu.memory_space<semaphore_mem>>)
        %dma_wait3A_466 = tpu.memref_slice %arg7[%mul3A_457] : memref<320000xi32, #tpu.memory_space<hbm>> -> memref<128xi32, #tpu.memory_space<hbm>>
        %dma_wait3A_467 = tpu.memref_slice %arg7[%mul3A_457] : memref<320000xi32, #tpu.memory_space<hbm>> -> memref<128xi32, #tpu.memory_space<hbm>>
        tpu.wait_dma2 semaphore(%run_scoped3A_463 : memref<!tpu.dma_semaphore, #tpu.memory_space<semaphore_mem>>) src(%dma_wait3A_467 : memref<128xi32, #tpu.memory_space<hbm>>) dst(%arg19 : memref<128xi32, #tpu.memory_space<vmem>>)
        tpu.yield
      }) : () -> ()
      "tpu.region"() ({
        %run_scoped3A_463 = tpu.sem_alloc : memref<!tpu.dma_semaphore, #tpu.memory_space<semaphore_mem>>
        %dma_start3A_464 = tpu.memref_slice %arg10[%mul3A_457] : memref<320000xi32, #tpu.memory_space<hbm>> -> memref<128xi32, #tpu.memory_space<hbm>>
        %dma_start3A_465 = tpu.memref_slice %arg10[%mul3A_457] : memref<320000xi32, #tpu.memory_space<hbm>> -> memref<128xi32, #tpu.memory_space<hbm>>
        tpu.enqueue_dma source(%dma_start3A_465 : memref<128xi32, #tpu.memory_space<hbm>>) target(%arg15 : memref<128xi32, #tpu.memory_space<vmem>>) target_semaphore(%run_scoped3A_463 : memref<!tpu.dma_semaphore, #tpu.memory_space<semaphore_mem>>)
        %dma_wait3A_466 = tpu.memref_slice %arg10[%mul3A_457] : memref<320000xi32, #tpu.memory_space<hbm>> -> memref<128xi32, #tpu.memory_space<hbm>>
        %dma_wait3A_467 = tpu.memref_slice %arg10[%mul3A_457] : memref<320000xi32, #tpu.memory_space<hbm>> -> memref<128xi32, #tpu.memory_space<hbm>>
        tpu.wait_dma2 semaphore(%run_scoped3A_463 : memref<!tpu.dma_semaphore, #tpu.memory_space<semaphore_mem>>) src(%dma_wait3A_467 : memref<128xi32, #tpu.memory_space<hbm>>) dst(%arg15 : memref<128xi32, #tpu.memory_space<vmem>>)
        tpu.yield
      }) : () -> ()
      %dma_start3A = arith.constant 0 : i32
      %dma_start3A_458 = arith.constant 0 : i32
      %dma_start3A_459 = tpu.memref_slice %arg4[%dma_start3A, %dma_start3A_458] : memref<10000x128xf32, #tpu.memory_space<hbm>> -> memref<10000x128xf32, #tpu.memory_space<hbm>>
      tpu.enqueue_indirect_dma source(%dma_start3A_459 : memref<10000x128xf32, #tpu.memory_space<hbm>>) target(%arg17 : memref<128x128xf32, #tpu.memory_space<vmem>>) offsets(%arg19 : memref<128xi32, #tpu.memory_space<vmem>>) semaphore(%arg18 : memref<!tpu.dma_semaphore, #tpu.memory_space<semaphore_mem>>)
      %dma_wait3A = arith.constant 0 : i32
      %dma_wait3A_460 = arith.constant 0 : i32
      %dma_wait3A_461 = tpu.memref_slice %arg4[%dma_wait3A, %dma_wait3A_460] : memref<10000x128xf32, #tpu.memory_space<hbm>> -> memref<10000x128xf32, #tpu.memory_space<hbm>>
      tpu.wait_indirect_dma semaphore(%arg18 : memref<!tpu.dma_semaphore, #tpu.memory_space<semaphore_mem>>) src(%dma_wait3A_461 : memref<10000x128xf32, #tpu.memory_space<hbm>>) dst(%arg17 : memref<128x128xf32, #tpu.memory_space<vmem>>)
      "tpu.region"() ({
        %run_scoped3A_463 = tpu.sem_alloc : memref<!tpu.dma_semaphore, #tpu.memory_space<semaphore_mem>>
        %dma_start3A_464 = arith.constant 0 : i32
        %dma_start3A_465 = arith.constant 0 : i32
        %dma_start3A_466 = tpu.memref_slice %arg13[%dma_start3A_464, %dma_start3A_465] : memref<10240x128xf32, #tpu.memory_space<vmem_shared>> -> memref<10240x128xf32, #tpu.memory_space<vmem_shared>>
        tpu.enqueue_indirect_dma source(%arg17 : memref<128x128xf32, #tpu.memory_space<vmem>>) target(%dma_start3A_466 : memref<10240x128xf32, #tpu.memory_space<vmem_shared>>) offsets(%arg15 : memref<128xi32, #tpu.memory_space<vmem>>) semaphore(%run_scoped3A_463 : memref<!tpu.dma_semaphore, #tpu.memory_space<semaphore_mem>>) {add = true}
        %dma_wait3A_467 = arith.constant 0 : i32
        %dma_wait3A_468 = arith.constant 0 : i32
        %dma_wait3A_469 = tpu.memref_slice %arg13[%dma_wait3A_467, %dma_wait3A_468] : memref<10240x128xf32, #tpu.memory_space<vmem_shared>> -> memref<10240x128xf32, #tpu.memory_space<vmem_shared>>
        tpu.wait_indirect_dma semaphore(%run_scoped3A_463 : memref<!tpu.dma_semaphore, #tpu.memory_space<semaphore_mem>>) src(%arg17 : memref<128x128xf32, #tpu.memory_space<vmem>>) dst(%dma_wait3A_469 : memref<10240x128xf32, #tpu.memory_space<vmem_shared>>)
        tpu.yield
      }) : () -> ()
      "tpu.region"() ({
        %run_scoped3A_463 = tpu.sem_alloc : memref<!tpu.dma_semaphore, #tpu.memory_space<semaphore_mem>>
        %dma_start3A_464 = arith.constant 0 : i32
        %dma_start3A_465 = tpu.memref_slice %arg14[%dma_start3A_464] : memref<10240xf32, #tpu.memory_space<vmem_shared>> -> memref<10240xf32, #tpu.memory_space<vmem_shared>>
        tpu.enqueue_indirect_dma source(%arg16 : memref<128xf32, #tpu.memory_space<vmem>>) target(%dma_start3A_465 : memref<10240xf32, #tpu.memory_space<vmem_shared>>) offsets(%arg15 : memref<128xi32, #tpu.memory_space<vmem>>) semaphore(%run_scoped3A_463 : memref<!tpu.dma_semaphore, #tpu.memory_space<semaphore_mem>>) {add = true}
        %dma_wait3A_466 = arith.constant 0 : i32
        %dma_wait3A_467 = tpu.memref_slice %arg14[%dma_wait3A_466] : memref<10240xf32, #tpu.memory_space<vmem_shared>> -> memref<10240xf32, #tpu.memory_space<vmem_shared>>
        tpu.wait_indirect_dma semaphore(%run_scoped3A_463 : memref<!tpu.dma_semaphore, #tpu.memory_space<semaphore_mem>>) src(%arg16 : memref<128xf32, #tpu.memory_space<vmem>>) dst(%dma_wait3A_467 : memref<10240xf32, #tpu.memory_space<vmem_shared>>)
        tpu.yield
      }) : () -> ()
      %while3A_462 = arith.constant 0 : i32
      scf.yield %while3A_462 : i32
    }
    %while3A_420 = arith.constant 1 : i32
    %while3A_421 = scf.for %while3A_450 = %while3A_417 to %while3A_413 step %while3A_420 iter_args(%while3A_451 = %while3A_419) -> (i32)  : i32 {
      %add3A_452 = arith.addi %mul3A_409, %arg1 : i32
      %mul3A_453 = arith.constant 16 : i32
      %mul3A_454 = arith.muli %while3A_450, %mul3A_453 : i32
      %add3A_455 = arith.addi %add3A_452, %mul3A_454 : i32
      %mul3A_456 = arith.constant 128 : i32
      %mul3A_457 = arith.muli %add3A_455, %mul3A_456 : i32
      "tpu.region"() ({
        %run_scoped3A_463 = tpu.sem_alloc : memref<!tpu.dma_semaphore, #tpu.memory_space<semaphore_mem>>
        %dma_start3A_464 = tpu.memref_slice %arg7[%mul3A_457] : memref<320000xi32, #tpu.memory_space<hbm>> -> memref<128xi32, #tpu.memory_space<hbm>>
        %dma_start3A_465 = tpu.memref_slice %arg7[%mul3A_457] : memref<320000xi32, #tpu.memory_space<hbm>> -> memref<128xi32, #tpu.memory_space<hbm>>
        tpu.enqueue_dma source(%dma_start3A_465 : memref<128xi32, #tpu.memory_space<hbm>>) target(%arg19 : memref<128xi32, #tpu.memory_space<vmem>>) target_semaphore(%run_scoped3A_463 : memref<!tpu.dma_semaphore, #tpu.memory_space<semaphore_mem>>)
        %dma_wait3A_466 = tpu.memref_slice %arg7[%mul3A_457] : memref<320000xi32, #tpu.memory_space<hbm>> -> memref<128xi32, #tpu.memory_space<hbm>>
        %dma_wait3A_467 = tpu.memref_slice %arg7[%mul3A_457] : memref<320000xi32, #tpu.memory_space<hbm>> -> memref<128xi32, #tpu.memory_space<hbm>>
        tpu.wait_dma2 semaphore(%run_scoped3A_463 : memref<!tpu.dma_semaphore, #tpu.memory_space<semaphore_mem>>) src(%dma_wait3A_467 : memref<128xi32, #tpu.memory_space<hbm>>) dst(%arg19 : memref<128xi32, #tpu.memory_space<vmem>>)
        tpu.yield
      }) : () -> ()
      "tpu.region"() ({
        %run_scoped3A_463 = tpu.sem_alloc : memref<!tpu.dma_semaphore, #tpu.memory_space<semaphore_mem>>
        %dma_start3A_464 = tpu.memref_slice %arg10[%mul3A_457] : memref<320000xi32, #tpu.memory_space<hbm>> -> memref<128xi32, #tpu.memory_space<hbm>>
        %dma_start3A_465 = tpu.memref_slice %arg10[%mul3A_457] : memref<320000xi32, #tpu.memory_space<hbm>> -> memref<128xi32, #tpu.memory_space<hbm>>
        tpu.enqueue_dma source(%dma_start3A_465 : memref<128xi32, #tpu.memory_space<hbm>>) target(%arg15 : memref<128xi32, #tpu.memory_space<vmem>>) target_semaphore(%run_scoped3A_463 : memref<!tpu.dma_semaphore, #tpu.memory_space<semaphore_mem>>)
        %dma_wait3A_466 = tpu.memref_slice %arg10[%mul3A_457] : memref<320000xi32, #tpu.memory_space<hbm>> -> memref<128xi32, #tpu.memory_space<hbm>>
        %dma_wait3A_467 = tpu.memref_slice %arg10[%mul3A_457] : memref<320000xi32, #tpu.memory_space<hbm>> -> memref<128xi32, #tpu.memory_space<hbm>>
        tpu.wait_dma2 semaphore(%run_scoped3A_463 : memref<!tpu.dma_semaphore, #tpu.memory_space<semaphore_mem>>) src(%dma_wait3A_467 : memref<128xi32, #tpu.memory_space<hbm>>) dst(%arg15 : memref<128xi32, #tpu.memory_space<vmem>>)
        tpu.yield
      }) : () -> ()
      %dma_start3A = arith.constant 0 : i32
      %dma_start3A_458 = arith.constant 0 : i32
      %dma_start3A_459 = tpu.memref_slice %arg4[%dma_start3A, %dma_start3A_458] : memref<10000x128xf32, #tpu.memory_space<hbm>> -> memref<10000x128xf32, #tpu.memory_space<hbm>>
      tpu.enqueue_indirect_dma source(%dma_start3A_459 : memref<10000x128xf32, #tpu.memory_space<hbm>>) target(%arg17 : memref<128x128xf32, #tpu.memory_space<vmem>>) offsets(%arg19 : memref<128xi32, #tpu.memory_space<vmem>>) semaphore(%arg18 : memref<!tpu.dma_semaphore, #tpu.memory_space<semaphore_mem>>)
      %dma_wait3A = arith.constant 0 : i32
      %dma_wait3A_460 = arith.constant 0 : i32
      %dma_wait3A_461 = tpu.memref_slice %arg4[%dma_wait3A, %dma_wait3A_460] : memref<10000x128xf32, #tpu.memory_space<hbm>> -> memref<10000x128xf32, #tpu.memory_space<hbm>>
      tpu.wait_indirect_dma semaphore(%arg18 : memref<!tpu.dma_semaphore, #tpu.memory_space<semaphore_mem>>) src(%dma_wait3A_461 : memref<10000x128xf32, #tpu.memory_space<hbm>>) dst(%arg17 : memref<128x128xf32, #tpu.memory_space<vmem>>)
      "tpu.region"() ({
        %run_scoped3A_463 = tpu.sem_alloc : memref<!tpu.dma_semaphore, #tpu.memory_space<semaphore_mem>>
        %dma_start3A_464 = arith.constant 0 : i32
        %dma_start3A_465 = arith.constant 0 : i32
        %dma_start3A_466 = tpu.memref_slice %arg13[%dma_start3A_464, %dma_start3A_465] : memref<10240x128xf32, #tpu.memory_space<vmem_shared>> -> memref<10240x128xf32, #tpu.memory_space<vmem_shared>>
        tpu.enqueue_indirect_dma source(%arg17 : memref<128x128xf32, #tpu.memory_space<vmem>>) target(%dma_start3A_466 : memref<10240x128xf32, #tpu.memory_space<vmem_shared>>) offsets(%arg15 : memref<128xi32, #tpu.memory_space<vmem>>) semaphore(%run_scoped3A_463 : memref<!tpu.dma_semaphore, #tpu.memory_space<semaphore_mem>>) {add = true}
        %dma_wait3A_467 = arith.constant 0 : i32
        %dma_wait3A_468 = arith.constant 0 : i32
        %dma_wait3A_469 = tpu.memref_slice %arg13[%dma_wait3A_467, %dma_wait3A_468] : memref<10240x128xf32, #tpu.memory_space<vmem_shared>> -> memref<10240x128xf32, #tpu.memory_space<vmem_shared>>
        tpu.wait_indirect_dma semaphore(%run_scoped3A_463 : memref<!tpu.dma_semaphore, #tpu.memory_space<semaphore_mem>>) src(%arg17 : memref<128x128xf32, #tpu.memory_space<vmem>>) dst(%dma_wait3A_469 : memref<10240x128xf32, #tpu.memory_space<vmem_shared>>)
        tpu.yield
      }) : () -> ()
      "tpu.region"() ({
        %run_scoped3A_463 = tpu.sem_alloc : memref<!tpu.dma_semaphore, #tpu.memory_space<semaphore_mem>>
        %dma_start3A_464 = arith.constant 0 : i32
        %dma_start3A_465 = tpu.memref_slice %arg14[%dma_start3A_464] : memref<10240xf32, #tpu.memory_space<vmem_shared>> -> memref<10240xf32, #tpu.memory_space<vmem_shared>>
        tpu.enqueue_indirect_dma source(%arg16 : memref<128xf32, #tpu.memory_space<vmem>>) target(%dma_start3A_465 : memref<10240xf32, #tpu.memory_space<vmem_shared>>) offsets(%arg15 : memref<128xi32, #tpu.memory_space<vmem>>) semaphore(%run_scoped3A_463 : memref<!tpu.dma_semaphore, #tpu.memory_space<semaphore_mem>>) {add = true}
        %dma_wait3A_466 = arith.constant 0 : i32
        %dma_wait3A_467 = tpu.memref_slice %arg14[%dma_wait3A_466] : memref<10240xf32, #tpu.memory_space<vmem_shared>> -> memref<10240xf32, #tpu.memory_space<vmem_shared>>
        tpu.wait_indirect_dma semaphore(%run_scoped3A_463 : memref<!tpu.dma_semaphore, #tpu.memory_space<semaphore_mem>>) src(%arg16 : memref<128xf32, #tpu.memory_space<vmem>>) dst(%dma_wait3A_467 : memref<10240xf32, #tpu.memory_space<vmem_shared>>)
        tpu.yield
      }) : () -> ()
      %while3A_462 = arith.constant 0 : i32
      scf.yield %while3A_462 : i32
    }
    %barrier3A_422 = arith.constant 0 : index
    tpu.barrier barrier_id(%barrier3A_422)
    %add3A_423 = arith.constant 0 : i32
    %add3A_424 = arith.addi %mul3A_0, %add3A_423 : i32
    %add3A_425 = arith.constant 0 : i32
    %add3A_426 = arith.addi %mul3A_0, %add3A_425 : i32
    %run_scoped3A_427 = arith.constant 2 : i32
    "tpu.region"() ({
      %run_scoped3A_450 = tpu.sem_alloc : memref<!tpu.dma_semaphore, #tpu.memory_space<semaphore_mem>>
      %dma_start3A = arith.constant 0 : i32
      %dma_start3A_451 = tpu.memref_slice %arg11[%run_scoped3A_427, %arg0, %add3A_426, %dma_start3A] : memref<3x2x10240x128xf32, #tpu.memory_space<hbm>> -> memref<1x1x128x128xf32, #tpu.memory_space<hbm>>
      %dma_start3A_452 = tpu.memref_squeeze %dma_start3A_451 : memref<1x1x128x128xf32, #tpu.memory_space<hbm>> -> memref<128x128xf32, #tpu.memory_space<hbm>>
      %dma_start3A_453 = arith.constant 0 : i32
      %dma_start3A_454 = tpu.memref_slice %arg13[%add3A_424, %dma_start3A_453] : memref<10240x128xf32, #tpu.memory_space<vmem_shared>> -> memref<128x128xf32, #tpu.memory_space<vmem_shared>>
      tpu.enqueue_dma source(%dma_start3A_454 : memref<128x128xf32, #tpu.memory_space<vmem_shared>>) target(%dma_start3A_452 : memref<128x128xf32, #tpu.memory_space<hbm>>) target_semaphore(%run_scoped3A_450 : memref<!tpu.dma_semaphore, #tpu.memory_space<semaphore_mem>>)
      %dma_wait3A = arith.constant 0 : i32
      %dma_wait3A_455 = tpu.memref_slice %arg11[%run_scoped3A_427, %arg0, %add3A_426, %dma_wait3A] : memref<3x2x10240x128xf32, #tpu.memory_space<hbm>> -> memref<1x1x128x128xf32, #tpu.memory_space<hbm>>
      %dma_wait3A_456 = tpu.memref_squeeze %dma_wait3A_455 : memref<1x1x128x128xf32, #tpu.memory_space<hbm>> -> memref<128x128xf32, #tpu.memory_space<hbm>>
      %dma_wait3A_457 = arith.constant 0 : i32
      %dma_wait3A_458 = tpu.memref_slice %arg13[%add3A_424, %dma_wait3A_457] : memref<10240x128xf32, #tpu.memory_space<vmem_shared>> -> memref<128x128xf32, #tpu.memory_space<vmem_shared>>
      tpu.wait_dma2 semaphore(%run_scoped3A_450 : memref<!tpu.dma_semaphore, #tpu.memory_space<semaphore_mem>>) src(%dma_wait3A_458 : memref<128x128xf32, #tpu.memory_space<vmem_shared>>) dst(%dma_wait3A_456 : memref<128x128xf32, #tpu.memory_space<hbm>>)
      tpu.yield
    }) : () -> ()
    %add3A_428 = arith.constant 128 : i32
    %add3A_429 = arith.addi %mul3A_0, %add3A_428 : i32
    %add3A_430 = arith.constant 128 : i32
    %add3A_431 = arith.addi %mul3A_0, %add3A_430 : i32
    %run_scoped3A_432 = arith.constant 2 : i32
    "tpu.region"() ({
      %run_scoped3A_450 = tpu.sem_alloc : memref<!tpu.dma_semaphore, #tpu.memory_space<semaphore_mem>>
      %dma_start3A = arith.constant 0 : i32
      %dma_start3A_451 = tpu.memref_slice %arg11[%run_scoped3A_432, %arg0, %add3A_431, %dma_start3A] : memref<3x2x10240x128xf32, #tpu.memory_space<hbm>> -> memref<1x1x128x128xf32, #tpu.memory_space<hbm>>
      %dma_start3A_452 = tpu.memref_squeeze %dma_start3A_451 : memref<1x1x128x128xf32, #tpu.memory_space<hbm>> -> memref<128x128xf32, #tpu.memory_space<hbm>>
      %dma_start3A_453 = arith.constant 0 : i32
      %dma_start3A_454 = tpu.memref_slice %arg13[%add3A_429, %dma_start3A_453] : memref<10240x128xf32, #tpu.memory_space<vmem_shared>> -> memref<128x128xf32, #tpu.memory_space<vmem_shared>>
      tpu.enqueue_dma source(%dma_start3A_454 : memref<128x128xf32, #tpu.memory_space<vmem_shared>>) target(%dma_start3A_452 : memref<128x128xf32, #tpu.memory_space<hbm>>) target_semaphore(%run_scoped3A_450 : memref<!tpu.dma_semaphore, #tpu.memory_space<semaphore_mem>>)
      %dma_wait3A = arith.constant 0 : i32
      %dma_wait3A_455 = tpu.memref_slice %arg11[%run_scoped3A_432, %arg0, %add3A_431, %dma_wait3A] : memref<3x2x10240x128xf32, #tpu.memory_space<hbm>> -> memref<1x1x128x128xf32, #tpu.memory_space<hbm>>
      %dma_wait3A_456 = tpu.memref_squeeze %dma_wait3A_455 : memref<1x1x128x128xf32, #tpu.memory_space<hbm>> -> memref<128x128xf32, #tpu.memory_space<hbm>>
      %dma_wait3A_457 = arith.constant 0 : i32
      %dma_wait3A_458 = tpu.memref_slice %arg13[%add3A_429, %dma_wait3A_457] : memref<10240x128xf32, #tpu.memory_space<vmem_shared>> -> memref<128x128xf32, #tpu.memory_space<vmem_shared>>
      tpu.wait_dma2 semaphore(%run_scoped3A_450 : memref<!tpu.dma_semaphore, #tpu.memory_space<semaphore_mem>>) src(%dma_wait3A_458 : memref<128x128xf32, #tpu.memory_space<vmem_shared>>) dst(%dma_wait3A_456 : memref<128x128xf32, #tpu.memory_space<hbm>>)
      tpu.yield
    }) : () -> ()
    %add3A_433 = arith.constant 256 : i32
    %add3A_434 = arith.addi %mul3A_0, %add3A_433 : i32
    %add3A_435 = arith.constant 256 : i32
    %add3A_436 = arith.addi %mul3A_0, %add3A_435 : i32
    %run_scoped3A_437 = arith.constant 2 : i32
    "tpu.region"() ({
      %run_scoped3A_450 = tpu.sem_alloc : memref<!tpu.dma_semaphore, #tpu.memory_space<semaphore_mem>>
      %dma_start3A = arith.constant 0 : i32
      %dma_start3A_451 = tpu.memref_slice %arg11[%run_scoped3A_437, %arg0, %add3A_436, %dma_start3A] : memref<3x2x10240x128xf32, #tpu.memory_space<hbm>> -> memref<1x1x128x128xf32, #tpu.memory_space<hbm>>
      %dma_start3A_452 = tpu.memref_squeeze %dma_start3A_451 : memref<1x1x128x128xf32, #tpu.memory_space<hbm>> -> memref<128x128xf32, #tpu.memory_space<hbm>>
      %dma_start3A_453 = arith.constant 0 : i32
      %dma_start3A_454 = tpu.memref_slice %arg13[%add3A_434, %dma_start3A_453] : memref<10240x128xf32, #tpu.memory_space<vmem_shared>> -> memref<128x128xf32, #tpu.memory_space<vmem_shared>>
      tpu.enqueue_dma source(%dma_start3A_454 : memref<128x128xf32, #tpu.memory_space<vmem_shared>>) target(%dma_start3A_452 : memref<128x128xf32, #tpu.memory_space<hbm>>) target_semaphore(%run_scoped3A_450 : memref<!tpu.dma_semaphore, #tpu.memory_space<semaphore_mem>>)
      %dma_wait3A = arith.constant 0 : i32
      %dma_wait3A_455 = tpu.memref_slice %arg11[%run_scoped3A_437, %arg0, %add3A_436, %dma_wait3A] : memref<3x2x10240x128xf32, #tpu.memory_space<hbm>> -> memref<1x1x128x128xf32, #tpu.memory_space<hbm>>
      %dma_wait3A_456 = tpu.memref_squeeze %dma_wait3A_455 : memref<1x1x128x128xf32, #tpu.memory_space<hbm>> -> memref<128x128xf32, #tpu.memory_space<hbm>>
      %dma_wait3A_457 = arith.constant 0 : i32
      %dma_wait3A_458 = tpu.memref_slice %arg13[%add3A_434, %dma_wait3A_457] : memref<10240x128xf32, #tpu.memory_space<vmem_shared>> -> memref<128x128xf32, #tpu.memory_space<vmem_shared>>
      tpu.wait_dma2 semaphore(%run_scoped3A_450 : memref<!tpu.dma_semaphore, #tpu.memory_space<semaphore_mem>>) src(%dma_wait3A_458 : memref<128x128xf32, #tpu.memory_space<vmem_shared>>) dst(%dma_wait3A_456 : memref<128x128xf32, #tpu.memory_space<hbm>>)
      tpu.yield
    }) : () -> ()
    %add3A_438 = arith.constant 384 : i32
    %add3A_439 = arith.addi %mul3A_0, %add3A_438 : i32
    %add3A_440 = arith.constant 384 : i32
    %add3A_441 = arith.addi %mul3A_0, %add3A_440 : i32
    %run_scoped3A_442 = arith.constant 2 : i32
    "tpu.region"() ({
      %run_scoped3A_450 = tpu.sem_alloc : memref<!tpu.dma_semaphore, #tpu.memory_space<semaphore_mem>>
      %dma_start3A = arith.constant 0 : i32
      %dma_start3A_451 = tpu.memref_slice %arg11[%run_scoped3A_442, %arg0, %add3A_441, %dma_start3A] : memref<3x2x10240x128xf32, #tpu.memory_space<hbm>> -> memref<1x1x128x128xf32, #tpu.memory_space<hbm>>
      %dma_start3A_452 = tpu.memref_squeeze %dma_start3A_451 : memref<1x1x128x128xf32, #tpu.memory_space<hbm>> -> memref<128x128xf32, #tpu.memory_space<hbm>>
      %dma_start3A_453 = arith.constant 0 : i32
      %dma_start3A_454 = tpu.memref_slice %arg13[%add3A_439, %dma_start3A_453] : memref<10240x128xf32, #tpu.memory_space<vmem_shared>> -> memref<128x128xf32, #tpu.memory_space<vmem_shared>>
      tpu.enqueue_dma source(%dma_start3A_454 : memref<128x128xf32, #tpu.memory_space<vmem_shared>>) target(%dma_start3A_452 : memref<128x128xf32, #tpu.memory_space<hbm>>) target_semaphore(%run_scoped3A_450 : memref<!tpu.dma_semaphore, #tpu.memory_space<semaphore_mem>>)
      %dma_wait3A = arith.constant 0 : i32
      %dma_wait3A_455 = tpu.memref_slice %arg11[%run_scoped3A_442, %arg0, %add3A_441, %dma_wait3A] : memref<3x2x10240x128xf32, #tpu.memory_space<hbm>> -> memref<1x1x128x128xf32, #tpu.memory_space<hbm>>
      %dma_wait3A_456 = tpu.memref_squeeze %dma_wait3A_455 : memref<1x1x128x128xf32, #tpu.memory_space<hbm>> -> memref<128x128xf32, #tpu.memory_space<hbm>>
      %dma_wait3A_457 = arith.constant 0 : i32
      %dma_wait3A_458 = tpu.memref_slice %arg13[%add3A_439, %dma_wait3A_457] : memref<10240x128xf32, #tpu.memory_space<vmem_shared>> -> memref<128x128xf32, #tpu.memory_space<vmem_shared>>
      tpu.wait_dma2 semaphore(%run_scoped3A_450 : memref<!tpu.dma_semaphore, #tpu.memory_space<semaphore_mem>>) src(%dma_wait3A_458 : memref<128x128xf32, #tpu.memory_space<vmem_shared>>) dst(%dma_wait3A_456 : memref<128x128xf32, #tpu.memory_space<hbm>>)
      tpu.yield
    }) : () -> ()
    %add3A_443 = arith.constant 512 : i32
    %add3A_444 = arith.addi %mul3A_0, %add3A_443 : i32
    %add3A_445 = arith.constant 512 : i32
    %add3A_446 = arith.addi %mul3A_0, %add3A_445 : i32
    %run_scoped3A_447 = arith.constant 2 : i32
    "tpu.region"() ({
      %run_scoped3A_450 = tpu.sem_alloc : memref<!tpu.dma_semaphore, #tpu.memory_space<semaphore_mem>>
      %dma_start3A = arith.constant 0 : i32
      %dma_start3A_451 = tpu.memref_slice %arg11[%run_scoped3A_447, %arg0, %add3A_446, %dma_start3A] : memref<3x2x10240x128xf32, #tpu.memory_space<hbm>> -> memref<1x1x128x128xf32, #tpu.memory_space<hbm>>
      %dma_start3A_452 = tpu.memref_squeeze %dma_start3A_451 : memref<1x1x128x128xf32, #tpu.memory_space<hbm>> -> memref<128x128xf32, #tpu.memory_space<hbm>>
      %dma_start3A_453 = arith.constant 0 : i32
      %dma_start3A_454 = tpu.memref_slice %arg13[%add3A_444, %dma_start3A_453] : memref<10240x128xf32, #tpu.memory_space<vmem_shared>> -> memref<128x128xf32, #tpu.memory_space<vmem_shared>>
      tpu.enqueue_dma source(%dma_start3A_454 : memref<128x128xf32, #tpu.memory_space<vmem_shared>>) target(%dma_start3A_452 : memref<128x128xf32, #tpu.memory_space<hbm>>) target_semaphore(%run_scoped3A_450 : memref<!tpu.dma_semaphore, #tpu.memory_space<semaphore_mem>>)
      %dma_wait3A = arith.constant 0 : i32
      %dma_wait3A_455 = tpu.memref_slice %arg11[%run_scoped3A_447, %arg0, %add3A_446, %dma_wait3A] : memref<3x2x10240x128xf32, #tpu.memory_space<hbm>> -> memref<1x1x128x128xf32, #tpu.memory_space<hbm>>
      %dma_wait3A_456 = tpu.memref_squeeze %dma_wait3A_455 : memref<1x1x128x128xf32, #tpu.memory_space<hbm>> -> memref<128x128xf32, #tpu.memory_space<hbm>>
      %dma_wait3A_457 = arith.constant 0 : i32
      %dma_wait3A_458 = tpu.memref_slice %arg13[%add3A_444, %dma_wait3A_457] : memref<10240x128xf32, #tpu.memory_space<vmem_shared>> -> memref<128x128xf32, #tpu.memory_space<vmem_shared>>
      tpu.wait_dma2 semaphore(%run_scoped3A_450 : memref<!tpu.dma_semaphore, #tpu.memory_space<semaphore_mem>>) src(%dma_wait3A_458 : memref<128x128xf32, #tpu.memory_space<vmem_shared>>) dst(%dma_wait3A_456 : memref<128x128xf32, #tpu.memory_space<hbm>>)
      tpu.yield
    }) : () -> ()
    %run_scoped3A_448 = arith.constant 2 : i32
    "tpu.region"() ({
      %run_scoped3A_450 = tpu.sem_alloc : memref<!tpu.dma_semaphore, #tpu.memory_space<semaphore_mem>>
      %dma_start3A = tpu.memref_slice %arg12[%run_scoped3A_448, %arg0, %mul3A_0] : memref<3x2x10240xf32, #tpu.memory_space<hbm>> -> memref<1x1x640xf32, #tpu.memory_space<hbm>>
      %dma_start3A_451 = tpu.memref_squeeze %dma_start3A : memref<1x1x640xf32, #tpu.memory_space<hbm>> -> memref<640xf32, #tpu.memory_space<hbm>>
      %dma_start3A_452 = tpu.memref_slice %arg14[%mul3A_0] : memref<10240xf32, #tpu.memory_space<vmem_shared>> -> memref<640xf32, #tpu.memory_space<vmem_shared>>
      tpu.enqueue_dma source(%dma_start3A_452 : memref<640xf32, #tpu.memory_space<vmem_shared>>) target(%dma_start3A_451 : memref<640xf32, #tpu.memory_space<hbm>>) target_semaphore(%run_scoped3A_450 : memref<!tpu.dma_semaphore, #tpu.memory_space<semaphore_mem>>)
      %dma_wait3A = tpu.memref_slice %arg12[%run_scoped3A_448, %arg0, %mul3A_0] : memref<3x2x10240xf32, #tpu.memory_space<hbm>> -> memref<1x1x640xf32, #tpu.memory_space<hbm>>
      %dma_wait3A_453 = tpu.memref_squeeze %dma_wait3A : memref<1x1x640xf32, #tpu.memory_space<hbm>> -> memref<640xf32, #tpu.memory_space<hbm>>
      %dma_wait3A_454 = tpu.memref_slice %arg14[%mul3A_0] : memref<10240xf32, #tpu.memory_space<vmem_shared>> -> memref<640xf32, #tpu.memory_space<vmem_shared>>
      tpu.wait_dma2 semaphore(%run_scoped3A_450 : memref<!tpu.dma_semaphore, #tpu.memory_space<semaphore_mem>>) src(%dma_wait3A_454 : memref<640xf32, #tpu.memory_space<vmem_shared>>) dst(%dma_wait3A_453 : memref<640xf32, #tpu.memory_space<hbm>>)
      tpu.yield
    }) : () -> ()
    %barrier3A_449 = arith.constant 0 : index
    tpu.barrier barrier_id(%barrier3A_449)
    return
  }
}

module attributes {stable_mosaic.version = 14 : i64} {
  func.func @_dense_body(%arg0: i32, %arg1: memref<3x1000x128xf32, #tpu.memory_space<vmem>>, %arg2: memref<6x1000x128xf32, #tpu.memory_space<vmem>>, %arg3: memref<1000x6xf32, #tpu.memory_space<vmem>>, %arg4: memref<128x128xf32, #tpu.memory_space<vmem>>, %arg5: memref<128x128xf32, #tpu.memory_space<vmem>>, %arg6: memref<1x128xf32, #tpu.memory_space<vmem>>, %arg7: memref<128x128xf32, #tpu.memory_space<vmem>>, %arg8: memref<128x128xf32, #tpu.memory_space<vmem>>, %arg9: memref<1x128xf32, #tpu.memory_space<vmem>>, %arg10: memref<128x256xf32, #tpu.memory_space<vmem>>, %arg11: memref<1x256xf32, #tpu.memory_space<vmem>>, %arg12: memref<256x128xf32, #tpu.memory_space<vmem>>, %arg13: memref<1x128xf32, #tpu.memory_space<vmem>>, %arg14: memref<128x32xf32, #tpu.memory_space<vmem>>, %arg15: memref<1x32xf32, #tpu.memory_space<vmem>>, %arg16: memref<1000x32xf32, #tpu.memory_space<vmem>>, %arg17: memref<1000x32xf32, #tpu.memory_space<vmem>>, %arg18: memref<1000x32xf32, #tpu.memory_space<vmem>>, %arg19: memref<1000x32xf32, #tpu.memory_space<vmem>>) attributes {dimension_semantics = [#tpu.dimension_semantics<arbitrary>], iteration_bounds = array<i64: 10>, scalar_prefetch = 0 : i64, scratch_operands = 0 : i64, tpu.core_type = #tpu.core_type<tc>, window_params = [{transform_indices = @transform_0, window_bounds = array<i64: 3, 1000, 128>}, {transform_indices = @transform_1, window_bounds = array<i64: 6, 1000, 128>}, {transform_indices = @transform_2, window_bounds = array<i64: 1000, 6>}, {pipeline_mode = #tpu.pipeline_mode<synchronous>, transform_indices = @transform_3, window_bounds = array<i64: 128, 128>}, {pipeline_mode = #tpu.pipeline_mode<synchronous>, transform_indices = @transform_4, window_bounds = array<i64: 128, 128>}, {pipeline_mode = #tpu.pipeline_mode<synchronous>, transform_indices = @transform_5, window_bounds = array<i64: 1, 128>}, {pipeline_mode = #tpu.pipeline_mode<synchronous>, transform_indices = @transform_6, window_bounds = array<i64: 128, 128>}, {pipeline_mode = #tpu.pipeline_mode<synchronous>, transform_indices = @transform_7, window_bounds = array<i64: 128, 128>}, {pipeline_mode = #tpu.pipeline_mode<synchronous>, transform_indices = @transform_8, window_bounds = array<i64: 1, 128>}, {pipeline_mode = #tpu.pipeline_mode<synchronous>, transform_indices = @transform_9, window_bounds = array<i64: 128, 256>}, {pipeline_mode = #tpu.pipeline_mode<synchronous>, transform_indices = @transform_10, window_bounds = array<i64: 1, 256>}, {pipeline_mode = #tpu.pipeline_mode<synchronous>, transform_indices = @transform_11, window_bounds = array<i64: 256, 128>}, {pipeline_mode = #tpu.pipeline_mode<synchronous>, transform_indices = @transform_12, window_bounds = array<i64: 1, 128>}, {pipeline_mode = #tpu.pipeline_mode<synchronous>, transform_indices = @transform_13, window_bounds = array<i64: 128, 32>}, {pipeline_mode = #tpu.pipeline_mode<synchronous>, transform_indices = @transform_14, window_bounds = array<i64: 1, 32>}, {transform_indices = @transform_15, window_bounds = array<i64: 1000, 32>}, {transform_indices = @transform_16, window_bounds = array<i64: 1000, 32>}, {transform_indices = @transform_17, window_bounds = array<i64: 1000, 32>}, {transform_indices = @transform_18, window_bounds = array<i64: 1000, 32>}]} {
    %get3A = arith.constant 0 : index
    %get3A_0 = arith.constant 0 : index
    %get3A_1 = arith.constant 0 : index
    %get3A_2 = vector.load %arg1[%get3A, %get3A_0, %get3A_1] : memref<3x1000x128xf32, #tpu.memory_space<vmem>>, vector<3x1000x128xf32>
    %get3A_3 = arith.constant 0 : index
    %get3A_4 = arith.constant 0 : index
    %get3A_5 = arith.constant 0 : index
    %get3A_6 = vector.load %arg2[%get3A_3, %get3A_4, %get3A_5] : memref<6x1000x128xf32, #tpu.memory_space<vmem>>, vector<6x1000x128xf32>
    %get3A_7 = arith.constant 0 : index
    %get3A_8 = arith.constant 0 : index
    %get3A_9 = vector.load %arg3[%get3A_7, %get3A_8] : memref<1000x6xf32, #tpu.memory_space<vmem>>, vector<1000x6xf32>
    %slice3A = vector.extract_strided_slice %get3A_6 {offsets = [0, 0, 0], sizes = [1, 1000, 128], strides = [1, 1, 1]} : vector<6x1000x128xf32> to vector<1x1000x128xf32>
    %squeeze3A = vector.shape_cast %slice3A : vector<1x1000x128xf32> to vector<1000x128xf32>
    %slice3A_10 = vector.extract_strided_slice %get3A_6 {offsets = [1, 0, 0], sizes = [1, 1000, 128], strides = [1, 1, 1]} : vector<6x1000x128xf32> to vector<1x1000x128xf32>
    %squeeze3A_11 = vector.shape_cast %slice3A_10 : vector<1x1000x128xf32> to vector<1000x128xf32>
    %add3A = arith.addf %squeeze3A, %squeeze3A_11 : vector<1000x128xf32>
    %slice3A_12 = vector.extract_strided_slice %get3A_9 {offsets = [0, 0], sizes = [1000, 1], strides = [1, 1]} : vector<1000x6xf32> to vector<1000x1xf32>
    %squeeze3A_13 = vector.shape_cast %slice3A_12 : vector<1000x1xf32> to vector<1000xf32>
    %slice3A_14 = vector.extract_strided_slice %get3A_9 {offsets = [0, 1], sizes = [1000, 1], strides = [1, 1]} : vector<1000x6xf32> to vector<1000x1xf32>
    %squeeze3A_15 = vector.shape_cast %slice3A_14 : vector<1000x1xf32> to vector<1000xf32>
    %add3A_16 = arith.addf %squeeze3A_13, %squeeze3A_15 : vector<1000xf32>
    %max3A = arith.constant 1.000000e+00 : f32
    %max3A_17 = vector.broadcast %max3A : f32 to vector<1000xf32>
    %max3A_18 = arith.maximumf %add3A_16, %max3A_17 : vector<1000xf32>
    %broadcast_in_dim3A = vector.shape_cast %max3A_18 : vector<1000xf32> to vector<1000x1xf32>
    %div3A = vector.broadcast %broadcast_in_dim3A : vector<1000x1xf32> to vector<1000x128xf32>
    %div3A_19 = arith.divf %add3A, %div3A : vector<1000x128xf32>
    %slice3A_20 = vector.extract_strided_slice %get3A_6 {offsets = [2, 0, 0], sizes = [1, 1000, 128], strides = [1, 1, 1]} : vector<6x1000x128xf32> to vector<1x1000x128xf32>
    %squeeze3A_21 = vector.shape_cast %slice3A_20 : vector<1x1000x128xf32> to vector<1000x128xf32>
    %slice3A_22 = vector.extract_strided_slice %get3A_6 {offsets = [3, 0, 0], sizes = [1, 1000, 128], strides = [1, 1, 1]} : vector<6x1000x128xf32> to vector<1x1000x128xf32>
    %squeeze3A_23 = vector.shape_cast %slice3A_22 : vector<1x1000x128xf32> to vector<1000x128xf32>
    %add3A_24 = arith.addf %squeeze3A_21, %squeeze3A_23 : vector<1000x128xf32>
    %slice3A_25 = vector.extract_strided_slice %get3A_9 {offsets = [0, 2], sizes = [1000, 1], strides = [1, 1]} : vector<1000x6xf32> to vector<1000x1xf32>
    %squeeze3A_26 = vector.shape_cast %slice3A_25 : vector<1000x1xf32> to vector<1000xf32>
    %slice3A_27 = vector.extract_strided_slice %get3A_9 {offsets = [0, 3], sizes = [1000, 1], strides = [1, 1]} : vector<1000x6xf32> to vector<1000x1xf32>
    %squeeze3A_28 = vector.shape_cast %slice3A_27 : vector<1000x1xf32> to vector<1000xf32>
    %add3A_29 = arith.addf %squeeze3A_26, %squeeze3A_28 : vector<1000xf32>
    %max3A_30 = arith.constant 1.000000e+00 : f32
    %max3A_31 = vector.broadcast %max3A_30 : f32 to vector<1000xf32>
    %max3A_32 = arith.maximumf %add3A_29, %max3A_31 : vector<1000xf32>
    %broadcast_in_dim3A_33 = vector.shape_cast %max3A_32 : vector<1000xf32> to vector<1000x1xf32>
    %div3A_34 = vector.broadcast %broadcast_in_dim3A_33 : vector<1000x1xf32> to vector<1000x128xf32>
    %div3A_35 = arith.divf %add3A_24, %div3A_34 : vector<1000x128xf32>
    %slice3A_36 = vector.extract_strided_slice %get3A_6 {offsets = [4, 0, 0], sizes = [1, 1000, 128], strides = [1, 1, 1]} : vector<6x1000x128xf32> to vector<1x1000x128xf32>
    %squeeze3A_37 = vector.shape_cast %slice3A_36 : vector<1x1000x128xf32> to vector<1000x128xf32>
    %slice3A_38 = vector.extract_strided_slice %get3A_6 {offsets = [5, 0, 0], sizes = [1, 1000, 128], strides = [1, 1, 1]} : vector<6x1000x128xf32> to vector<1x1000x128xf32>
    %squeeze3A_39 = vector.shape_cast %slice3A_38 : vector<1x1000x128xf32> to vector<1000x128xf32>
    %add3A_40 = arith.addf %squeeze3A_37, %squeeze3A_39 : vector<1000x128xf32>
    %slice3A_41 = vector.extract_strided_slice %get3A_9 {offsets = [0, 4], sizes = [1000, 1], strides = [1, 1]} : vector<1000x6xf32> to vector<1000x1xf32>
    %squeeze3A_42 = vector.shape_cast %slice3A_41 : vector<1000x1xf32> to vector<1000xf32>
    %slice3A_43 = vector.extract_strided_slice %get3A_9 {offsets = [0, 5], sizes = [1000, 1], strides = [1, 1]} : vector<1000x6xf32> to vector<1000x1xf32>
    %squeeze3A_44 = vector.shape_cast %slice3A_43 : vector<1000x1xf32> to vector<1000xf32>
    %add3A_45 = arith.addf %squeeze3A_42, %squeeze3A_44 : vector<1000xf32>
    %max3A_46 = arith.constant 1.000000e+00 : f32
    %max3A_47 = vector.broadcast %max3A_46 : f32 to vector<1000xf32>
    %max3A_48 = arith.maximumf %add3A_45, %max3A_47 : vector<1000xf32>
    %broadcast_in_dim3A_49 = vector.shape_cast %max3A_48 : vector<1000xf32> to vector<1000x1xf32>
    %div3A_50 = vector.broadcast %broadcast_in_dim3A_49 : vector<1000x1xf32> to vector<1000x128xf32>
    %div3A_51 = arith.divf %add3A_40, %div3A_50 : vector<1000x128xf32>
    %get3A_52 = arith.constant 0 : index
    %get3A_53 = arith.constant 0 : index
    %get3A_54 = vector.load %arg4[%get3A_52, %get3A_53] : memref<128x128xf32, #tpu.memory_space<vmem>>, vector<128x128xf32>
    %get3A_55 = arith.constant 0 : index
    %get3A_56 = arith.constant 0 : index
    %get3A_57 = vector.load %arg5[%get3A_55, %get3A_56] : memref<128x128xf32, #tpu.memory_space<vmem>>, vector<128x128xf32>
    %get3A_58 = arith.constant 0 : index
    %get3A_59 = arith.constant 0 : index
    %get3A_60 = vector.load %arg6[%get3A_58, %get3A_59] : memref<1x128xf32, #tpu.memory_space<vmem>>, vector<1x128xf32>
    %get3A_61 = arith.constant 0 : index
    %get3A_62 = arith.constant 0 : index
    %get3A_63 = vector.load %arg7[%get3A_61, %get3A_62] : memref<128x128xf32, #tpu.memory_space<vmem>>, vector<128x128xf32>
    %get3A_64 = arith.constant 0 : index
    %get3A_65 = arith.constant 0 : index
    %get3A_66 = vector.load %arg8[%get3A_64, %get3A_65] : memref<128x128xf32, #tpu.memory_space<vmem>>, vector<128x128xf32>
    %get3A_67 = arith.constant 0 : index
    %get3A_68 = arith.constant 0 : index
    %get3A_69 = vector.load %arg9[%get3A_67, %get3A_68] : memref<1x128xf32, #tpu.memory_space<vmem>>, vector<1x128xf32>
    %slice3A_70 = vector.extract_strided_slice %get3A_2 {offsets = [0, 0, 0], sizes = [1, 1000, 128], strides = [1, 1, 1]} : vector<3x1000x128xf32> to vector<1x1000x128xf32>
    %squeeze3A_71 = vector.shape_cast %slice3A_70 : vector<1x1000x128xf32> to vector<1000x128xf32>
    %dot_general3A = arith.constant dense<0.000000e+00> : vector<1000x128xf32>
    %dot_general3A_72 = tpu.matmul %div3A_19, %get3A_54, %dot_general3A {dimension_numbers = #tpu.dot_dimension_numbers<[1], [0], [0], [1], [0, 0, 1, 1], [], []>, transpose_lhs_hint = false} : vector<1000x128xf32>, vector<128x128xf32>, vector<1000x128xf32> -> vector<1000x128xf32>
    %dot_general3A_73 = arith.constant dense<0.000000e+00> : vector<1000x128xf32>
    %dot_general3A_74 = tpu.matmul %squeeze3A_71, %get3A_57, %dot_general3A_73 {dimension_numbers = #tpu.dot_dimension_numbers<[1], [0], [0], [1], [0, 0, 1, 1], [], []>, transpose_lhs_hint = false} : vector<1000x128xf32>, vector<128x128xf32>, vector<1000x128xf32> -> vector<1000x128xf32>
    %add3A_75 = arith.addf %dot_general3A_72, %dot_general3A_74 : vector<1000x128xf32>
    %add3A_76 = vector.broadcast %get3A_60 : vector<1x128xf32> to vector<1000x128xf32>
    %add3A_77 = arith.addf %add3A_75, %add3A_76 : vector<1000x128xf32>
    %tanh3A = math.tanh %add3A_77 : vector<1000x128xf32>
    %slice3A_78 = vector.extract_strided_slice %get3A_2 {offsets = [0, 0, 0], sizes = [1, 1000, 128], strides = [1, 1, 1]} : vector<3x1000x128xf32> to vector<1x1000x128xf32>
    %squeeze3A_79 = vector.shape_cast %slice3A_78 : vector<1x1000x128xf32> to vector<1000x128xf32>
    %dot_general3A_80 = arith.constant dense<0.000000e+00> : vector<1000x128xf32>
    %dot_general3A_81 = tpu.matmul %div3A_19, %get3A_63, %dot_general3A_80 {dimension_numbers = #tpu.dot_dimension_numbers<[1], [0], [0], [1], [0, 0, 1, 1], [], []>, transpose_lhs_hint = false} : vector<1000x128xf32>, vector<128x128xf32>, vector<1000x128xf32> -> vector<1000x128xf32>
    %dot_general3A_82 = arith.constant dense<0.000000e+00> : vector<1000x128xf32>
    %dot_general3A_83 = tpu.matmul %squeeze3A_79, %get3A_66, %dot_general3A_82 {dimension_numbers = #tpu.dot_dimension_numbers<[1], [0], [0], [1], [0, 0, 1, 1], [], []>, transpose_lhs_hint = false} : vector<1000x128xf32>, vector<128x128xf32>, vector<1000x128xf32> -> vector<1000x128xf32>
    %add3A_84 = arith.addf %dot_general3A_81, %dot_general3A_83 : vector<1000x128xf32>
    %add3A_85 = vector.broadcast %get3A_69 : vector<1x128xf32> to vector<1000x128xf32>
    %add3A_86 = arith.addf %add3A_84, %add3A_85 : vector<1000x128xf32>
    %tanh3A_87 = math.tanh %add3A_86 : vector<1000x128xf32>
    %slice3A_88 = vector.extract_strided_slice %get3A_2 {offsets = [1, 0, 0], sizes = [1, 1000, 128], strides = [1, 1, 1]} : vector<3x1000x128xf32> to vector<1x1000x128xf32>
    %squeeze3A_89 = vector.shape_cast %slice3A_88 : vector<1x1000x128xf32> to vector<1000x128xf32>
    %dot_general3A_90 = arith.constant dense<0.000000e+00> : vector<1000x128xf32>
    %dot_general3A_91 = tpu.matmul %div3A_35, %get3A_63, %dot_general3A_90 {dimension_numbers = #tpu.dot_dimension_numbers<[1], [0], [0], [1], [0, 0, 1, 1], [], []>, transpose_lhs_hint = false} : vector<1000x128xf32>, vector<128x128xf32>, vector<1000x128xf32> -> vector<1000x128xf32>
    %dot_general3A_92 = arith.constant dense<0.000000e+00> : vector<1000x128xf32>
    %dot_general3A_93 = tpu.matmul %squeeze3A_89, %get3A_66, %dot_general3A_92 {dimension_numbers = #tpu.dot_dimension_numbers<[1], [0], [0], [1], [0, 0, 1, 1], [], []>, transpose_lhs_hint = false} : vector<1000x128xf32>, vector<128x128xf32>, vector<1000x128xf32> -> vector<1000x128xf32>
    %add3A_94 = arith.addf %dot_general3A_91, %dot_general3A_93 : vector<1000x128xf32>
    %add3A_95 = vector.broadcast %get3A_69 : vector<1x128xf32> to vector<1000x128xf32>
    %add3A_96 = arith.addf %add3A_94, %add3A_95 : vector<1000x128xf32>
    %tanh3A_97 = math.tanh %add3A_96 : vector<1000x128xf32>
    %slice3A_98 = vector.extract_strided_slice %get3A_2 {offsets = [2, 0, 0], sizes = [1, 1000, 128], strides = [1, 1, 1]} : vector<3x1000x128xf32> to vector<1x1000x128xf32>
    %squeeze3A_99 = vector.shape_cast %slice3A_98 : vector<1x1000x128xf32> to vector<1000x128xf32>
    %dot_general3A_100 = arith.constant dense<0.000000e+00> : vector<1000x128xf32>
    %dot_general3A_101 = tpu.matmul %div3A_51, %get3A_63, %dot_general3A_100 {dimension_numbers = #tpu.dot_dimension_numbers<[1], [0], [0], [1], [0, 0, 1, 1], [], []>, transpose_lhs_hint = false} : vector<1000x128xf32>, vector<128x128xf32>, vector<1000x128xf32> -> vector<1000x128xf32>
    %dot_general3A_102 = arith.constant dense<0.000000e+00> : vector<1000x128xf32>
    %dot_general3A_103 = tpu.matmul %squeeze3A_99, %get3A_66, %dot_general3A_102 {dimension_numbers = #tpu.dot_dimension_numbers<[1], [0], [0], [1], [0, 0, 1, 1], [], []>, transpose_lhs_hint = false} : vector<1000x128xf32>, vector<128x128xf32>, vector<1000x128xf32> -> vector<1000x128xf32>
    %add3A_104 = arith.addf %dot_general3A_101, %dot_general3A_103 : vector<1000x128xf32>
    %add3A_105 = vector.broadcast %get3A_69 : vector<1x128xf32> to vector<1000x128xf32>
    %add3A_106 = arith.addf %add3A_104, %add3A_105 : vector<1000x128xf32>
    %tanh3A_107 = math.tanh %add3A_106 : vector<1000x128xf32>
    %get3A_108 = arith.constant 0 : index
    %get3A_109 = arith.constant 0 : index
    %get3A_110 = vector.load %arg10[%get3A_108, %get3A_109] : memref<128x256xf32, #tpu.memory_space<vmem>>, vector<128x256xf32>
    %get3A_111 = arith.constant 0 : index
    %get3A_112 = arith.constant 0 : index
    %get3A_113 = vector.load %arg11[%get3A_111, %get3A_112] : memref<1x256xf32, #tpu.memory_space<vmem>>, vector<1x256xf32>
    %get3A_114 = arith.constant 0 : index
    %get3A_115 = arith.constant 0 : index
    %get3A_116 = vector.load %arg12[%get3A_114, %get3A_115] : memref<256x128xf32, #tpu.memory_space<vmem>>, vector<256x128xf32>
    %get3A_117 = arith.constant 0 : index
    %get3A_118 = arith.constant 0 : index
    %get3A_119 = vector.load %arg13[%get3A_117, %get3A_118] : memref<1x128xf32, #tpu.memory_space<vmem>>, vector<1x128xf32>
    %get3A_120 = arith.constant 0 : index
    %get3A_121 = arith.constant 0 : index
    %get3A_122 = vector.load %arg14[%get3A_120, %get3A_121] : memref<128x32xf32, #tpu.memory_space<vmem>>, vector<128x32xf32>
    %get3A_123 = arith.constant 0 : index
    %get3A_124 = arith.constant 0 : index
    %get3A_125 = vector.load %arg15[%get3A_123, %get3A_124] : memref<1x32xf32, #tpu.memory_space<vmem>>, vector<1x32xf32>
    %dot_general3A_126 = arith.constant dense<0.000000e+00> : vector<1000x256xf32>
    %dot_general3A_127 = tpu.matmul %tanh3A, %get3A_110, %dot_general3A_126 {dimension_numbers = #tpu.dot_dimension_numbers<[1], [0], [0], [1], [0, 0, 1, 1], [], []>, transpose_lhs_hint = false} : vector<1000x128xf32>, vector<128x256xf32>, vector<1000x256xf32> -> vector<1000x256xf32>
    %add3A_128 = vector.broadcast %get3A_113 : vector<1x256xf32> to vector<1000x256xf32>
    %add3A_129 = arith.addf %dot_general3A_127, %add3A_128 : vector<1000x256xf32>
    %tanh3A_130 = math.tanh %add3A_129 : vector<1000x256xf32>
    %dot_general3A_131 = arith.constant dense<0.000000e+00> : vector<1000x128xf32>
    %dot_general3A_132 = tpu.matmul %tanh3A_130, %get3A_116, %dot_general3A_131 {dimension_numbers = #tpu.dot_dimension_numbers<[1], [0], [0], [1], [0, 0, 1, 1], [], []>, transpose_lhs_hint = false} : vector<1000x256xf32>, vector<256x128xf32>, vector<1000x128xf32> -> vector<1000x128xf32>
    %add3A_133 = vector.broadcast %get3A_119 : vector<1x128xf32> to vector<1000x128xf32>
    %add3A_134 = arith.addf %dot_general3A_132, %add3A_133 : vector<1000x128xf32>
    %tanh3A_135 = math.tanh %add3A_134 : vector<1000x128xf32>
    %dot_general3A_136 = arith.constant dense<0.000000e+00> : vector<1000x32xf32>
    %dot_general3A_137 = tpu.matmul %tanh3A_135, %get3A_122, %dot_general3A_136 {dimension_numbers = #tpu.dot_dimension_numbers<[1], [0], [0], [1], [0, 0, 1, 1], [], []>, transpose_lhs_hint = false} : vector<1000x128xf32>, vector<128x32xf32>, vector<1000x32xf32> -> vector<1000x32xf32>
    %add3A_138 = vector.broadcast %get3A_125 : vector<1x32xf32> to vector<1000x32xf32>
    %add3A_139 = arith.addf %dot_general3A_137, %add3A_138 : vector<1000x32xf32>
    %tanh3A_140 = math.tanh %add3A_139 : vector<1000x32xf32>
    %swap3A = arith.constant 0 : index
    %swap3A_141 = arith.constant 0 : index
    %swap3A_142 = vector.load %arg16[%swap3A, %swap3A_141] : memref<1000x32xf32, #tpu.memory_space<vmem>>, vector<1000x32xf32>
    tpu.vector_store %arg16[%swap3A, %swap3A_141], %tanh3A_140 {strides = array<i32>} : memref<1000x32xf32, #tpu.memory_space<vmem>>, vector<1000x32xf32>,
    %dot_general3A_143 = arith.constant dense<0.000000e+00> : vector<1000x256xf32>
    %dot_general3A_144 = tpu.matmul %tanh3A_87, %get3A_110, %dot_general3A_143 {dimension_numbers = #tpu.dot_dimension_numbers<[1], [0], [0], [1], [0, 0, 1, 1], [], []>, transpose_lhs_hint = false} : vector<1000x128xf32>, vector<128x256xf32>, vector<1000x256xf32> -> vector<1000x256xf32>
    %add3A_145 = vector.broadcast %get3A_113 : vector<1x256xf32> to vector<1000x256xf32>
    %add3A_146 = arith.addf %dot_general3A_144, %add3A_145 : vector<1000x256xf32>
    %tanh3A_147 = math.tanh %add3A_146 : vector<1000x256xf32>
    %dot_general3A_148 = arith.constant dense<0.000000e+00> : vector<1000x128xf32>
    %dot_general3A_149 = tpu.matmul %tanh3A_147, %get3A_116, %dot_general3A_148 {dimension_numbers = #tpu.dot_dimension_numbers<[1], [0], [0], [1], [0, 0, 1, 1], [], []>, transpose_lhs_hint = false} : vector<1000x256xf32>, vector<256x128xf32>, vector<1000x128xf32> -> vector<1000x128xf32>
    %add3A_150 = vector.broadcast %get3A_119 : vector<1x128xf32> to vector<1000x128xf32>
    %add3A_151 = arith.addf %dot_general3A_149, %add3A_150 : vector<1000x128xf32>
    %tanh3A_152 = math.tanh %add3A_151 : vector<1000x128xf32>
    %dot_general3A_153 = arith.constant dense<0.000000e+00> : vector<1000x32xf32>
    %dot_general3A_154 = tpu.matmul %tanh3A_152, %get3A_122, %dot_general3A_153 {dimension_numbers = #tpu.dot_dimension_numbers<[1], [0], [0], [1], [0, 0, 1, 1], [], []>, transpose_lhs_hint = false} : vector<1000x128xf32>, vector<128x32xf32>, vector<1000x32xf32> -> vector<1000x32xf32>
    %add3A_155 = vector.broadcast %get3A_125 : vector<1x32xf32> to vector<1000x32xf32>
    %add3A_156 = arith.addf %dot_general3A_154, %add3A_155 : vector<1000x32xf32>
    %tanh3A_157 = math.tanh %add3A_156 : vector<1000x32xf32>
    %swap3A_158 = arith.constant 0 : index
    %swap3A_159 = arith.constant 0 : index
    %swap3A_160 = vector.load %arg17[%swap3A_158, %swap3A_159] : memref<1000x32xf32, #tpu.memory_space<vmem>>, vector<1000x32xf32>
    tpu.vector_store %arg17[%swap3A_158, %swap3A_159], %tanh3A_157 {strides = array<i32>} : memref<1000x32xf32, #tpu.memory_space<vmem>>, vector<1000x32xf32>,
    %dot_general3A_161 = arith.constant dense<0.000000e+00> : vector<1000x256xf32>
    %dot_general3A_162 = tpu.matmul %tanh3A_97, %get3A_110, %dot_general3A_161 {dimension_numbers = #tpu.dot_dimension_numbers<[1], [0], [0], [1], [0, 0, 1, 1], [], []>, transpose_lhs_hint = false} : vector<1000x128xf32>, vector<128x256xf32>, vector<1000x256xf32> -> vector<1000x256xf32>
    %add3A_163 = vector.broadcast %get3A_113 : vector<1x256xf32> to vector<1000x256xf32>
    %add3A_164 = arith.addf %dot_general3A_162, %add3A_163 : vector<1000x256xf32>
    %tanh3A_165 = math.tanh %add3A_164 : vector<1000x256xf32>
    %dot_general3A_166 = arith.constant dense<0.000000e+00> : vector<1000x128xf32>
    %dot_general3A_167 = tpu.matmul %tanh3A_165, %get3A_116, %dot_general3A_166 {dimension_numbers = #tpu.dot_dimension_numbers<[1], [0], [0], [1], [0, 0, 1, 1], [], []>, transpose_lhs_hint = false} : vector<1000x256xf32>, vector<256x128xf32>, vector<1000x128xf32> -> vector<1000x128xf32>
    %add3A_168 = vector.broadcast %get3A_119 : vector<1x128xf32> to vector<1000x128xf32>
    %add3A_169 = arith.addf %dot_general3A_167, %add3A_168 : vector<1000x128xf32>
    %tanh3A_170 = math.tanh %add3A_169 : vector<1000x128xf32>
    %dot_general3A_171 = arith.constant dense<0.000000e+00> : vector<1000x32xf32>
    %dot_general3A_172 = tpu.matmul %tanh3A_170, %get3A_122, %dot_general3A_171 {dimension_numbers = #tpu.dot_dimension_numbers<[1], [0], [0], [1], [0, 0, 1, 1], [], []>, transpose_lhs_hint = false} : vector<1000x128xf32>, vector<128x32xf32>, vector<1000x32xf32> -> vector<1000x32xf32>
    %add3A_173 = vector.broadcast %get3A_125 : vector<1x32xf32> to vector<1000x32xf32>
    %add3A_174 = arith.addf %dot_general3A_172, %add3A_173 : vector<1000x32xf32>
    %tanh3A_175 = math.tanh %add3A_174 : vector<1000x32xf32>
    %swap3A_176 = arith.constant 0 : index
    %swap3A_177 = arith.constant 0 : index
    %swap3A_178 = vector.load %arg18[%swap3A_176, %swap3A_177] : memref<1000x32xf32, #tpu.memory_space<vmem>>, vector<1000x32xf32>
    tpu.vector_store %arg18[%swap3A_176, %swap3A_177], %tanh3A_175 {strides = array<i32>} : memref<1000x32xf32, #tpu.memory_space<vmem>>, vector<1000x32xf32>,
    %dot_general3A_179 = arith.constant dense<0.000000e+00> : vector<1000x256xf32>
    %dot_general3A_180 = tpu.matmul %tanh3A_107, %get3A_110, %dot_general3A_179 {dimension_numbers = #tpu.dot_dimension_numbers<[1], [0], [0], [1], [0, 0, 1, 1], [], []>, transpose_lhs_hint = false} : vector<1000x128xf32>, vector<128x256xf32>, vector<1000x256xf32> -> vector<1000x256xf32>
    %add3A_181 = vector.broadcast %get3A_113 : vector<1x256xf32> to vector<1000x256xf32>
    %add3A_182 = arith.addf %dot_general3A_180, %add3A_181 : vector<1000x256xf32>
    %tanh3A_183 = math.tanh %add3A_182 : vector<1000x256xf32>
    %dot_general3A_184 = arith.constant dense<0.000000e+00> : vector<1000x128xf32>
    %dot_general3A_185 = tpu.matmul %tanh3A_183, %get3A_116, %dot_general3A_184 {dimension_numbers = #tpu.dot_dimension_numbers<[1], [0], [0], [1], [0, 0, 1, 1], [], []>, transpose_lhs_hint = false} : vector<1000x256xf32>, vector<256x128xf32>, vector<1000x128xf32> -> vector<1000x128xf32>
    %add3A_186 = vector.broadcast %get3A_119 : vector<1x128xf32> to vector<1000x128xf32>
    %add3A_187 = arith.addf %dot_general3A_185, %add3A_186 : vector<1000x128xf32>
    %tanh3A_188 = math.tanh %add3A_187 : vector<1000x128xf32>
    %dot_general3A_189 = arith.constant dense<0.000000e+00> : vector<1000x32xf32>
    %dot_general3A_190 = tpu.matmul %tanh3A_188, %get3A_122, %dot_general3A_189 {dimension_numbers = #tpu.dot_dimension_numbers<[1], [0], [0], [1], [0, 0, 1, 1], [], []>, transpose_lhs_hint = false} : vector<1000x128xf32>, vector<128x32xf32>, vector<1000x32xf32> -> vector<1000x32xf32>
    %add3A_191 = vector.broadcast %get3A_125 : vector<1x32xf32> to vector<1000x32xf32>
    %add3A_192 = arith.addf %dot_general3A_190, %add3A_191 : vector<1000x32xf32>
    %tanh3A_193 = math.tanh %add3A_192 : vector<1000x32xf32>
    %swap3A_194 = arith.constant 0 : index
    %swap3A_195 = arith.constant 0 : index
    %swap3A_196 = vector.load %arg19[%swap3A_194, %swap3A_195] : memref<1000x32xf32, #tpu.memory_space<vmem>>, vector<1000x32xf32>
    tpu.vector_store %arg19[%swap3A_194, %swap3A_195], %tanh3A_193 {strides = array<i32>} : memref<1000x32xf32, #tpu.memory_space<vmem>>, vector<1000x32xf32>,
    return
  }
  func.func @transform_0(%arg0: i32) -> (i32, i32, i32) {
    %c0_i32 = arith.constant 0 : i32
    %c0_i32_0 = arith.constant 0 : i32
    %c0_i32_1 = arith.constant 0 : i32
    return %c0_i32, %arg0, %c0_i32_0 : i32, i32, i32
  }
  func.func @transform_1(%arg0: i32) -> (i32, i32, i32) {
    %c0_i32 = arith.constant 0 : i32
    %c0_i32_0 = arith.constant 0 : i32
    %c0_i32_1 = arith.constant 0 : i32
    return %c0_i32, %arg0, %c0_i32_0 : i32, i32, i32
  }
  func.func @transform_2(%arg0: i32) -> (i32, i32) {
    %c0_i32 = arith.constant 0 : i32
    %c0_i32_0 = arith.constant 0 : i32
    return %arg0, %c0_i32 : i32, i32
  }
  func.func @transform_3(%arg0: i32) -> (i32, i32) {
    %c0_i32 = arith.constant 0 : i32
    %c0_i32_0 = arith.constant 0 : i32
    %c0_i32_1 = arith.constant 0 : i32
    return %c0_i32, %c0_i32_0 : i32, i32
  }
  func.func @transform_4(%arg0: i32) -> (i32, i32) {
    %c0_i32 = arith.constant 0 : i32
    %c0_i32_0 = arith.constant 0 : i32
    %c0_i32_1 = arith.constant 0 : i32
    return %c0_i32, %c0_i32_0 : i32, i32
  }
  func.func @transform_5(%arg0: i32) -> (i32, i32) {
    %c0_i32 = arith.constant 0 : i32
    %c0_i32_0 = arith.constant 0 : i32
    %c0_i32_1 = arith.constant 0 : i32
    return %c0_i32, %c0_i32_0 : i32, i32
  }
  func.func @transform_6(%arg0: i32) -> (i32, i32) {
    %c0_i32 = arith.constant 0 : i32
    %c0_i32_0 = arith.constant 0 : i32
    %c0_i32_1 = arith.constant 0 : i32
    return %c0_i32, %c0_i32_0 : i32, i32
  }
  func.func @transform_7(%arg0: i32) -> (i32, i32) {
    %c0_i32 = arith.constant 0 : i32
    %c0_i32_0 = arith.constant 0 : i32
    %c0_i32_1 = arith.constant 0 : i32
    return %c0_i32, %c0_i32_0 : i32, i32
  }
  func.func @transform_8(%arg0: i32) -> (i32, i32) {
    %c0_i32 = arith.constant 0 : i32
    %c0_i32_0 = arith.constant 0 : i32
    %c0_i32_1 = arith.constant 0 : i32
    return %c0_i32, %c0_i32_0 : i32, i32
  }
  func.func @transform_9(%arg0: i32) -> (i32, i32) {
    %c0_i32 = arith.constant 0 : i32
    %c0_i32_0 = arith.constant 0 : i32
    %c0_i32_1 = arith.constant 0 : i32
    return %c0_i32, %c0_i32_0 : i32, i32
  }
  func.func @transform_10(%arg0: i32) -> (i32, i32) {
    %c0_i32 = arith.constant 0 : i32
    %c0_i32_0 = arith.constant 0 : i32
    %c0_i32_1 = arith.constant 0 : i32
    return %c0_i32, %c0_i32_0 : i32, i32
  }
  func.func @transform_11(%arg0: i32) -> (i32, i32) {
    %c0_i32 = arith.constant 0 : i32
    %c0_i32_0 = arith.constant 0 : i32
    %c0_i32_1 = arith.constant 0 : i32
    return %c0_i32, %c0_i32_0 : i32, i32
  }
  func.func @transform_12(%arg0: i32) -> (i32, i32) {
    %c0_i32 = arith.constant 0 : i32
    %c0_i32_0 = arith.constant 0 : i32
    %c0_i32_1 = arith.constant 0 : i32
    return %c0_i32, %c0_i32_0 : i32, i32
  }
  func.func @transform_13(%arg0: i32) -> (i32, i32) {
    %c0_i32 = arith.constant 0 : i32
    %c0_i32_0 = arith.constant 0 : i32
    %c0_i32_1 = arith.constant 0 : i32
    return %c0_i32, %c0_i32_0 : i32, i32
  }
  func.func @transform_14(%arg0: i32) -> (i32, i32) {
    %c0_i32 = arith.constant 0 : i32
    %c0_i32_0 = arith.constant 0 : i32
    %c0_i32_1 = arith.constant 0 : i32
    return %c0_i32, %c0_i32_0 : i32, i32
  }
  func.func @transform_15(%arg0: i32) -> (i32, i32) {
    %c0_i32 = arith.constant 0 : i32
    %c0_i32_0 = arith.constant 0 : i32
    return %arg0, %c0_i32 : i32, i32
  }
  func.func @transform_16(%arg0: i32) -> (i32, i32) {
    %c0_i32 = arith.constant 0 : i32
    %c0_i32_0 = arith.constant 0 : i32
    return %arg0, %c0_i32 : i32, i32
  }
  func.func @transform_17(%arg0: i32) -> (i32, i32) {
    %c0_i32 = arith.constant 0 : i32
    %c0_i32_0 = arith.constant 0 : i32
    return %arg0, %c0_i32 : i32, i32
  }
  func.func @transform_18(%arg0: i32) -> (i32, i32) {
    %c0_i32 = arith.constant 0 : i32
    %c0_i32_0 = arith.constant 0 : i32
    return %arg0, %c0_i32 : i32, i32
  }
}

</mosaic_0001>

<sc_bundles>
// kernel: kernel.4.cloned.1.call-start
scs
__scs_entry_jumppad:
0x0: {  	(pc) =	sbr.rel $0x88, $3  }
0x1: {  	(tag) =	ssettag $0x0;
	lr =	simm.s32 $0x1  }
0x2: {  	[smem:$0x3F8F] =	sst lr;
	_ =	strace $0xD0000000  }
0x3: {  	_ = 	snop  }
0x4: {  	_ = 	snop  }
0x5: {  	_ = 	snop  }
0x6: {  	_ = 	snop  }
0x7: {  	_ = 	snop  }
__scs_overlays_trampoline_lowered:
0x8: {  	[smem:$0x3F9E] =	sst s0  }
0x9: {  	[smem:$0x3F9F] =	sst s1  }
0xa: {  	[smem:$0x3FA0] =	sst s2  }
0xb: {  	[smem:$0x3FA1] =	sst s3  }
0xc: {  	[smem:$0x3FA2] =	sst s4  }
0xd: {  	[smem:$0x3FA3] =	sst s5  }
0xe: {  	[smem:$0x3FA4] =	sst s6  }
0xf: {  	[smem:$0x3FA5] =	sst s7  }
0x10: {  	[smem:$0x3FA6] =	sst s8  }
0x11: {  	[smem:$0x3FA7] =	sst s9;
	s0 =	simm.s32 @!p0 $0x0  }
0x12: {  	s1 =	sld [smem:$0x3F8D];
	s0 =	simm.s32 @p0 $0x1  }
0x13: {  	[smem:$0x3FA8] =	sst s0;
	s0 =	simm.s32 @!p1 $0x0  }
0x14: {  	s2 =	sld [smem:$0x3F8C];
	s0 =	simm.s32 @p1 $0x1  }
0x15: {  	[smem:$0x3FA9] =	sst s0;
	s0 =	simm.s32 @!p2 $0x0  }
0x16: {  	s3 =	sld [smem:$0x3FDB];
	s0 =	simm.s32 @p2 $0x1  }
0x17: {  	s4 =	simm.s32 $0x1BF5;
	[smem:$0x3FAB] =	sst s0  }
0x18: {  	s0 =	sld [smem:$0x3F8E];
	_ =	swait.ge [sflag:s4], $0x0  }
0x19: {  	s7 =	sld [smem:$0x3F8F]  }
0x1a: {  	s8 =	sadd.s32 $0xFFFFE003, lr  }
0x1b: {  	s9 =	sadd.s32 $0xFFFFFEF7, lr;
	s5 =	simm.s32 $0xFFFFFFFF;
	p2 =	slt.u32 s8, $0xFFFFF086  }
0x1c: {  	p1 =	slt.u32 s9, $0xF7A;
	s5 =	simm.s32 @!p2 $0x0  }
0x1d: {  	s5 =	simm.s32 @p1 $0x1;
	p0 =	seq.s32 s7, s2  }
0x1e: {  	s7 =	smul.u32 @!p0 $0xF7A, s2;
	p2 =	seq.s32 @!p0 s5, $0x0  }
0x1f: {  	s9 =	smul.u32 $0xF7A, s1;
	s8 =	simm.s32 @!p0 $0x1BF5;
	p2 =	por !p2, p0  }
0x20: {  	[sflag:s8] =	ssyncset.s32 @!p0 $0xFFFFF086;
	s6 =	sadd.s32 @!p0 s3, s7;
	s7 =	simm.s32 @!p0 $0x108  }
0x21: {  	s3 =	sadd.s32 s3, s9;
	s6 =	sadd.s32 @!p0 $0x88, s6;
	s7 =	simm.s32 @p2 $0x1082  }
0x22: {  	[simem:s7], [sflag:s8] =	dma.local @!p0 [hbm:s6], $0xF7A  }
0x23: {  	s9 =	sor.u32 $0xD0000000, s2;
	s6 =	simm.s32 $0x108;
	_ =	swait.ge @!p0 [sflag:s8], $0x0  }
0x24: {  	s3 =	sadd.s32 $0x88, s3;
	s6 =	simm.s32 @!p1 $0x1082;
	[sflag:s4] =	ssyncset.s32 $0xFFFFF086  }
0x25: {  	[simem:s6], [sflag:s4] =	dma.local [hbm:s3], $0xF7A  }
0x26: {  	[smem:$0x3F8F] =	sst s1;
	(tag) =	ssettag s2;
	_ =	strace s9  }
0x27: {  	s1 =	sld [smem:$0x3F9F]  }
0x28: {  	s2 =	sld [smem:$0x3FA0]  }
0x29: {  	s4 =	sld [smem:$0x3FA2]  }
0x2a: {  	p0 =	seq.s32 s5, $0x0;
	s5 =	sld [smem:$0x3FA3]  }
0x2b: {  	s6 =	sld [smem:$0x3FA4]  }
0x2c: {  	s7 =	sld [smem:$0x3FA5]  }
0x2d: {  	s3 =	simm.s32 $0x108;
	s8 =	sld [smem:$0x3FA6]  }
0x2e: {  	s3 =	simm.s32 @!p0 $0x1082;
	s9 =	sld [smem:$0x3FA7]  }
0x2f: {  	lr =	sadd.s32 s0, s3;
	s0 =	sld [smem:$0x3F9E]  }
0x30: {  	s3 =	sld [smem:$0x3FA1]  }
0x31: {  	[smem:$0x3FAA] =	sst s10  }
0x32: {  	s10 =	sld [smem:$0x3FA8];
	_ =	sdelay $0x3  }
0x33: {  	p0 =	seq.s32 s10, $0x1;
	s10 =	sld [smem:$0x3FAA];
	_ =	sdelay $0x3  }
0x34: {  	[smem:$0x3FAA] =	sst s10  }
0x35: {  	s10 =	sld [smem:$0x3FA9];
	_ =	sdelay $0x3  }
0x36: {  	p1 =	seq.s32 s10, $0x1;
	s10 =	sld [smem:$0x3FAA];
	_ =	sdelay $0x3  }
0x37: {  	[smem:$0x3FAA] =	sst s10  }
0x38: {  	s10 =	sld [smem:$0x3FAB]  }
0x39: {  	_ = 	snop;
	(pc) =	sbr.ind lr, $3  }
0x3a: {  	_ = 	snop  }
0x3b: {  	_ = 	snop  }
0x3c: {  	p2 =	seq.s32 s10, $0x1;
	s10 =	sld [smem:$0x3FAA]  }
0x3d: {  	_ =	shalt  }
0x3e: {  	_ =	shalt  }
0x3f: {  	_ =	shalt  }
0x40: {  	_ =	shalt  }
0x41: {  	_ =	shalt  }
0x42: {  	_ =	shalt  }
0x43: {  	_ =	shalt  }
0x44: {  	_ =	shalt  }
0x45: {  	_ =	shalt  }
0x46: {  	_ =	shalt  }
0x47: {  	_ =	shalt  }
0x48: {  	_ =	shalt  }
0x49: {  	_ =	shalt  }
0x4a: {  	_ =	shalt  }
0x4b: {  	_ =	shalt  }
0x4c: {  	_ =	shalt  }
0x4d: {  	_ =	shalt  }
0x4e: {  	_ =	shalt  }
0x4f: {  	_ =	shalt  }
0x50: {  	_ =	shalt  }
0x51: {  	_ =	shalt  }
0x52: {  	_ =	shalt  }
0x53: {  	_ =	shalt  }
0x54: {  	_ =	shalt  }
0x55: {  	_ =	shalt  }
0x56: {  	_ =	shalt  }
0x57: {  	_ =	shalt  }
0x58: {  	_ =	shalt  }
0x59: {  	_ =	shalt  }
0x5a: {  	_ =	shalt  }
0x5b: {  	_ =	shalt  }
0x5c: {  	_ =	shalt  }
0x5d: {  	_ =	shalt  }
0x5e: {  	_ =	shalt  }
0x5f: {  	_ =	shalt  }
0x60: {  	_ =	shalt  }
0x61: {  	_ =	shalt  }
0x62: {  	_ =	shalt  }
0x63: {  	_ =	shalt  }
0x64: {  	_ =	shalt  }
0x65: {  	_ =	shalt  }
0x66: {  	_ =	shalt  }
0x67: {  	_ =	shalt  }
0x68: {  	_ =	shalt  }
0x69: {  	_ =	shalt  }
0x6a: {  	_ =	shalt  }
0x6b: {  	_ =	shalt  }
0x6c: {  	_ =	shalt  }
0x6d: {  	_ =	shalt  }
0x6e: {  	_ =	shalt  }
0x6f: {  	_ =	shalt  }
0x70: {  	_ =	shalt  }
0x71: {  	_ =	shalt  }
0x72: {  	_ =	shalt  }
0x73: {  	_ =	shalt  }
0x74: {  	_ =	shalt  }
0x75: {  	_ =	shalt  }
0x76: {  	_ =	shalt  }
0x77: {  	_ =	shalt  }
0x78: {  	_ =	shalt  }
0x79: {  	_ =	shalt  }
0x7a: {  	_ =	shalt  }
0x7b: {  	_ =	shalt  }
0x7c: {  	_ =	shalt  }
0x7d: {  	_ =	shalt  }
0x7e: {  	_ =	shalt  }
0x7f: {  	_ =	shalt  }
0x80: {  	_ =	shalt  }
0x81: {  	_ =	shalt  }
0x82: {  	_ =	shalt  }
0x83: {  	_ =	shalt  }
0x84: {  	_ =	shalt  }
0x85: {  	_ =	shalt  }
0x86: {  	_ =	shalt  }
0x87: {  	_ =	shalt  }
.Lfunc_end0:
.L_simem_size_0:
called_computation_lowered:
.L_overlay_start_0:
0x88: {  	s2 =	sld [smem:$0x3FD9]  }
0x89: {  	s3 =	sld [smem:$0x3FFE];
	_ =	sdelay $0x1  }
0x8a: {  	s1 =	srdreg.scid  }
0x8b: {  	s0 =	sand.u32 $0x1, s1  }
0x8c: {  	s14 =	sshll.u32 s0, $0xA;
	s2 =	sadd.s32 s3, s2  }
0x8d: {  	s2 =	sadd.s32 s2, s14  }
0x8e: {  	[smem:$0x3FB6] =	sst s2  }
0x8f: {  	_ = 	snop  }
0x90: {  	s2 =	sld [smem:$0x3FD0]  }
0x91: {  	s15 =	sld [smem:$0x3FC9]  }
0x92: {  	s4 =	sld [smem:$0x3FC7]  }
0x93: {  	s6 =	simm.s32 $0xA;
	s7 =	simm.s32 $0x10;
	s5 =	sld [smem:$0x3FC5]  }
0x94: {  	[smem:s7], [sflag:s6] =	dma.local [hbm:s2], $0x1  }
0x95: {  	_ =	swait.eq [sflag:s6], $0x1  }
0x96: {  	s16 =	sld [smem:$0x10]  }
0x97: {  	s17 =	sld [smem:$0x11];
	[sflag:s6] =	ssyncset.done $0x0  }
0x98: {  	s8 =	sld [smem:$0x12];
	[sflag:s6] =	ssyncadd.s32 $0xFFFFFFFF  }
0x99: {  	s18 =	sld [smem:$0x13];
	(tm) =	ssettm $0x1  }
0x9a: {  	s9 =	sld [smem:$0x3FFB];
	_ =	sdelay $0x3  }
0x9b: {  	_ =	strace s9  }
0x9c: {  	s9 =	sld [smem:$0x3FFC];
	_ =	sdelay $0x3  }
0x9d: {  	_ =	strace s9  }
0x9e: {  	s9 =	sld [smem:$0x3FFD];
	_ =	sdelay $0x3  }
0x9f: {  	_ =	strace s9  }
0xa0: {  	_ =	strace $0x8FFFFFFF  }
0xa1: {  	s19 =	sld [smem:$0x3FDB];
	_ =	sdelay $0x1  }
0xa2: {  	s10 =	simm.s32 $_scs_section_size  }
0xa3: {  	s11 =	simm.s32 $_size__tile_overlayer_lowered;
	s12 =	simm.s32 $_tile_overlayer_lowered  }
0xa4: {  	s22 =	simm.s32 $0x1BFF;
	s21 =	sshll.u32 s12, $0x1;
	s9 =	sadd.s32 s10, s19  }
0xa5: {  	s13 =	simm.s32 $0x0;
	s20 =	sshll.u32 s11, $0x1;
	s11 =	sadd.s32 s21, s9  }
0xa6: {  	[timem:s13], [sflag:s22] =	dma.local [hbm:s11], s20  }
0xa7: {  	_ =	swait.ge [sflag:s22], s20  }
0xa8: {  	s10 =	ssub.s32 $0x0, s20;
	[sflag:s22] =	ssyncset.done $0x0  }
0xa9: {  	[sflag:s22] =	ssyncadd.s32 s10;
	_ =	sdelay $0x1  }
0xaa: {  	s23 =	simm.s32 $0x1B8B  }
0xab: {  	_ =	swait.ge [sflag:s23], $0x1  }
0xac: {  	[sflag:s23] =	ssyncset.done $0x0  }
0xad: {  	s25 =	simm.s32 $0x1B8E;
	s24 =	sld [smem:$0x3FFE];
	[sflag:s23] =	ssyncadd.s32 $0xFFFFFFFF  }
0xae: {  	s26 =	simm.s32 $execute0_lowered;
	[smem:$0x3FD2] =	sst s25  }
0xaf: {  	s11 =	sshll.u32 s26, $0x1;
	_ =	strace $0x80000046;
	[dreg:$0x1] =	wrdreg $0xFFFFFFFF  }
0xb0: {  	s28 =	simm.s32 $_size_execute0_lowered;
	s9 =	sadd.s32 s9, s11;
	[dreg:$0x0] =	wrdreg $0x0  }
0xb1: {  	s11 =	sshll.u32 s28, $0x1;
	[dreg:$0x2] =	wrdreg s9  }
0xb2: {  	[dreg:$0x3] =	wrdreg s11  }
0xb3: {  	[dreg:$0x4] =	wrdreg $0xC0  }
0xb4: {  	_ =	task [dreg:s13], $0x5FFFF  }
0xb5: {  	[dreg:$0x1] =	wrdreg $0xFFFFFFFF  }
0xb6: {  	[dreg:$0x0] =	wrdreg $0x60  }
0xb7: {  	[dreg:$0x2] =	wrdreg s15  }
0xb8: {  	[dreg:$0x3] =	wrdreg s4  }
0xb9: {  	[dreg:$0x4] =	wrdreg s5  }
0xba: {  	[dreg:$0x5] =	wrdreg s8  }
0xbb: {  	[dreg:$0x6] =	wrdreg s24  }
0xbc: {  	[dreg:$0x7] =	wrdreg s16  }
0xbd: {  	[dreg:$0x8] =	wrdreg s18  }
0xbe: {  	[dreg:$0x9] =	wrdreg s17  }
0xbf: {  	[dreg:$0xa] =	wrdreg $0x0  }
0xc0: {  	[dreg:$0xb] =	wrdreg $0x140000  }
0xc1: {  	[dreg:$0xc] =	wrdreg $0x9  }
0xc2: {  	_ =	task.clear_ibuf [dreg:s13], $0xDFFFF;
	_ =	strace $0x90000046  }
0xc3: {  	s29 =	simm.s32 $0x9;
	_ =	strace $0x80000048  }
0xc4: {  	_ =	swait.ge [sflag:s29], $0x1  }
0xc5: {  	[sflag:s29] =	ssyncadd.s32 $0xFFFFFFFF  }
0xc6: {  	_ =	strace $0x90000048  }
0xc7: {  	_ =	sfence  }
0xc8: {  	s30 =	sld [smem:$0x0];
	_ =	sdelay $0x2  }
0xc9: {  	s31 =	sshll.u32 s1, $0xD;
	s1 =	sshrl.u32 s1, $0x2  }
0xca: {  	s3 =	sand.u32 $0x4000, s31;
	s1 =	sadd.s32 s1, s30  }
0xcb: {  	s0 =	sor.u32 s3, s0;
	s1 =	sshll.u32 s1, $0x11  }
0xcc: {  	s0 =	sor.u32 s1, s0  }
0xcd: {  	s0 =	sadd.s32 $0x8F2B, s0  }
0xce: {  	[sflag:s0] =	ssyncadd.remote.s32 $0x1  }
0xcf: {  	_ =	sfence.sel $0xFFFF  }
0xd0: {  	[dreg:$0x0] =	wrdreg $0xFFFFFFFF;
	(pc) =	sbr.abs _section_cstart, $3  }
0xd1: {  	[dreg:$0x1] =	wrdreg $0xFFFFFFFF  }
0xd2: {  	_ =	task.clear_ibuf [dreg:s13], $0x2FFFF;
	_ =	strace $0x9FFFFFFF  }
0xd3: {  	(tm) =	ssettm $0x7FFFFFFF  }
tec
execute0_lowered:
.L_overlay_start_1:
0x0: {  	(tag) =	ssettag $0x1  }
0x1: {  	s0 =	rddreg [dreg:$0x0]  }
0x2: {  	s1 =	rddreg [dreg:$0x1]  }
0x3: {  	s2 =	rddreg [dreg:$0x2]  }
0x4: {  	s3 =	rddreg [dreg:$0x3]  }
0x5: {  	s5 =	rddreg [dreg:$0x4]  }
0x6: {  	s6 =	rddreg [dreg:$0x5];
	s22 =	stileid.u32  }
0x7: {  	s4 =	srdreg.scid;
	s12 =	smul.u32 $0x280, s22  }
0x8: {  	s7 =	rddreg [dreg:$0x6];
	s18 =	smul.u32 $0x14000, s22  }
0x9: {  	s9 =	rddreg [dreg:$0x7];
	s8 =	sand.u32 $0x1, s4;
	s26 =	smul.u32 $0x500, s22  }
0xa: {  	s4 =	rddreg [dreg:$0x8];
	s11 =	sadd.s32 $0x15E00, s5;
	s10 =	smul.u32 $0x4E2, s8  }
0xb: {  	s13 =	sadd.s32 $0x105E00, s5;
	s14 =	ssub.s32 $0x2, s8;
	s15 =	smul.u32 $0x140000, s8  }
0xc: {  	s8 =	sshll.u32 s8, $0x7;
	s16 =	sshrl.u32 s14, $0x1;
	s17 =	sshll.u32 s12, $0x7  }
0xd: {  	s8 =	sor.u32 s8, s26;
	s10 =	sadd.s32 s22, s10;
	s14 =	ssub.s32 s14, s16  }
0xe: {  	s16 =	sadd.s32 $0x4000, s17;
	s21 =	sadd.s32 $0x8000, s17;
	s18 =	sadd.s32 s18, s15  }
0xf: {  	s24 =	sadd.s32 $0xC000, s17;
	s17 =	sadd.s32 $0x10000, s17;
	s18 =	sshrl.u32 s18, $0x3  }
0x10: {  	s19 =	sadd.s32 s15, s16;
	s20 =	sadd.s32 s15, s21;
	s31 =	sadd.s32 s15, s24  }
0x11: {  	s15 =	sadd.s32 s15, s17;
	s28 =	sadd.s32 s11, s18;
	s23 =	sshrl.u32 s19, $0x3  }
0x12: {  	s25 =	sshrl.u32 s20, $0x3;
	s19 =	sshrl.u32 s31, $0x3;
	s15 =	sshrl.u32 s15, $0x3  }
0x13: {  	s20 =	sadd.s32 $0x5000, s8;
	s29 =	sadd.s32 s11, s23;
	s30 =	sadd.s32 s11, s25  }
0x14: {  	s18 =	sadd.s32 s11, s19;
	s31 =	sadd.s32 s11, s15;
	s23 =	sshrl.u32 s8, $0x3  }
0x15: {  	s11 =	sshrl.u32 s20, $0x3;
	s19 =	rddreg [dreg:$0x9];
	s15 =	sadd.s32 s13, s23  }
0x16: {  	s25 =	sshll.u32 s10, $0x4;
	s11 =	sadd.s32 s13, s11;
	[dreg:$0x10] =	wrdreg s15  }
0x17: {  	s7 =	sadd.s32 s25, s7;
	[dreg:$0x11] =	wrdreg s11  }
0x18: {  	s3 =	sadd.s32 s25, s3;
	[dreg:$0x13] =	wrdreg s7  }
0x19: {  	s8 =	sadd.s32 $0xA000, s8;
	s26 =	sadd.s32 s25, s9;
	[dreg:$0x14] =	wrdreg s3  }
0x1a: {  	s8 =	sshrl.u32 s8, $0x3;
	s6 =	sadd.s32 s25, s6;
	[dreg:$0x15] =	wrdreg s26  }
0x1b: {  	s8 =	sadd.s32 s13, s8;
	[dreg:$0x16] =	wrdreg s6  }
0x1c: {  	s13 =	simm.s32 $0x0;
	[dreg:$0x12] =	wrdreg s8  }
0x1d: {  	s5 =	sadd.s32 s25, s5;
	[smem:$0x7FF] =	sst s13;
	s8 =	sadd.s32 s16, s4  }
0x1e: {  	s9 =	smax.u32 s14, $0x1;
	_ =	strace $0x80000047;
	[smem:$0x7F7] =	sst s8  }
0x1f: {  	s10 =	sadd.s32 $0xC000, s5;
	[dreg:$0x18] =	wrdreg s9  }
0x20: {  	s11 =	sadd.s32 $0x2200, s5;
	[dreg:$0x19] =	wrdreg s10  }
0x21: {  	s26 =	sadd.s32 s12, s19;
	s12 =	sadd.s32 $0x50000, s28;
	[dreg:$0x1a] =	wrdreg s11  }
0x22: {  	s14 =	sadd.s32 $0x50000, s29;
	[dreg:$0x1b] =	wrdreg s12  }
0x23: {  	s15 =	sadd.s32 $0x50000, s30;
	[dreg:$0x1c] =	wrdreg s14  }
0x24: {  	s16 =	sadd.s32 $0x50000, s18;
	[dreg:$0x1d] =	wrdreg s15  }
0x25: {  	s25 =	sadd.s32 s17, s4;
	s17 =	sadd.s32 $0x50000, s31;
	[dreg:$0x1e] =	wrdreg s16  }
0x26: {  	[dreg:$0x1f] =	wrdreg s17  }
0x27: {  	s23 =	sadd.s32 s21, s4;
	s21 =	sadd.s32 $0xA0000, s28;
	[dreg:$0xb] =	wrdreg s28  }
0x28: {  	p0 =	slt.u32 s22, $0x2;
	[smem:$0x7F8] =	sst s21  }
0x29: {  	s7 =	smul.u32 $0x50000, s22;
	s22 =	sadd.s32 $0xA0000, s29;
	[dreg:$0xc] =	wrdreg s29  }
0x2a: {  	s20 =	simm.s32 $0x4F;
	[smem:$0x7F9] =	sst s22  }
0x2b: {  	s24 =	sadd.s32 s24, s4;
	s20 =	simm.s32 @!p0 $0x4E;
	[dreg:$0xd] =	wrdreg s30  }
0x2c: {  	s5 =	simm.s32 $0x14300;
	s3 =	sshrl.u32 s7, $0x2;
	[dreg:$0xe] =	wrdreg s18  }
0x2d: {  	s29 =	sadd.s32 $0xA0000, s30;
	s30 =	sadd.s32 $0xA0000, s18;
	[dreg:$0xf] =	wrdreg s31  }
0x2e: {  	s31 =	sadd.s32 $0xA0000, s31;
	s28 =	simm.s32 $0x18680;
	[smem:$0x7FD] =	sst s20  }
0x2f: {  	s9 =	simm.s32 $0x2;
	s16 =	simm.s32 $0x18380;
	[smem:$0x7FA] =	sst s29  }
0x30: {  	s10 =	simm.s32 $0x80;
	s11 =	simm.s32 $0x14380;
	[smem:$0x7FB] =	sst s30  }
0x31: {  	s12 =	simm.s32 $0x1;
	s3 =	sadd.s32 s3, s4;
	[smem:$0x7FC] =	sst s31  }
0x32: {  	v0 =	vimm.f32 $0.0e+00;
	v1 =	vimm.f32 $1.000000000e+00;
	s8 =	simm.s32 $0x0;
	[dreg:$0x17] =	wrdreg s3;
	s3 =	simm.s32 $0x14280  }
.LBB2_1:
0x33: {  	s6 =	simm.s32 $0x0;
	s7 =	simm.s32 $0x200  }
.LBB2_2:
0x34: {  	p0 =	sne.s32 s7, $0xFE00;
	[tilespmem:s6+$0x186F0] =	vst v0  }
0x35: {  	[tilespmem:s6+$0x18680] =	vst v0  }
0x36: {  	[tilespmem:s6+$0x18690] =	vst v0  }
.Ltmp0:
0x37: {  	[tilespmem:s6+$0x186A0] =	vst v0;
	(pc) =	sbr.rel @p0 .LBB2_2-.Ltmp0, $4  }
0x38: {  	[tilespmem:s6+$0x186B0] =	vst v0  }
0x39: {  	[tilespmem:s6+$0x186C0] =	vst v0  }
0x3a: {  	[tilespmem:s6+$0x186D0] =	vst v0  }
0x3b: {  	[tilespmem:s6+$0x186E0] =	vst v0;
	s6 =	sshra.s32 s7, $0x2;
	s7 =	sadd.s32 $0x200, s7  }
0x3c: {  	[tilespmem:s6+$0x186F0] =	vst v0  }
0x3d: {  	[tilespmem:s6+$0x18680] =	vst v0  }
0x3e: {  	[tilespmem:s6+$0x18690] =	vst v0  }
0x3f: {  	[tilespmem:s6+$0x186A0] =	vst v0  }
0x40: {  	[tilespmem:s6+$0x186B0] =	vst v0  }
0x41: {  	[tilespmem:s6+$0x186C0] =	vst v0  }
0x42: {  	[tilespmem:s6+$0x186D0] =	vst v0  }
0x43: {  	[tilespmem:s6+$0x186E0] =	vst v0  }
0x44: {  	[tilespmem:$0x14300] =	vst v1  }
0x45: {  	[tilespmem:$0x14310] =	vst v1  }
0x46: {  	[tilespmem:$0x14320] =	vst v1  }
0x47: {  	[tilespmem:$0x14330] =	vst v1  }
0x48: {  	[tilespmem:$0x14340] =	vst v1  }
0x49: {  	[tilespmem:$0x14350] =	vst v1  }
0x4a: {  	[tilespmem:$0x14360] =	vst v1  }
0x4b: {  	[tilespmem:$0x14370] =	vst v1  }
0x4c: {  	[tilespmem:$0x18400] =	vst v0  }
0x4d: {  	[tilespmem:$0x18410] =	vst v0  }
0x4e: {  	[tilespmem:$0x18420] =	vst v0  }
0x4f: {  	[tilespmem:$0x18430] =	vst v0  }
0x50: {  	[tilespmem:$0x18440] =	vst v0  }
0x51: {  	[tilespmem:$0x18450] =	vst v0  }
0x52: {  	[tilespmem:$0x18460] =	vst v0  }
0x53: {  	[tilespmem:$0x18470] =	vst v0  }
0x54: {  	[tilespmem:$0x18480] =	vst v0  }
0x55: {  	[tilespmem:$0x18490] =	vst v0  }
0x56: {  	[tilespmem:$0x184A0] =	vst v0  }
0x57: {  	[tilespmem:$0x184B0] =	vst v0  }
0x58: {  	[tilespmem:$0x184C0] =	vst v0  }
0x59: {  	[tilespmem:$0x184D0] =	vst v0  }
0x5a: {  	[tilespmem:$0x184E0] =	vst v0  }
0x5b: {  	[tilespmem:$0x184F0] =	vst v0  }
0x5c: {  	[tilespmem:$0x18500] =	vst v0  }
0x5d: {  	[tilespmem:$0x18510] =	vst v0  }
0x5e: {  	[tilespmem:$0x18520] =	vst v0  }
0x5f: {  	[tilespmem:$0x18530] =	vst v0  }
0x60: {  	[tilespmem:$0x18540] =	vst v0  }
0x61: {  	[tilespmem:$0x18550] =	vst v0  }
0x62: {  	[tilespmem:$0x18560] =	vst v0  }
0x63: {  	[tilespmem:$0x18570] =	vst v0  }
0x64: {  	[tilespmem:$0x18580] =	vst v0  }
0x65: {  	[tilespmem:$0x18590] =	vst v0  }
0x66: {  	[tilespmem:$0x185A0] =	vst v0  }
0x67: {  	[tilespmem:$0x185B0] =	vst v0  }
0x68: {  	[tilespmem:$0x185C0] =	vst v0  }
0x69: {  	[tilespmem:$0x185D0] =	vst v0  }
0x6a: {  	[tilespmem:$0x185E0] =	vst v0  }
0x6b: {  	[tilespmem:$0x185F0] =	vst v0  }
0x6c: {  	[tilespmem:$0x18600] =	vst v0  }
0x6d: {  	[tilespmem:$0x18610] =	vst v0  }
0x6e: {  	[tilespmem:$0x18620] =	vst v0  }
0x6f: {  	[tilespmem:$0x18630] =	vst v0  }
0x70: {  	[tilespmem:$0x18640] =	vst v0  }
0x71: {  	[tilespmem:$0x18650] =	vst v0  }
0x72: {  	[tilespmem:$0x18660] =	vst v0  }
0x73: {  	s29 =	rddreg [dreg:$0x17];
	[tilespmem:$0x18670] =	vst v0  }
0x74: {  	[spmem:s29] =	stream.linear.scatter [tilespmem:s28], [sflag:$0x2], $0x4000, $0x38;
	[tilespmem:$0x1C680] =	vst v63  }
0x75: {  	_ =	swait.ge [sflag:s9], $0x4000  }
0x76: {  	s30 =	sld [smem:$0x7F7]  }
0x77: {  	[sflag:s9] =	ssyncset.done $0x0  }
0x78: {  	[sflag:s9] =	ssyncadd.s32 $0xFFFFC000  }
0x79: {  	[spmem:s30] =	stream.linear.scatter [tilespmem:s28], [sflag:$0x2], $0x4000, $0x38;
	[tilespmem:$0x1C680] =	vst v63  }
0x7a: {  	_ =	swait.ge [sflag:s9], $0x4000  }
0x7b: {  	[sflag:s9] =	ssyncset.done $0x0  }
0x7c: {  	[sflag:s9] =	ssyncadd.s32 $0xFFFFC000  }
0x7d: {  	[spmem:s23] =	stream.linear.scatter [tilespmem:s28], [sflag:$0x2], $0x4000, $0x38;
	[tilespmem:$0x1C680] =	vst v63  }
0x7e: {  	_ =	swait.ge [sflag:s9], $0x4000  }
0x7f: {  	[sflag:s9] =	ssyncset.done $0x0  }
0x80: {  	[sflag:s9] =	ssyncadd.s32 $0xFFFFC000  }
0x81: {  	[spmem:s24] =	stream.linear.scatter [tilespmem:s28], [sflag:$0x2], $0x4000, $0x38;
	[tilespmem:$0x1C680] =	vst v63  }
0x82: {  	_ =	swait.ge [sflag:s9], $0x4000  }
0x83: {  	[sflag:s9] =	ssyncset.done $0x0  }
0x84: {  	[sflag:s9] =	ssyncadd.s32 $0xFFFFC000  }
0x85: {  	[spmem:s25] =	stream.linear.scatter [tilespmem:s28], [sflag:$0x2], $0x4000, $0x38;
	[tilespmem:$0x1C680] =	vst v63  }
0x86: {  	_ =	swait.ge [sflag:s9], $0x4000  }
0x87: {  	[sflag:s9] =	ssyncset.done $0x0  }
0x88: {  	s31 =	simm.s32 $0x18400;
	[sflag:s9] =	ssyncadd.s32 $0xFFFFC000  }
0x89: {  	[spmem:s26] =	stream.linear.scatter [tilespmem:s31], [sflag:$0x2], $0x280, $0x38;
	[tilespmem:$0x1C680] =	vst v63  }
0x8a: {  	_ =	swait.ge [sflag:s9], $0x280  }
0x8b: {  	[sflag:s9] =	ssyncset.done $0x0  }
0x8c: {  	[sflag:s9] =	ssyncadd.s32 $0xFFFFFD80  }
0x8d: {  	[bflag:$0x0] =	sbarrier.arrive $0xFFFF  }
0x8e: {  	s14 =	rddreg [dreg:$0x14]  }
0x8f: {  	[tilespmem:s16], [sflag:$0x2] =	stream.linear.gather [hbm4b:s14+s13], $0x80, $0x38;
	[tilespmem:$0x1C680] =	vst v63  }
0x90: {  	_ =	swait.ge [sflag:s9], $0x80  }
0x91: {  	[sflag:s9] =	ssyncset.done $0x0  }
0x92: {  	s7 =	rddreg [dreg:$0x13];
	[sflag:s9] =	ssyncadd.s32 $0xFFFFFF80  }
0x93: {  	[tilespmem:s3], [sflag:$0x2] =	stream.linear.gather [hbm4b:s7+s13], $0x80, $0x38;
	[tilespmem:$0x1C680] =	vst v63  }
0x94: {  	_ =	swait.ge [sflag:s9], $0x80  }
0x95: {  	[sflag:s9] =	ssyncset.done $0x0  }
0x96: {  	[sflag:s9] =	ssyncadd.s32 $0xFFFFFF80  }
0x97: {  	[tilespmem:s11], [sflag:$0x1] =	stream.indirect.gather [hbm4b:s0+s10], $0x80, s16, s10, $0xb8;
	[tilespmem:$0x1C680] =	vst v63  }
0x98: {  	_ =	swait.ge [sflag:s12], $0x4000  }
0x99: {  	[sflag:s12] =	ssyncset.done $0x0  }
0x9a: {  	[sflag:s12] =	ssyncadd.s32 $0xFFFFC000  }
0x9b: {  	[spmem:s4] =	stream.indirect.scatter.add.f32 [tilespmem:s11], [sflag:$0x2], $0x80, s3, s10, $0xb8;
	[tilespmem:$0x1C680] =	vst v63  }
0x9c: {  	p0 =	sne.s32 s20, $0x1;
	_ =	swait.ge [sflag:s9], $0x4000  }
.Ltmp1:
0x9d: {  	[sflag:s9] =	ssyncset.done $0x0;
	(pc) =	sbr.rel @!p0 .LBB2_5-.Ltmp1, $4  }
0x9e: {  	s15 =	smov.u32 s23;
	[sflag:s9] =	ssyncadd.s32 $0xFFFFC000  }
0x9f: {  	[spmem:s19] =	stream.indirect.scatter.add.f32 [tilespmem:s5], [sflag:$0x2], $0x1, s3, s10, $0xb8;
	[tilespmem:$0x1C680] =	vst v63  }
0xa0: {  	s17 =	smov.u32 s24;
	s18 =	smov.u32 s25;
	_ =	swait.ge [sflag:s9], $0x80  }
0xa1: {  	s21 =	smov.u32 s26;
	s6 =	sadd.s32 $0xFFFFFFFF, s20;
	[sflag:s9] =	ssyncset.done $0x0  }
.LBB2_4:
0xa2: {  	[sflag:s9] =	ssyncadd.s32 $0xFFFFFF80;
	s7 =	sadd.s32 $0x100, s7;
	s14 =	sadd.s32 $0x100, s14  }
0xa3: {  	[tilespmem:s16], [sflag:$0x2] =	stream.linear.gather [hbm4b:s14+s13], $0x80, $0x38;
	[tilespmem:$0x1C680] =	vst v63  }
0xa4: {  	p1 =	sne.s32 s6, $0x1;
	s6 =	sadd.s32 $0xFFFFFFFF, s6;
	_ =	swait.ge [sflag:s9], $0x80  }
0xa5: {  	[sflag:s9] =	ssyncset.done $0x0  }
0xa6: {  	[sflag:s9] =	ssyncadd.s32 $0xFFFFFF80  }
0xa7: {  	[tilespmem:s3], [sflag:$0x2] =	stream.linear.gather [hbm4b:s7+s13], $0x80, $0x38;
	[tilespmem:$0x1C680] =	vst v63  }
0xa8: {  	_ =	swait.ge [sflag:s9], $0x80  }
0xa9: {  	[sflag:s9] =	ssyncset.done $0x0  }
0xaa: {  	[sflag:s9] =	ssyncadd.s32 $0xFFFFFF80  }
0xab: {  	[tilespmem:s11], [sflag:$0x1] =	stream.indirect.gather [hbm4b:s0+s10], $0x80, s16, s10, $0xb8;
	[tilespmem:$0x1C680] =	vst v63  }
0xac: {  	_ =	swait.ge [sflag:s12], $0x4000  }
0xad: {  	[sflag:s12] =	ssyncset.done $0x0  }
0xae: {  	[sflag:s12] =	ssyncadd.s32 $0xFFFFC000  }
0xaf: {  	[spmem:s4] =	stream.indirect.scatter.add.f32 [tilespmem:s11], [sflag:$0x2], $0x80, s3, s10, $0xb8;
	[tilespmem:$0x1C680] =	vst v63  }
0xb0: {  	_ =	swait.ge [sflag:s9], $0x4000  }
.Ltmp2:
0xb1: {  	[sflag:s9] =	ssyncset.done $0x0;
	(pc) =	sbr.rel @p1 .LBB2_4-.Ltmp2, $4  }
0xb2: {  	[sflag:s9] =	ssyncadd.s32 $0xFFFFC000  }
0xb3: {  	[spmem:s19] =	stream.indirect.scatter.add.f32 [tilespmem:s5], [sflag:$0x2], $0x1, s3, s10, $0xb8;
	[tilespmem:$0x1C680] =	vst v63  }
0xb4: {  	_ =	swait.ge [sflag:s9], $0x80  }
0xb5: {  	[sflag:s9] =	ssyncset.done $0x0  }
.LBB2_5:
0xb6: {  	[sflag:s9] =	ssyncadd.s32 $0xFFFFFF80  }
0xb7: {  	s6 =	stileid.u32;
	[bflag:$0x0] =	sbarrier.arrive $0xFFFF  }
0xb8: {  	s6 =	sshll.u32 s6, $0x6;
	s29 =	rddreg [dreg:$0x17]  }
0xb9: {  	s31 =	sor.u32 $0x1C02, s6;
	s7 =	rddreg [dreg:$0xb];
	s6 =	sshrl.u32 s29, $0x3  }
0xba: {  	[hbm:s7], [sflag:s31] =	dma.local [spmem:s6], $0x800  }
0xbb: {  	_ =	swait.ge [sflag:s9], $0x800  }
0xbc: {  	s20 =	sld [smem:$0x7F7];
	_ =	sdelay $0x1  }
0xbd: {  	[sflag:s9] =	ssyncset.done $0x0  }
0xbe: {  	s14 =	rddreg [dreg:$0xc];
	[sflag:s9] =	ssyncadd.s32 $0xFFFFF800;
	s7 =	sshrl.u32 s20, $0x3  }
0xbf: {  	[hbm:s14], [sflag:s31] =	dma.local [spmem:s7], $0x800  }
0xc0: {  	_ =	swait.ge [sflag:s9], $0x800  }
0xc1: {  	[sflag:s9] =	ssyncset.done $0x0  }
0xc2: {  	s14 =	sshrl.u32 s15, $0x3;
	s24 =	rddreg [dreg:$0xd];
	[sflag:s9] =	ssyncadd.s32 $0xFFFFF800  }
0xc3: {  	[hbm:s24], [sflag:s31] =	dma.local [spmem:s14], $0x800  }
0xc4: {  	_ =	swait.ge [sflag:s9], $0x800  }
0xc5: {  	s23 =	smov.u32 s15;
	[sflag:s9] =	ssyncset.done $0x0  }
0xc6: {  	s15 =	sshrl.u32 s17, $0x3;
	s25 =	rddreg [dreg:$0xe];
	[sflag:s9] =	ssyncadd.s32 $0xFFFFF800  }
0xc7: {  	[hbm:s25], [sflag:s31] =	dma.local [spmem:s15], $0x800  }
0xc8: {  	_ =	swait.ge [sflag:s9], $0x800  }
0xc9: {  	s24 =	smov.u32 s17;
	[sflag:s9] =	ssyncset.done $0x0  }
0xca: {  	s17 =	sshrl.u32 s18, $0x3;
	s26 =	rddreg [dreg:$0xf];
	[sflag:s9] =	ssyncadd.s32 $0xFFFFF800  }
0xcb: {  	[hbm:s26], [sflag:s31] =	dma.local [spmem:s17], $0x800  }
0xcc: {  	s30 =	simm.s32 $0x20;
	s22 =	simm.s32 $0x10;
	_ =	swait.ge [sflag:s9], $0x800  }
0xcd: {  	s25 =	smov.u32 s18;
	s18 =	sshrl.u32 s21, $0x3;
	[sflag:s9] =	ssyncset.done $0x0  }
0xce: {  	s26 =	smov.u32 s21;
	s21 =	rddreg [dreg:$0x10];
	[sflag:s9] =	ssyncadd.s32 $0xFFFFF800  }
0xcf: {  	[hbm:s21@s30], [sflag:s31] =	dma.strided [spmem:s18@s22], $0x50, s12, $0x10   }
0xd0: {  	_ =	swait.ge [sflag:s9], $0x50  }
0xd1: {  	[sflag:s9] =	ssyncset.done $0x0  }
0xd2: {  	[sflag:s9] =	ssyncadd.s32 $0xFFFFFFB0  }
0xd3: {  	[bflag:$0x0] =	sbarrier.arrive $0xFFFF  }
0xd4: {  	[spmem:s29] =	stream.linear.scatter [tilespmem:s28], [sflag:$0x2], $0x4000, $0x38;
	[tilespmem:$0x1C680] =	vst v63  }
0xd5: {  	_ =	swait.ge [sflag:s9], $0x4000  }
0xd6: {  	[sflag:s9] =	ssyncset.done $0x0  }
0xd7: {  	[sflag:s9] =	ssyncadd.s32 $0xFFFFC000  }
0xd8: {  	[spmem:s20] =	stream.linear.scatter [tilespmem:s28], [sflag:$0x2], $0x4000, $0x38;
	[tilespmem:$0x1C680] =	vst v63  }
0xd9: {  	_ =	swait.ge [sflag:s9], $0x4000  }
0xda: {  	[sflag:s9] =	ssyncset.done $0x0  }
0xdb: {  	[sflag:s9] =	ssyncadd.s32 $0xFFFFC000  }
0xdc: {  	[spmem:s23] =	stream.linear.scatter [tilespmem:s28], [sflag:$0x2], $0x4000, $0x38;
	[tilespmem:$0x1C680] =	vst v63  }
0xdd: {  	_ =	swait.ge [sflag:s9], $0x4000  }
0xde: {  	[sflag:s9] =	ssyncset.done $0x0  }
0xdf: {  	[sflag:s9] =	ssyncadd.s32 $0xFFFFC000  }
0xe0: {  	[spmem:s24] =	stream.linear.scatter [tilespmem:s28], [sflag:$0x2], $0x4000, $0x38;
	[tilespmem:$0x1C680] =	vst v63  }
0xe1: {  	_ =	swait.ge [sflag:s9], $0x4000  }
0xe2: {  	[sflag:s9] =	ssyncset.done $0x0  }
0xe3: {  	[sflag:s9] =	ssyncadd.s32 $0xFFFFC000  }
0xe4: {  	[spmem:s25] =	stream.linear.scatter [tilespmem:s28], [sflag:$0x2], $0x4000, $0x38;
	[tilespmem:$0x1C680] =	vst v63  }
0xe5: {  	_ =	swait.ge [sflag:s9], $0x4000  }
0xe6: {  	[sflag:s9] =	ssyncset.done $0x0  }
0xe7: {  	s22 =	simm.s32 $0x18400;
	[sflag:s9] =	ssyncadd.s32 $0xFFFFC000  }
0xe8: {  	[spmem:s26] =	stream.linear.scatter [tilespmem:s22], [sflag:$0x2], $0x280, $0x38;
	[tilespmem:$0x1C680] =	vst v63  }
0xe9: {  	_ =	swait.ge [sflag:s9], $0x280  }
0xea: {  	[sflag:s9] =	ssyncset.done $0x0  }
0xeb: {  	[sflag:s9] =	ssyncadd.s32 $0xFFFFFD80  }
0xec: {  	[bflag:$0x0] =	sbarrier.arrive $0xFFFF  }
0xed: {  	s21 =	rddreg [dreg:$0x1a]  }
0xee: {  	[tilespmem:s16], [sflag:$0x2] =	stream.linear.gather [hbm4b:s21+s13], $0x80, $0x38;
	[tilespmem:$0x1C680] =	vst v63  }
0xef: {  	_ =	swait.ge [sflag:s9], $0x80  }
0xf0: {  	[sflag:s9] =	ssyncset.done $0x0  }
0xf1: {  	s30 =	rddreg [dreg:$0x19];
	[sflag:s9] =	ssyncadd.s32 $0xFFFFFF80  }
0xf2: {  	[tilespmem:s3], [sflag:$0x2] =	stream.linear.gather [hbm4b:s30+s13], $0x80, $0x38;
	[tilespmem:$0x1C680] =	vst v63  }
0xf3: {  	_ =	swait.ge [sflag:s9], $0x80  }
0xf4: {  	[sflag:s9] =	ssyncset.done $0x0  }
0xf5: {  	[sflag:s9] =	ssyncadd.s32 $0xFFFFFF80  }
0xf6: {  	[tilespmem:s11], [sflag:$0x1] =	stream.indirect.gather [hbm4b:s1+s10], $0x80, s16, s10, $0xb8;
	[tilespmem:$0x1C680] =	vst v63  }
0xf7: {  	_ =	swait.ge [sflag:s12], $0x4000  }
0xf8: {  	[sflag:s12] =	ssyncset.done $0x0  }
0xf9: {  	[sflag:s12] =	ssyncadd.s32 $0xFFFFC000  }
0xfa: {  	[spmem:s4] =	stream.indirect.scatter.add.f32 [tilespmem:s11], [sflag:$0x2], $0x80, s3, s10, $0xb8;
	[tilespmem:$0x1C680] =	vst v63  }
0xfb: {  	_ =	swait.ge [sflag:s9], $0x4000  }
0xfc: {  	[sflag:s9] =	ssyncset.done $0x0  }
0xfd: {  	[sflag:s9] =	ssyncadd.s32 $0xFFFFC000  }
0xfe: {  	[spmem:s19] =	stream.indirect.scatter.add.f32 [tilespmem:s5], [sflag:$0x2], $0x1, s3, s10, $0xb8;
	[tilespmem:$0x1C680] =	vst v63  }
.Ltmp3:
0xff: {  	_ =	swait.ge [sflag:s9], $0x80;
	(pc) =	sbr.rel @!p0 .LBB2_7-.Ltmp3, $2  }
0x100: {  	s20 =	sld [smem:$0x7FD];
	_ =	sdelay $0x2  }
0x101: {  	[sflag:s9] =	ssyncset.done $0x0;
	s29 =	sadd.s32 $0xFFFFFFFF, s20  }
.LBB2_6:
0x102: {  	[sflag:s9] =	ssyncadd.s32 $0xFFFFFF80;
	s30 =	sadd.s32 $0x100, s30;
	s21 =	sadd.s32 $0x100, s21  }
0x103: {  	[tilespmem:s16], [sflag:$0x2] =	stream.linear.gather [hbm4b:s21+s13], $0x80, $0x38;
	[tilespmem:$0x1C680] =	vst v63  }
0x104: {  	p1 =	sne.s32 s29, $0x1;
	s29 =	sadd.s32 $0xFFFFFFFF, s29;
	_ =	swait.ge [sflag:s9], $0x80  }
0x105: {  	[sflag:s9] =	ssyncset.done $0x0  }
0x106: {  	[sflag:s9] =	ssyncadd.s32 $0xFFFFFF80  }
0x107: {  	[tilespmem:s3], [sflag:$0x2] =	stream.linear.gather [hbm4b:s30+s13], $0x80, $0x38;
	[tilespmem:$0x1C680] =	vst v63  }
0x108: {  	_ =	swait.ge [sflag:s9], $0x80  }
0x109: {  	[sflag:s9] =	ssyncset.done $0x0  }
0x10a: {  	[sflag:s9] =	ssyncadd.s32 $0xFFFFFF80  }
0x10b: {  	[tilespmem:s11], [sflag:$0x1] =	stream.indirect.gather [hbm4b:s1+s10], $0x80, s16, s10, $0xb8;
	[tilespmem:$0x1C680] =	vst v63  }
0x10c: {  	_ =	swait.ge [sflag:s12], $0x4000  }
0x10d: {  	[sflag:s12] =	ssyncset.done $0x0  }
0x10e: {  	[sflag:s12] =	ssyncadd.s32 $0xFFFFC000  }
0x10f: {  	[spmem:s4] =	stream.indirect.scatter.add.f32 [tilespmem:s11], [sflag:$0x2], $0x80, s3, s10, $0xb8;
	[tilespmem:$0x1C680] =	vst v63  }
0x110: {  	_ =	swait.ge [sflag:s9], $0x4000  }
.Ltmp4:
0x111: {  	[sflag:s9] =	ssyncset.done $0x0;
	(pc) =	sbr.rel @p1 .LBB2_6-.Ltmp4, $4  }
0x112: {  	[sflag:s9] =	ssyncadd.s32 $0xFFFFC000  }
0x113: {  	[spmem:s19] =	stream.indirect.scatter.add.f32 [tilespmem:s5], [sflag:$0x2], $0x1, s3, s10, $0xb8;
	[tilespmem:$0x1C680] =	vst v63  }
0x114: {  	_ =	swait.ge [sflag:s9], $0x80  }
0x115: {  	[sflag:s9] =	ssyncset.done $0x0  }
.LBB2_7:
0x116: {  	[sflag:s9] =	ssyncadd.s32 $0xFFFFFF80  }
0x117: {  	[bflag:$0x0] =	sbarrier.arrive $0xFFFF  }
0x118: {  	s21 =	rddreg [dreg:$0x1b]  }
0x119: {  	[hbm:s21], [sflag:s31] =	dma.local [spmem:s6], $0x800  }
0x11a: {  	_ =	swait.ge [sflag:s9], $0x800  }
0x11b: {  	[sflag:s9] =	ssyncset.done $0x0  }
0x11c: {  	s22 =	rddreg [dreg:$0x1c];
	[sflag:s9] =	ssyncadd.s32 $0xFFFFF800  }
0x11d: {  	[hbm:s22], [sflag:s31] =	dma.local [spmem:s7], $0x800  }
0x11e: {  	_ =	swait.ge [sflag:s9], $0x800  }
0x11f: {  	[sflag:s9] =	ssyncset.done $0x0  }
0x120: {  	s22 =	rddreg [dreg:$0x1d];
	[sflag:s9] =	ssyncadd.s32 $0xFFFFF800  }
0x121: {  	[hbm:s22], [sflag:s31] =	dma.local [spmem:s14], $0x800  }
0x122: {  	_ =	swait.ge [sflag:s9], $0x800  }
0x123: {  	[sflag:s9] =	ssyncset.done $0x0  }
0x124: {  	s22 =	rddreg [dreg:$0x1e];
	[sflag:s9] =	ssyncadd.s32 $0xFFFFF800  }
0x125: {  	[hbm:s22], [sflag:s31] =	dma.local [spmem:s15], $0x800  }
0x126: {  	_ =	swait.ge [sflag:s9], $0x800  }
0x127: {  	[sflag:s9] =	ssyncset.done $0x0  }
0x128: {  	s22 =	rddreg [dreg:$0x1f];
	[sflag:s9] =	ssyncadd.s32 $0xFFFFF800  }
0x129: {  	[hbm:s22], [sflag:s31] =	dma.local [spmem:s17], $0x800  }
0x12a: {  	_ =	swait.ge [sflag:s9], $0x800  }
0x12b: {  	s29 =	simm.s32 $0x20;
	[sflag:s9] =	ssyncset.done $0x0  }
0x12c: {  	s22 =	simm.s32 $0x10;
	s21 =	rddreg [dreg:$0x11];
	[sflag:s9] =	ssyncadd.s32 $0xFFFFF800  }
0x12d: {  	[hbm:s21@s29], [sflag:s31] =	dma.strided [spmem:s18@s22], $0x50, s12, $0x10   }
0x12e: {  	_ =	swait.ge [sflag:s9], $0x50  }
0x12f: {  	[sflag:s9] =	ssyncset.done $0x0  }
0x130: {  	[sflag:s9] =	ssyncadd.s32 $0xFFFFFFB0  }
0x131: {  	[bflag:$0x0] =	sbarrier.arrive $0xFFFF  }
0x132: {  	s22 =	rddreg [dreg:$0x17]  }
0x133: {  	[spmem:s22] =	stream.linear.scatter [tilespmem:s28], [sflag:$0x2], $0x4000, $0x38;
	[tilespmem:$0x1C680] =	vst v63  }
0x134: {  	_ =	swait.ge [sflag:s9], $0x4000  }
0x135: {  	s22 =	sld [smem:$0x7F7]  }
0x136: {  	[sflag:s9] =	ssyncset.done $0x0  }
0x137: {  	[sflag:s9] =	ssyncadd.s32 $0xFFFFC000  }
0x138: {  	[spmem:s22] =	stream.linear.scatter [tilespmem:s28], [sflag:$0x2], $0x4000, $0x38;
	[tilespmem:$0x1C680] =	vst v63  }
0x139: {  	_ =	swait.ge [sflag:s9], $0x4000  }
0x13a: {  	[sflag:s9] =	ssyncset.done $0x0  }
0x13b: {  	[sflag:s9] =	ssyncadd.s32 $0xFFFFC000  }
0x13c: {  	[spmem:s23] =	stream.linear.scatter [tilespmem:s28], [sflag:$0x2], $0x4000, $0x38;
	[tilespmem:$0x1C680] =	vst v63  }
0x13d: {  	_ =	swait.ge [sflag:s9], $0x4000  }
0x13e: {  	[sflag:s9] =	ssyncset.done $0x0  }
0x13f: {  	[sflag:s9] =	ssyncadd.s32 $0xFFFFC000  }
0x140: {  	[spmem:s24] =	stream.linear.scatter [tilespmem:s28], [sflag:$0x2], $0x4000, $0x38;
	[tilespmem:$0x1C680] =	vst v63  }
0x141: {  	_ =	swait.ge [sflag:s9], $0x4000  }
0x142: {  	[sflag:s9] =	ssyncset.done $0x0  }
0x143: {  	[sflag:s9] =	ssyncadd.s32 $0xFFFFC000  }
0x144: {  	[spmem:s25] =	stream.linear.scatter [tilespmem:s28], [sflag:$0x2], $0x4000, $0x38;
	[tilespmem:$0x1C680] =	vst v63  }
0x145: {  	_ =	swait.ge [sflag:s9], $0x4000  }
0x146: {  	[sflag:s9] =	ssyncset.done $0x0  }
0x147: {  	s22 =	simm.s32 $0x18400;
	[sflag:s9] =	ssyncadd.s32 $0xFFFFC000  }
0x148: {  	[spmem:s26] =	stream.linear.scatter [tilespmem:s22], [sflag:$0x2], $0x280, $0x38;
	[tilespmem:$0x1C680] =	vst v63  }
0x149: {  	_ =	swait.ge [sflag:s9], $0x280  }
0x14a: {  	[sflag:s9] =	ssyncset.done $0x0  }
0x14b: {  	[sflag:s9] =	ssyncadd.s32 $0xFFFFFD80  }
0x14c: {  	[bflag:$0x0] =	sbarrier.arrive $0xFFFF  }
0x14d: {  	s21 =	rddreg [dreg:$0x16]  }
0x14e: {  	[tilespmem:s16], [sflag:$0x2] =	stream.linear.gather [hbm4b:s21+s13], $0x80, $0x38;
	[tilespmem:$0x1C680] =	vst v63  }
0x14f: {  	_ =	swait.ge [sflag:s9], $0x80  }
0x150: {  	[sflag:s9] =	ssyncset.done $0x0  }
0x151: {  	s30 =	rddreg [dreg:$0x15];
	[sflag:s9] =	ssyncadd.s32 $0xFFFFFF80  }
0x152: {  	[tilespmem:s3], [sflag:$0x2] =	stream.linear.gather [hbm4b:s30+s13], $0x80, $0x38;
	[tilespmem:$0x1C680] =	vst v63  }
0x153: {  	_ =	swait.ge [sflag:s9], $0x80  }
0x154: {  	[sflag:s9] =	ssyncset.done $0x0  }
0x155: {  	[sflag:s9] =	ssyncadd.s32 $0xFFFFFF80  }
0x156: {  	[tilespmem:s11], [sflag:$0x1] =	stream.indirect.gather [hbm4b:s2+s10], $0x80, s16, s10, $0xb8;
	[tilespmem:$0x1C680] =	vst v63  }
0x157: {  	_ =	swait.ge [sflag:s12], $0x4000  }
0x158: {  	[sflag:s12] =	ssyncset.done $0x0  }
0x159: {  	[sflag:s12] =	ssyncadd.s32 $0xFFFFC000  }
0x15a: {  	[spmem:s4] =	stream.indirect.scatter.add.f32 [tilespmem:s11], [sflag:$0x2], $0x80, s3, s10, $0xb8;
	[tilespmem:$0x1C680] =	vst v63  }
0x15b: {  	_ =	swait.ge [sflag:s9], $0x4000  }
.Ltmp5:
0x15c: {  	[sflag:s9] =	ssyncset.done $0x0;
	(pc) =	sbr.rel @!p0 .LBB2_9-.Ltmp5, $4  }
0x15d: {  	[sflag:s9] =	ssyncadd.s32 $0xFFFFC000  }
0x15e: {  	[spmem:s19] =	stream.indirect.scatter.add.f32 [tilespmem:s5], [sflag:$0x2], $0x1, s3, s10, $0xb8;
	[tilespmem:$0x1C680] =	vst v63  }
0x15f: {  	_ =	swait.ge [sflag:s9], $0x80  }
0x160: {  	s29 =	sadd.s32 $0xFFFFFFFF, s20;
	[sflag:s9] =	ssyncset.done $0x0  }
.LBB2_8:
0x161: {  	[sflag:s9] =	ssyncadd.s32 $0xFFFFFF80;
	s30 =	sadd.s32 $0x100, s30;
	s21 =	sadd.s32 $0x100, s21  }
0x162: {  	[tilespmem:s16], [sflag:$0x2] =	stream.linear.gather [hbm4b:s21+s13], $0x80, $0x38;
	[tilespmem:$0x1C680] =	vst v63  }
0x163: {  	p0 =	sne.s32 s29, $0x1;
	s29 =	sadd.s32 $0xFFFFFFFF, s29;
	_ =	swait.ge [sflag:s9], $0x80  }
0x164: {  	[sflag:s9] =	ssyncset.done $0x0  }
0x165: {  	[sflag:s9] =	ssyncadd.s32 $0xFFFFFF80  }
0x166: {  	[tilespmem:s3], [sflag:$0x2] =	stream.linear.gather [hbm4b:s30+s13], $0x80, $0x38;
	[tilespmem:$0x1C680] =	vst v63  }
0x167: {  	_ =	swait.ge [sflag:s9], $0x80  }
0x168: {  	[sflag:s9] =	ssyncset.done $0x0  }
0x169: {  	[sflag:s9] =	ssyncadd.s32 $0xFFFFFF80  }
0x16a: {  	[tilespmem:s11], [sflag:$0x1] =	stream.indirect.gather [hbm4b:s2+s10], $0x80, s16, s10, $0xb8;
	[tilespmem:$0x1C680] =	vst v63  }
0x16b: {  	_ =	swait.ge [sflag:s12], $0x4000  }
0x16c: {  	[sflag:s12] =	ssyncset.done $0x0  }
0x16d: {  	[sflag:s12] =	ssyncadd.s32 $0xFFFFC000  }
0x16e: {  	[spmem:s4] =	stream.indirect.scatter.add.f32 [tilespmem:s11], [sflag:$0x2], $0x80, s3, s10, $0xb8;
	[tilespmem:$0x1C680] =	vst v63  }
0x16f: {  	_ =	swait.ge [sflag:s9], $0x4000  }
.Ltmp6:
0x170: {  	[sflag:s9] =	ssyncset.done $0x0;
	(pc) =	sbr.rel @p0 .LBB2_8-.Ltmp6, $4  }
0x171: {  	[sflag:s9] =	ssyncadd.s32 $0xFFFFC000  }
0x172: {  	[spmem:s19] =	stream.indirect.scatter.add.f32 [tilespmem:s5], [sflag:$0x2], $0x1, s3, s10, $0xb8;
	[tilespmem:$0x1C680] =	vst v63  }
0x173: {  	_ =	swait.ge [sflag:s9], $0x80  }
0x174: {  	[sflag:s9] =	ssyncset.done $0x0  }
.LBB2_9:
0x175: {  	[sflag:s9] =	ssyncadd.s32 $0xFFFFFF80  }
0x176: {  	[bflag:$0x0] =	sbarrier.arrive $0xFFFF  }
0x177: {  	s21 =	sld [smem:$0x7F8];
	_ =	sdelay $0x2  }
0x178: {  	[hbm:s21], [sflag:s31] =	dma.local [spmem:s6], $0x800  }
0x179: {  	_ =	swait.ge [sflag:s9], $0x800  }
0x17a: {  	s30 =	sld [smem:$0x7F9]  }
0x17b: {  	[sflag:s9] =	ssyncset.done $0x0  }
0x17c: {  	[sflag:s9] =	ssyncadd.s32 $0xFFFFF800  }
0x17d: {  	[hbm:s30], [sflag:s31] =	dma.local [spmem:s7], $0x800  }
0x17e: {  	_ =	swait.ge [sflag:s9], $0x800  }
0x17f: {  	s7 =	sld [smem:$0x7FA]  }
0x180: {  	[sflag:s9] =	ssyncset.done $0x0  }
0x181: {  	[sflag:s9] =	ssyncadd.s32 $0xFFFFF800  }
0x182: {  	[hbm:s7], [sflag:s31] =	dma.local [spmem:s14], $0x800  }
0x183: {  	_ =	swait.ge [sflag:s9], $0x800  }
0x184: {  	s14 =	sld [smem:$0x7FB]  }
0x185: {  	[sflag:s9] =	ssyncset.done $0x0  }
0x186: {  	[sflag:s9] =	ssyncadd.s32 $0xFFFFF800  }
0x187: {  	[hbm:s14], [sflag:s31] =	dma.local [spmem:s15], $0x800  }
0x188: {  	_ =	swait.ge [sflag:s9], $0x800  }
0x189: {  	s21 =	sld [smem:$0x7FC]  }
0x18a: {  	[sflag:s9] =	ssyncset.done $0x0  }
0x18b: {  	[sflag:s9] =	ssyncadd.s32 $0xFFFFF800  }
0x18c: {  	[hbm:s21], [sflag:s31] =	dma.local [spmem:s17], $0x800  }
0x18d: {  	_ =	swait.ge [sflag:s9], $0x800  }
0x18e: {  	s29 =	simm.s32 $0x20;
	[sflag:s9] =	ssyncset.done $0x0  }
0x18f: {  	s30 =	simm.s32 $0x10;
	s22 =	rddreg [dreg:$0x12];
	[sflag:s9] =	ssyncadd.s32 $0xFFFFF800  }
0x190: {  	[hbm:s22@s29], [sflag:s31] =	dma.strided [spmem:s18@s30], $0x50, s12, $0x10   }
0x191: {  	_ =	swait.ge [sflag:s9], $0x50  }
0x192: {  	s8 =	sadd.s32 $0x1, s8;
	s31 =	rddreg [dreg:$0x18]  }
0x193: {  	p0 =	sne.s32 s8, s31  }
.Ltmp7:
0x194: {  	_ = 	snop;
	(pc) =	sbr.rel @p0 .LBB2_1-.Ltmp7, $3  }
0x195: {  	[sflag:s9] =	ssyncset.done $0x0  }
0x196: {  	[sflag:s9] =	ssyncadd.s32 $0xFFFFFFB0  }
0x197: {  	[bflag:$0x0] =	sbarrier.arrive $0xFFFF;
	_ =	sdelay $0x1  }
0x198: {  	_ =	sfence.sel $0x180000  }
0x199: {  	[bflag:$0x0] =	sbarrier.arrive $0xFFFF  }
0x19a: {  	_ =	strace $0x90000047  }
0x19b: {  	s0 =	stileid.u32;
	[bflag:$0x2] =	sbarrier.arrive $0xFFFF  }
0x19c: {  	p0 =	sne.s32 s0, $0x0;
	s0 =	rddreg [dreg:$0xa]  }
0x19d: {  	s0 =	sadd.s32 @!p0 $0x100000, s0  }
0x19e: {  	[sflag:s0] =	ssyncadd.tile.s32 @!p0 $0x1;
	_ =	shalt  }
.Lfunc_end2:
_tile_overlayer_lowered:
.L_overlay_start_2:
0x19f: {  	(tag) =	ssettag $0x2  }
0x1a0: {  	s0 =	rddreg [dreg:$0x0];
	s2 =	stileid.u32  }
0x1a1: {  	s1 =	rddreg [dreg:$0x1];
	p0 =	sne.s32 s2, $0x0  }
0x1a2: {  	s3 =	rddreg [dreg:$0x2];
	[bflag:$0x3] =	sbarrier.arrive $0xFFFF;
	s2 =	simm.s32 @!p0 $0x1C02  }
0x1a3: {  	[timem:s3], [sflag:s2] =	dma.local @!p0 [hbm:s0], s1  }
0x1a4: {  	s0 =	simm.s32 @!p0 $0x2  }
0x1a5: {  	_ =	swait.ge @!p0 [sflag:s0], s1  }
0x1a6: {  	s1 =	ssub.s32 @!p0 $0x0, s1;
	[sflag:s0] =	ssyncset.done @!p0 $0x0  }
0x1a7: {  	[sflag:s0] =	ssyncadd.s32 @!p0 s1  }
0x1a8: {  	[bflag:$0x3] =	sbarrier.arrive $0xFFFF  }
0x1a9: {  	_ =	shalt  }

</sc_bundles>
